<compile_context>
chip_gen: v7x
topology: tpu7x:2x2x1
jax: 0.10.2.dev20260603
libtpu: 0.0.44.dev20260713+nightly
codegen_flags: <defaults>
</compile_context>

<pallas_src>
import functools

import jax
import jax.numpy as jnp
from jax import lax
from jax.experimental import pallas as pl
from jax.experimental.pallas import tpu as pltpu
from jax.experimental.pallas import tpu_sc as plsc

N = 10000
E = 320000
DH = 128
WP = 384
L = 1024
NC = 2
NS = 16
EP = E // NS
CH = 80
NCH = EP // CH
LPT = L // NS

_f32 = jnp.float32



def _sc_mesh():
    return plsc.VectorSubcoreMesh(
        core_axis_name="c", subcore_axis_name="s", num_cores=NC, num_subcores=NS
    )


def _hist_body(ei_ref, q_ref, z_ref, ones_ref, out_ref, src_v, dst_v, qrow_v,
               src_v1, dst_v1, qrow_v1, one_v, acc_sh, sem, sem1):
    cid = lax.axis_index("c")
    sid = lax.axis_index("s")
    pl.when(sid == 0)(lambda: pltpu.sync_copy(z_ref, acc_sh))
    pltpu.sync_copy(ones_ref, one_v)
    plsc.subcore_barrier()
    ebase = cid * (2 * E) + sid * EP

    def pair(i, carry):
        j0 = 2 * i
        off0 = ebase + j0 * CH
        off1 = off0 + CH
        q0 = sid * EP + j0 * CH
        d0a = pltpu.async_copy(ei_ref.at[pl.ds(off0, CH)], src_v, sem)
        d0b = pltpu.async_copy(ei_ref.at[pl.ds(off0 + E, CH)], dst_v, sem)
        d0c = pltpu.async_copy(q_ref.at[cid, pl.ds(q0, CH)], qrow_v, sem)
        d1a = pltpu.async_copy(ei_ref.at[pl.ds(off1, CH)], src_v1, sem1)
        d1b = pltpu.async_copy(ei_ref.at[pl.ds(off1 + E, CH)], dst_v1, sem1)
        d1c = pltpu.async_copy(q_ref.at[cid, pl.ds(q0 + CH, CH)], qrow_v1,
                               sem1)
        d0a.wait()
        d0b.wait()
        d0c.wait()
        pltpu.sync_copy(one_v, acc_sh.at[src_v], add=True)
        pltpu.sync_copy(qrow_v, acc_sh.at[dst_v], add=True)
        d1a.wait()
        d1b.wait()
        d1c.wait()
        pltpu.sync_copy(one_v, acc_sh.at[src_v1], add=True)
        pltpu.sync_copy(qrow_v1, acc_sh.at[dst_v1], add=True)
        return carry

    lax.fori_loop(0, NCH // 2, pair, 0)
    plsc.subcore_barrier()
    pl.when(sid == 0)(lambda: pltpu.sync_copy(acc_sh, out_ref.at[cid]))


_hist = pl.kernel(
    _hist_body,
    out_type=jax.ShapeDtypeStruct((NC, N, 8), _f32),
    mesh=_sc_mesh(),
    scratch_types=[
        pltpu.VMEM((CH,), jnp.int32),
        pltpu.VMEM((CH,), jnp.int32),
        pltpu.VMEM((CH, 8), _f32),
        pltpu.VMEM((CH,), jnp.int32),
        pltpu.VMEM((CH,), jnp.int32),
        pltpu.VMEM((CH, 8), _f32),
        pltpu.VMEM((CH, 8), _f32),
        pltpu.VMEM_SHARED((N, 8), _f32),
        pltpu.SemaphoreType.DMA,
        pltpu.SemaphoreType.DMA,
    ],
)


def _seg_body(y_ref, ei_ref, base_ref, out_ref, src_v, dst_v, src_v1, dst_v1,
              src_v2, dst_v2, src_v3, dst_v3, rows_v, rows_v1, rows_v2,
              rows_v3, acc_sh, sem, sem1, sem2, sem3, semg, semg1, semg2,
              semg3):
    cid = lax.axis_index("c")
    sid = lax.axis_index("s")
    pl.when(sid == 0)(lambda: pltpu.sync_copy(base_ref.at[cid], acc_sh))
    plsc.subcore_barrier()
    ebase = cid * (2 * E) + sid * EP

    srcs = [src_v, src_v1, src_v2, src_v3]
    dsts = [dst_v, dst_v1, dst_v2, dst_v3]
    rows = [rows_v, rows_v1, rows_v2, rows_v3]
    isems = [sem, sem1, sem2, sem3]
    gsems = [semg, semg1, semg2, semg3]

    def sweep(start_chunk, carry, nb=4):
        off = ebase + start_chunk * CH
        iws = []
        for b in range(nb):
            iws.append(pltpu.async_copy(
                ei_ref.at[pl.ds(off + b * CH, CH)], srcs[b], isems[b]))
            iws.append(pltpu.async_copy(
                ei_ref.at[pl.ds(off + b * CH + E, CH)], dsts[b], isems[b]))
        gws = []
        for b in range(nb):
            iws[2 * b].wait()
            iws[2 * b + 1].wait()
            gws.append(pltpu.async_copy(y_ref.at[srcs[b]], rows[b], gsems[b]))
        sws = []
        for b in range(nb):
            gws[b].wait()
            sws.append(pltpu.async_copy(
                rows[b], acc_sh.at[dsts[b]], gsems[b], add=True))
        for b in range(nb):
            sws[b].wait()
        return carry

    lax.fori_loop(0, NCH // 4, lambda i, c: sweep(i * 4, c), 0)
    sweep((NCH // 4) * 4, 0, nb=2)
    plsc.subcore_barrier()
    pl.when(sid == 0)(lambda: pltpu.sync_copy(acc_sh, out_ref.at[cid]))


_segsum = pl.kernel(
    _seg_body,
    out_type=jax.ShapeDtypeStruct((NC, N, DH), _f32),
    mesh=_sc_mesh(),
    scratch_types=(
        [pltpu.VMEM((CH,), jnp.int32)] * 8
        + [pltpu.VMEM((CH, DH), _f32)] * 4
        + [pltpu.VMEM_SHARED((N, DH), _f32)]
        + [pltpu.SemaphoreType.DMA] * 8
    ),
)


def _gather_body(h_ref, labs_ref, out_ref, lab_v, rows_v, sem):
    cid = lax.axis_index("c")
    sid = lax.axis_index("s")
    pltpu.sync_copy(labs_ref.at[pl.ds(cid * L + sid * LPT, LPT)], lab_v)
    pltpu.async_copy(h_ref.at[lab_v], rows_v, sem).wait()
    pltpu.sync_copy(
        rows_v, out_ref.at[pl.ds(sid * LPT, LPT), pl.ds(cid * DH, DH)]
    )


_gather_merge = pl.kernel(
    _gather_body,
    out_type=jax.ShapeDtypeStruct((L, 2 * DH), _f32),
    mesh=_sc_mesh(),
    scratch_types=[
        pltpu.VMEM((LPT,), jnp.int32),
        pltpu.VMEM((LPT, DH), _f32),
        pltpu.SemaphoreType.DMA,
    ],
)



BM = 400


def _dense_kernel_body(x_ref, w_ref, b_ref, f_ref, s_ref, *, relu_in):
    x = x_ref[0]
    if relu_in:
        x = jnp.maximum(x, 0.0)
    res = jnp.dot(x, w_ref[0], preferred_element_type=_f32) + b_ref[0]
    f_ref[0] = res[:, 0:256]
    s_ref[0] = res[:, 256:264]


def _dense(xs, w, b, relu_in):
    return pl.pallas_call(
        functools.partial(_dense_kernel_body, relu_in=relu_in),
        grid=(2, N // BM),
        in_specs=[
            pl.BlockSpec((1, BM, DH), lambda g, i: (g, i, 0)),
            pl.BlockSpec((1, DH, WP), lambda g, i: (g, 0, 0)),
            pl.BlockSpec((1, 1, WP), lambda g, i: (g, 0, 0)),
        ],
        out_specs=[
            pl.BlockSpec((1, BM, 256), lambda g, i: (g, i, 0)),
            pl.BlockSpec((1, BM, 8), lambda g, i: (g, i, 0)),
        ],
        out_shape=[
            jax.ShapeDtypeStruct((2, N, 256), _f32),
            jax.ShapeDtypeStruct((2, N, 8), _f32),
        ],
    )(xs, w, b)


def _q_kernel_body(ea_ref, w_ref, b_ref, o_ref):
    o_ref[...] = (
        jnp.dot(ea_ref[...], w_ref[...], preferred_element_type=_f32)
        + b_ref[...]
    )


BE = 16000


def _edge_scalars(ea, w8, b8):
    return pl.pallas_call(
        _q_kernel_body,
        grid=(E // BE,),
        in_specs=[
            pl.BlockSpec((BE, 16), lambda i: (i, 0)),
            pl.BlockSpec((16, 8), lambda i: (0, 0)),
            pl.BlockSpec((1, 8), lambda i: (0, 0)),
        ],
        out_specs=pl.BlockSpec((BE, 8), lambda i: (i, 0)),
        out_shape=jax.ShapeDtypeStruct((E, 8), _f32),
    )(ea, w8, b8)


def _stats_kernel_body(s_ref, dc_ref, o_ref):
    s = s_ref[0][:, 0:3]
    l = jnp.where(s >= 0, s, 0.2 * s)
    m = jnp.max(l, axis=0, keepdims=True)
    ex = jnp.exp(l - m)
    deg = dc_ref[0][:, 0:1]
    z = jnp.sum(ex * (deg + 1.0), axis=0, keepdims=True)
    o_ref[0] = jnp.concatenate(
        [m, z, jnp.zeros((1, 2), _f32)], axis=1
    )


def _stats(s8, dc):
    return pl.pallas_call(
        _stats_kernel_body,
        grid=(2,),
        in_specs=[
            pl.BlockSpec((1, N, 8), lambda g: (g, 0, 0)),
            pl.BlockSpec((1, N, 8), lambda g: (g, 0, 0)),
        ],
        out_specs=pl.BlockSpec((1, 1, 8), lambda g: (g, 0, 0)),
        out_shape=jax.ShapeDtypeStruct((2, 1, 8), _f32),
    )(s8, dc)


BG = 2000


def _glue_kernel_body(f_ref, s_ref, dc_ref, st_ref, bias_ref,
                      y_ref, base_ref, *, ccol):
    s = s_ref[0][:, 0:3]
    l = jnp.where(s >= 0, s, 0.2 * s)
    st = st_ref[0]
    m = st[:, 0:3]
    z = st[:, 3:6]
    ex = jnp.exp(l - m)
    w3 = jnp.sum(ex / z, axis=1, keepdims=True) * (1.0 / 3.0)
    f = f_ref[0]
    xn = f[:, 128:256]
    y = xn * w3
    dc = dc_ref[0]
    c = dc[:, ccol:ccol + 1]
    base = f[:, 0:128] + y + bias_ref[0] + c * (1.0 / 20.0)
    y_ref[0] = y
    base_ref[0] = base


def _glue(f, s8, dc, bias, ccol):
    st = _stats(s8, dc)
    return pl.pallas_call(
        functools.partial(_glue_kernel_body, ccol=ccol),
        grid=(2, N // BG),
        in_specs=[
            pl.BlockSpec((1, BG, 256), lambda g, i: (g, i, 0)),
            pl.BlockSpec((1, BG, 8), lambda g, i: (g, i, 0)),
            pl.BlockSpec((1, BG, 8), lambda g, i: (g, i, 0)),
            pl.BlockSpec((1, 1, 8), lambda g, i: (g, 0, 0)),
            pl.BlockSpec((1, 1, DH), lambda g, i: (g, 0, 0)),
        ],
        out_specs=[
            pl.BlockSpec((1, BG, DH), lambda g, i: (g, i, 0)),
            pl.BlockSpec((1, BG, DH), lambda g, i: (g, i, 0)),
        ],
        out_shape=[
            jax.ShapeDtypeStruct((2, N, DH), _f32),
            jax.ShapeDtypeStruct((2, N, DH), _f32),
        ],
    )(f, s8, dc, st, bias)


def _fc_kernel_body(m_ref, w1_ref, b1_ref, w2_ref, b2_ref, o_ref):
    h = jnp.maximum(
        jnp.dot(m_ref[...], w1_ref[...], preferred_element_type=_f32)
        + b1_ref[...],
        0.0,
    )
    o_ref[...] = (
        jnp.dot(h, w2_ref[...], preferred_element_type=_f32) + b2_ref[...]
    )


def _fc(merged, w1, b1, w2, b2):
    return pl.pallas_call(
        _fc_kernel_body,
        out_shape=jax.ShapeDtypeStruct((L, 64), _f32),
    )(merged, w1, b1, w2, b2)



def _densify(p):
    wa = jnp.concatenate([p['Wa1'], p['Wa2'], p['Wa3']], 0)
    ba = jnp.concatenate([p['ba1'], p['ba2'], p['ba3']])
    wacomb = wa @ p['W_neigh']
    sb = wa @ p['b_neigh'] + ba
    din = p['W_self'].shape[1]
    wc = jnp.concatenate(
        [p['W_self'], p['W_neigh'], wacomb, jnp.zeros((WP - 259, din), _f32)],
        axis=0,
    )
    bv = jnp.concatenate(
        [p['b_self'], p['b_neigh'], sb, jnp.zeros((WP - 259,), _f32)]
    )
    return wc.T, bv


def kernel(x_l, edge_index_l, edge_attr_l, x_r, edge_index_r, edge_attr_r,
           labels, params):
    p = params

    w1l, b1l = _densify(p['conv1_l'])
    w1r, b1r = _densify(p['conv1_r'])
    w2l, b2l = _densify(p['conv2_l'])
    w2r, b2r = _densify(p['conv2_r'])
    w1 = jnp.stack([w1l, w1r])
    b1 = jnp.stack([b1l, b1r])[:, None, :]
    w2 = jnp.stack([w2l, w2r])
    b2 = jnp.stack([b2l, b2r])[:, None, :]
    def qself(pg):
        return jnp.sum(pg['W_edge']) + pg['b_edge'][0]

    def out_bias(pgl, pgr):
        return jnp.stack([
            pgl['bias'] + qself(pgl) * (1.0 / 20.0),
            pgr['bias'] + qself(pgr) * (1.0 / 20.0),
        ])[:, None, :]

    bias1 = out_bias(p['conv1_l'], p['conv1_r'])
    bias2 = out_bias(p['conv2_l'], p['conv2_r'])

    def edge_w(pg1, pg2):
        w8 = jnp.zeros((16, 8), _f32)
        w8 = w8.at[:, 1].set(pg1['W_edge'][0])
        w8 = w8.at[:, 2].set(pg2['W_edge'][0])
        b8 = jnp.zeros((1, 8), _f32)
        b8 = b8.at[0, 1].set(pg1['b_edge'][0])
        b8 = b8.at[0, 2].set(pg2['b_edge'][0])
        return w8, b8

    w8l, b8l = edge_w(p['conv1_l'], p['conv2_l'])
    w8r, b8r = edge_w(p['conv1_r'], p['conv2_r'])

    xs = jnp.stack([x_l, x_r])
    ei = jnp.concatenate([
        edge_index_l[0], edge_index_l[1],
        edge_index_r[0], edge_index_r[1],
    ])
    ei_g = jnp.concatenate([
        edge_index_l[0], edge_index_l[1],
        edge_index_r[0] + N, edge_index_r[1],
    ])
    labs = jnp.concatenate([labels[:, 0], labels[:, 1] + N])

    q_rows = jnp.stack([
        _edge_scalars(edge_attr_l, w8l, b8l),
        _edge_scalars(edge_attr_r, w8r, b8r),
    ])
    zrows = jnp.zeros((N, 8), _f32)
    onerows = jnp.zeros((CH, 8), _f32).at[:, 0].set(1.0)
    dc = _hist(ei, q_rows, zrows, onerows)

    f1, s1 = _dense(xs, w1, b1, relu_in=False)
    y1, base1 = _glue(f1, s1, dc, bias1, ccol=1)
    h1 = _segsum(y1.reshape(2 * N, DH), ei_g, base1)

    f2, s2 = _dense(h1, w2, b2, relu_in=True)
    y2, base2 = _glue(f2, s2, dc, bias2, ccol=2)
    h2 = _segsum(y2.reshape(2 * N, DH), ei_g, base2)

    merged = _gather_merge(h2.reshape(2 * N, DH), labs)
    return _fc(
        merged,
        p['fc1_W'].T, p['fc1_b'][None],
        p['fc2_W'].T, p['fc2_b'][None],
    )

# --- scband reference (transcript-rebuilt; emitter-appended) ---
"""Pipeline reference for scband-s2-gat-37074157699770 (READ-ONLY COPY).

The authoritative reference and input builder live on the scoring server;
editing this copy changes nothing except your own understanding.
"""

import jax, jax.numpy as jnp
import numpy as np

N = 10000
E = 320000
D_IN = 128
D_EDGE = 16
HID = 128
OUT = 64
L = 1024


def _linear(x, W, b):
    return x @ W.T + b


def _mhgat_params(key, in_c, out_c, edge_c):
    ks = jax.random.split(key, 6)
    s = 0.02
    return {
        'W_self': jax.random.normal(ks[0], (out_c, in_c), jnp.float32) * s,
        'b_self': jnp.zeros((out_c,), jnp.float32),
        'W_neigh': jax.random.normal(ks[1], (out_c, in_c), jnp.float32) * s,
        'b_neigh': jnp.zeros((out_c,), jnp.float32),
        'W_edge': jax.random.normal(ks[2], (1, edge_c), jnp.float32) * s,
        'b_edge': jnp.zeros((1,), jnp.float32),
        'Wa1': jax.random.normal(ks[3], (1, out_c), jnp.float32) * s,
        'ba1': jnp.zeros((1,), jnp.float32),
        'Wa2': jax.random.normal(ks[4], (1, out_c), jnp.float32) * s,
        'ba2': jnp.zeros((1,), jnp.float32),
        'Wa3': jax.random.normal(ks[5], (1, out_c), jnp.float32) * s,
        'ba3': jnp.zeros((1,), jnp.float32),
        'bias': jnp.zeros((out_c,), jnp.float32),
    }


def _mhgat(x, edge_index, edge_attr, p):
    n = x.shape[0]
    loop = jnp.arange(n, dtype=edge_index.dtype)
    ei = jnp.concatenate([edge_index, jnp.stack([loop, loop])], axis=1)
    ea = jnp.concatenate([edge_attr, jnp.ones((n, edge_attr.shape[1]), edge_attr.dtype)], axis=0)
    self_feat = _linear(x, p['W_self'], p['b_self'])
    x_j = x[ei[0]]
    neigh = _linear(x_j, p['W_neigh'], p['b_neigh'])
    edge_feat = _linear(ea, p['W_edge'], p['b_edge'])  # [E+N, 1]

    def head(W, b):
        a = _linear(neigh, W, b)
        a = jax.nn.leaky_relu(a, 0.2)
        return jax.nn.softmax(a, axis=0)  # global softmax over all edges, as in the torch code

    att = head(p['Wa1'], p['ba1']) + head(p['Wa2'], p['ba2']) + head(p['Wa3'], p['ba3'])
    msg = neigh * att / 3.0 + edge_feat * (1.0 / 20.0)
    agg = jax.ops.segment_sum(msg, ei[1], num_segments=n)
    return self_feat + agg + p['bias']


def _forward(x_l, edge_index_l, edge_attr_l, x_r, edge_index_r, edge_attr_r, labels, params):
    hl = jax.nn.relu(_mhgat(x_l, edge_index_l, edge_attr_l, params['conv1_l']))
    # dropout is identity in eval mode
    hl = _mhgat(hl, edge_index_l, edge_attr_l, params['conv2_l'])
    hr = jax.nn.relu(_mhgat(x_r, edge_index_r, edge_attr_r, params['conv1_r']))
    hr = _mhgat(hr, edge_index_r, edge_attr_r, params['conv2_r'])
    merged = jnp.concatenate([hl[labels[:, 0]], hr[labels[:, 1]]], axis=1)  # merge_graphs
    h = jax.nn.relu(_linear(merged, params['fc1_W'], params['fc1_b']))
    return _linear(h, params['fc2_W'], params['fc2_b'])


def setup_inputs(seed: int = 0) -> dict:
    key = jax.random.key(seed)
    ks = jax.random.split(key, 16)
    x_l = jax.random.normal(ks[0], (N, D_IN), jnp.float32)
    edge_index_l = jax.random.randint(ks[1], (2, E), 0, N, jnp.int32)
    edge_attr_l = jax.random.normal(ks[2], (E, D_EDGE), jnp.float32)
    x_r = jax.random.normal(ks[3], (N, D_IN), jnp.float32)
    edge_index_r = jax.random.randint(ks[4], (2, E), 0, N, jnp.int32)
    edge_attr_r = jax.random.normal(ks[5], (E, D_EDGE), jnp.float32)
    labels = jax.random.randint(ks[6], (L, 3), 0, N, jnp.int32)
    params = {
        'conv1_l': _mhgat_params(ks[7], D_IN, HID, D_EDGE),
        'conv2_l': _mhgat_params(ks[8], HID, HID, D_EDGE),
        'conv1_r': _mhgat_params(ks[9], D_IN, HID, D_EDGE),
        'conv2_r': _mhgat_params(ks[10], HID, HID, D_EDGE),
        'fc1_W': jax.random.normal(ks[11], (HID, HID * 2), jnp.float32) * 0.02,
        'fc1_b': jnp.zeros((HID,), jnp.float32),
        'fc2_W': jax.random.normal(ks[12], (OUT, HID), jnp.float32) * 0.02,
        'fc2_b': jnp.zeros((OUT,), jnp.float32),
    }
    return {'x_l': x_l, 'edge_index_l': edge_index_l, 'edge_attr_l': edge_attr_l,
            'x_r': x_r, 'edge_index_r': edge_index_r, 'edge_attr_r': edge_attr_r,
            'labels': labels, 'params': params}


def reference(x_l, edge_index_l, edge_attr_l, x_r, edge_index_r, edge_attr_r, labels, params):
    return _forward(x_l, edge_index_l, edge_attr_l, x_r, edge_index_r, edge_attr_r, labels, params)

if __name__ == "__main__":
    import jax
    _d = setup_inputs()
    print(jax.jit(kernel)(*tuple(_d.values())))

</pallas_src>

<mosaic_0001>
#map = affine_map<(d0, d1) -> (0, 0)>
#map1 = affine_map<(d0, d1) -> (0)>
module attributes {stable_mosaic.version = 14 : i64} {
  func.func @_gather_body(%arg0: i32, %arg1: i32, %arg2: memref<20000x128xf32, #tpu.memory_space<hbm>>, %arg3: memref<2048xi32, #tpu.memory_space<hbm>>, %arg4: memref<1024x256xf32, #tpu.memory_space<hbm>>, %arg5: memref<64xi32, #tpu.memory_space<vmem>>, %arg6: memref<64x128xf32, #tpu.memory_space<vmem>>, %arg7: memref<!tpu.dma_semaphore, #tpu.memory_space<semaphore_mem>>) attributes {dimension_semantics = [#tpu.dimension_semantics<core_parallel>, #tpu.dimension_semantics<subcore_parallel>], iteration_bounds = array<i64: 2, 16>, scalar_prefetch = 0 : i64, scratch_operands = 3 : i64, tpu.core_type = #tpu.core_type<sc_vector_subcore>, window_params = [{transform_indices = #map}, {transform_indices = #map1}, {transform_indices = #map}]} {
    %mul3A = arith.constant 1024 : i32
    %mul3A_0 = arith.muli %arg0, %mul3A : i32
    %mul3A_1 = arith.constant 64 : i32
    %mul3A_2 = arith.muli %arg1, %mul3A_1 : i32
    %add3A = arith.addi %mul3A_0, %mul3A_2 : i32
    "tpu.region"() ({
      %run_scoped3A = tpu.sem_alloc : memref<!tpu.dma_semaphore, #tpu.memory_space<semaphore_mem>>
      %dma_start3A_11 = tpu.memref_slice %arg3[%add3A] : memref<2048xi32, #tpu.memory_space<hbm>> -> memref<64xi32, #tpu.memory_space<hbm>>
      %dma_start3A_12 = tpu.memref_slice %arg3[%add3A] : memref<2048xi32, #tpu.memory_space<hbm>> -> memref<64xi32, #tpu.memory_space<hbm>>
      tpu.enqueue_dma source(%dma_start3A_12 : memref<64xi32, #tpu.memory_space<hbm>>) target(%arg5 : memref<64xi32, #tpu.memory_space<vmem>>) target_semaphore(%run_scoped3A : memref<!tpu.dma_semaphore, #tpu.memory_space<semaphore_mem>>)
      %dma_wait3A_13 = tpu.memref_slice %arg3[%add3A] : memref<2048xi32, #tpu.memory_space<hbm>> -> memref<64xi32, #tpu.memory_space<hbm>>
      %dma_wait3A_14 = tpu.memref_slice %arg3[%add3A] : memref<2048xi32, #tpu.memory_space<hbm>> -> memref<64xi32, #tpu.memory_space<hbm>>
      tpu.wait_dma2 semaphore(%run_scoped3A : memref<!tpu.dma_semaphore, #tpu.memory_space<semaphore_mem>>) src(%dma_wait3A_14 : memref<64xi32, #tpu.memory_space<hbm>>) dst(%arg5 : memref<64xi32, #tpu.memory_space<vmem>>)
      tpu.yield
    }) : () -> ()
    %dma_start3A = arith.constant 0 : i32
    %dma_start3A_3 = arith.constant 0 : i32
    %dma_start3A_4 = tpu.memref_slice %arg2[%dma_start3A, %dma_start3A_3] : memref<20000x128xf32, #tpu.memory_space<hbm>> -> memref<20000x128xf32, #tpu.memory_space<hbm>>
    tpu.enqueue_indirect_dma source(%dma_start3A_4 : memref<20000x128xf32, #tpu.memory_space<hbm>>) target(%arg6 : memref<64x128xf32, #tpu.memory_space<vmem>>) offsets(%arg5 : memref<64xi32, #tpu.memory_space<vmem>>) semaphore(%arg7 : memref<!tpu.dma_semaphore, #tpu.memory_space<semaphore_mem>>)
    %dma_wait3A = arith.constant 0 : i32
    %dma_wait3A_5 = arith.constant 0 : i32
    %dma_wait3A_6 = tpu.memref_slice %arg2[%dma_wait3A, %dma_wait3A_5] : memref<20000x128xf32, #tpu.memory_space<hbm>> -> memref<20000x128xf32, #tpu.memory_space<hbm>>
    tpu.wait_indirect_dma semaphore(%arg7 : memref<!tpu.dma_semaphore, #tpu.memory_space<semaphore_mem>>) src(%dma_wait3A_6 : memref<20000x128xf32, #tpu.memory_space<hbm>>) dst(%arg6 : memref<64x128xf32, #tpu.memory_space<vmem>>)
    %mul3A_7 = arith.constant 64 : i32
    %mul3A_8 = arith.muli %arg1, %mul3A_7 : i32
    %mul3A_9 = arith.constant 128 : i32
    %mul3A_10 = arith.muli %arg0, %mul3A_9 : i32
    "tpu.region"() ({
      %run_scoped3A = tpu.sem_alloc : memref<!tpu.dma_semaphore, #tpu.memory_space<semaphore_mem>>
      %dma_start3A_11 = tpu.memref_slice %arg4[%mul3A_8, %mul3A_10] : memref<1024x256xf32, #tpu.memory_space<hbm>> -> memref<64x128xf32, #tpu.memory_space<hbm>>
      %dma_start3A_12 = tpu.memref_slice %arg4[%mul3A_8, %mul3A_10] : memref<1024x256xf32, #tpu.memory_space<hbm>> -> memref<64x128xf32, #tpu.memory_space<hbm>>
      tpu.enqueue_dma source(%arg6 : memref<64x128xf32, #tpu.memory_space<vmem>>) target(%dma_start3A_12 : memref<64x128xf32, #tpu.memory_space<hbm>>) target_semaphore(%run_scoped3A : memref<!tpu.dma_semaphore, #tpu.memory_space<semaphore_mem>>)
      %dma_wait3A_13 = tpu.memref_slice %arg4[%mul3A_8, %mul3A_10] : memref<1024x256xf32, #tpu.memory_space<hbm>> -> memref<64x128xf32, #tpu.memory_space<hbm>>
      %dma_wait3A_14 = tpu.memref_slice %arg4[%mul3A_8, %mul3A_10] : memref<1024x256xf32, #tpu.memory_space<hbm>> -> memref<64x128xf32, #tpu.memory_space<hbm>>
      tpu.wait_dma2 semaphore(%run_scoped3A : memref<!tpu.dma_semaphore, #tpu.memory_space<semaphore_mem>>) src(%arg6 : memref<64x128xf32, #tpu.memory_space<vmem>>) dst(%dma_wait3A_14 : memref<64x128xf32, #tpu.memory_space<hbm>>)
      tpu.yield
    }) : () -> ()
    return
  }
}

#map = affine_map<(d0, d1) -> (0, 0)>
#map1 = affine_map<(d0, d1) -> (0)>
#map2 = affine_map<(d0, d1) -> (0, 0, 0)>
module attributes {stable_mosaic.version = 14 : i64} {
  func.func @_seg_body(%arg0: i32, %arg1: i32, %arg2: memref<20000x128xf32, #tpu.memory_space<hbm>>, %arg3: memref<1280000xi32, #tpu.memory_space<hbm>>, %arg4: memref<2x10000x128xf32, #tpu.memory_space<hbm>>, %arg5: memref<2x10000x128xf32, #tpu.memory_space<hbm>>, %arg6: memref<80xi32, #tpu.memory_space<vmem>>, %arg7: memref<80xi32, #tpu.memory_space<vmem>>, %arg8: memref<80xi32, #tpu.memory_space<vmem>>, %arg9: memref<80xi32, #tpu.memory_space<vmem>>, %arg10: memref<80xi32, #tpu.memory_space<vmem>>, %arg11: memref<80xi32, #tpu.memory_space<vmem>>, %arg12: memref<80xi32, #tpu.memory_space<vmem>>, %arg13: memref<80xi32, #tpu.memory_space<vmem>>, %arg14: memref<80x128xf32, #tpu.memory_space<vmem>>, %arg15: memref<80x128xf32, #tpu.memory_space<vmem>>, %arg16: memref<80x128xf32, #tpu.memory_space<vmem>>, %arg17: memref<80x128xf32, #tpu.memory_space<vmem>>, %arg18: memref<10000x128xf32, #tpu.memory_space<vmem_shared>>, %arg19: memref<!tpu.dma_semaphore, #tpu.memory_space<semaphore_mem>>, %arg20: memref<!tpu.dma_semaphore, #tpu.memory_space<semaphore_mem>>, %arg21: memref<!tpu.dma_semaphore, #tpu.memory_space<semaphore_mem>>, %arg22: memref<!tpu.dma_semaphore, #tpu.memory_space<semaphore_mem>>, %arg23: memref<!tpu.dma_semaphore, #tpu.memory_space<semaphore_mem>>, %arg24: memref<!tpu.dma_semaphore, #tpu.memory_space<semaphore_mem>>, %arg25: memref<!tpu.dma_semaphore, #tpu.memory_space<semaphore_mem>>, %arg26: memref<!tpu.dma_semaphore, #tpu.memory_space<semaphore_mem>>) attributes {dimension_semantics = [#tpu.dimension_semantics<core_parallel>, #tpu.dimension_semantics<subcore_parallel>], iteration_bounds = array<i64: 2, 16>, scalar_prefetch = 0 : i64, scratch_operands = 21 : i64, tpu.core_type = #tpu.core_type<sc_vector_subcore>, window_params = [{transform_indices = #map}, {transform_indices = #map1}, {transform_indices = #map2}, {transform_indices = #map2}]} {
    %eq3A = arith.constant 0 : i32
    %eq3A_0 = arith.cmpi eq, %arg1, %eq3A : i32
    %convert_element_type3A = arith.extui %eq3A_0 : i1 to i32
    %cond3A = arith.constant 0 : i32
    %cond3A_1 = arith.cmpi ne, %convert_element_type3A, %cond3A : i32
    scf.if %cond3A_1 {
      "tpu.region"() ({
        %run_scoped3A = tpu.sem_alloc : memref<!tpu.dma_semaphore, #tpu.memory_space<semaphore_mem>>
        %dma_start3A_68 = arith.constant 0 : i32
        %dma_start3A_69 = arith.constant 0 : i32
        %dma_start3A_70 = tpu.memref_slice %arg4[%arg0, %dma_start3A_68, %dma_start3A_69] : memref<2x10000x128xf32, #tpu.memory_space<hbm>> -> memref<1x10000x128xf32, #tpu.memory_space<hbm>>
        %dma_start3A_71 = tpu.memref_squeeze %dma_start3A_70 : memref<1x10000x128xf32, #tpu.memory_space<hbm>> -> memref<10000x128xf32, #tpu.memory_space<hbm>>
        tpu.enqueue_dma source(%dma_start3A_71 : memref<10000x128xf32, #tpu.memory_space<hbm>>) target(%arg18 : memref<10000x128xf32, #tpu.memory_space<vmem_shared>>) target_semaphore(%run_scoped3A : memref<!tpu.dma_semaphore, #tpu.memory_space<semaphore_mem>>)
        %dma_wait3A_72 = arith.constant 0 : i32
        %dma_wait3A_73 = arith.constant 0 : i32
        %dma_wait3A_74 = tpu.memref_slice %arg4[%arg0, %dma_wait3A_72, %dma_wait3A_73] : memref<2x10000x128xf32, #tpu.memory_space<hbm>> -> memref<1x10000x128xf32, #tpu.memory_space<hbm>>
        %dma_wait3A_75 = tpu.memref_squeeze %dma_wait3A_74 : memref<1x10000x128xf32, #tpu.memory_space<hbm>> -> memref<10000x128xf32, #tpu.memory_space<hbm>>
        tpu.wait_dma2 semaphore(%run_scoped3A : memref<!tpu.dma_semaphore, #tpu.memory_space<semaphore_mem>>) src(%dma_wait3A_75 : memref<10000x128xf32, #tpu.memory_space<hbm>>) dst(%arg18 : memref<10000x128xf32, #tpu.memory_space<vmem_shared>>)
        tpu.yield
      }) : () -> ()
    } else {
    }
    %barrier3A = arith.constant 0 : index
    tpu.barrier barrier_id(%barrier3A)
    %mul3A = arith.constant 640000 : i32
    %mul3A_2 = arith.muli %arg0, %mul3A : i32
    %mul3A_3 = arith.constant 20000 : i32
    %mul3A_4 = arith.muli %arg1, %mul3A_3 : i32
    %add3A = arith.addi %mul3A_2, %mul3A_4 : i32
    %scan3A = arith.constant 0 : i32
    %scan3A_5 = arith.constant 0 : i32
    %scan3A_6 = arith.constant 62 : i32
    %scan3A_7 = arith.addi %scan3A_5, %scan3A_6 : i32
    %scan3A_8 = arith.constant 1 : i32
    scf.for %scan3A_68 = %scan3A_5 to %scan3A_7 step %scan3A_8  : i32 {
      %mul3A_69 = arith.constant 4 : i32
      %mul3A_70 = arith.muli %scan3A_68, %mul3A_69 : i32
      %mul3A_71 = arith.constant 80 : i32
      %mul3A_72 = arith.muli %mul3A_70, %mul3A_71 : i32
      %add3A_73 = arith.addi %add3A, %mul3A_72 : i32
      %add3A_74 = arith.constant 0 : i32
      %add3A_75 = arith.addi %add3A_73, %add3A_74 : i32
      %dma_start3A_76 = tpu.memref_slice %arg3[%add3A_75] : memref<1280000xi32, #tpu.memory_space<hbm>> -> memref<80xi32, #tpu.memory_space<hbm>>
      %dma_start3A_77 = tpu.memref_slice %arg3[%add3A_75] : memref<1280000xi32, #tpu.memory_space<hbm>> -> memref<80xi32, #tpu.memory_space<hbm>>
      tpu.enqueue_dma source(%dma_start3A_77 : memref<80xi32, #tpu.memory_space<hbm>>) target(%arg6 : memref<80xi32, #tpu.memory_space<vmem>>) target_semaphore(%arg19 : memref<!tpu.dma_semaphore, #tpu.memory_space<semaphore_mem>>)
      %add3A_78 = arith.constant 0 : i32
      %add3A_79 = arith.addi %add3A_73, %add3A_78 : i32
      %add3A_80 = arith.constant 320000 : i32
      %add3A_81 = arith.addi %add3A_79, %add3A_80 : i32
      %dma_start3A_82 = tpu.memref_slice %arg3[%add3A_81] : memref<1280000xi32, #tpu.memory_space<hbm>> -> memref<80xi32, #tpu.memory_space<hbm>>
      %dma_start3A_83 = tpu.memref_slice %arg3[%add3A_81] : memref<1280000xi32, #tpu.memory_space<hbm>> -> memref<80xi32, #tpu.memory_space<hbm>>
      tpu.enqueue_dma source(%dma_start3A_83 : memref<80xi32, #tpu.memory_space<hbm>>) target(%arg7 : memref<80xi32, #tpu.memory_space<vmem>>) target_semaphore(%arg19 : memref<!tpu.dma_semaphore, #tpu.memory_space<semaphore_mem>>)
      %add3A_84 = arith.constant 80 : i32
      %add3A_85 = arith.addi %add3A_73, %add3A_84 : i32
      %dma_start3A_86 = tpu.memref_slice %arg3[%add3A_85] : memref<1280000xi32, #tpu.memory_space<hbm>> -> memref<80xi32, #tpu.memory_space<hbm>>
      %dma_start3A_87 = tpu.memref_slice %arg3[%add3A_85] : memref<1280000xi32, #tpu.memory_space<hbm>> -> memref<80xi32, #tpu.memory_space<hbm>>
      tpu.enqueue_dma source(%dma_start3A_87 : memref<80xi32, #tpu.memory_space<hbm>>) target(%arg8 : memref<80xi32, #tpu.memory_space<vmem>>) target_semaphore(%arg20 : memref<!tpu.dma_semaphore, #tpu.memory_space<semaphore_mem>>)
      %add3A_88 = arith.constant 80 : i32
      %add3A_89 = arith.addi %add3A_73, %add3A_88 : i32
      %add3A_90 = arith.constant 320000 : i32
      %add3A_91 = arith.addi %add3A_89, %add3A_90 : i32
      %dma_start3A_92 = tpu.memref_slice %arg3[%add3A_91] : memref<1280000xi32, #tpu.memory_space<hbm>> -> memref<80xi32, #tpu.memory_space<hbm>>
      %dma_start3A_93 = tpu.memref_slice %arg3[%add3A_91] : memref<1280000xi32, #tpu.memory_space<hbm>> -> memref<80xi32, #tpu.memory_space<hbm>>
      tpu.enqueue_dma source(%dma_start3A_93 : memref<80xi32, #tpu.memory_space<hbm>>) target(%arg9 : memref<80xi32, #tpu.memory_space<vmem>>) target_semaphore(%arg20 : memref<!tpu.dma_semaphore, #tpu.memory_space<semaphore_mem>>)
      %add3A_94 = arith.constant 160 : i32
      %add3A_95 = arith.addi %add3A_73, %add3A_94 : i32
      %dma_start3A_96 = tpu.memref_slice %arg3[%add3A_95] : memref<1280000xi32, #tpu.memory_space<hbm>> -> memref<80xi32, #tpu.memory_space<hbm>>
      %dma_start3A_97 = tpu.memref_slice %arg3[%add3A_95] : memref<1280000xi32, #tpu.memory_space<hbm>> -> memref<80xi32, #tpu.memory_space<hbm>>
      tpu.enqueue_dma source(%dma_start3A_97 : memref<80xi32, #tpu.memory_space<hbm>>) target(%arg10 : memref<80xi32, #tpu.memory_space<vmem>>) target_semaphore(%arg21 : memref<!tpu.dma_semaphore, #tpu.memory_space<semaphore_mem>>)
      %add3A_98 = arith.constant 160 : i32
      %add3A_99 = arith.addi %add3A_73, %add3A_98 : i32
      %add3A_100 = arith.constant 320000 : i32
      %add3A_101 = arith.addi %add3A_99, %add3A_100 : i32
      %dma_start3A_102 = tpu.memref_slice %arg3[%add3A_101] : memref<1280000xi32, #tpu.memory_space<hbm>> -> memref<80xi32, #tpu.memory_space<hbm>>
      %dma_start3A_103 = tpu.memref_slice %arg3[%add3A_101] : memref<1280000xi32, #tpu.memory_space<hbm>> -> memref<80xi32, #tpu.memory_space<hbm>>
      tpu.enqueue_dma source(%dma_start3A_103 : memref<80xi32, #tpu.memory_space<hbm>>) target(%arg11 : memref<80xi32, #tpu.memory_space<vmem>>) target_semaphore(%arg21 : memref<!tpu.dma_semaphore, #tpu.memory_space<semaphore_mem>>)
      %add3A_104 = arith.constant 240 : i32
      %add3A_105 = arith.addi %add3A_73, %add3A_104 : i32
      %dma_start3A_106 = tpu.memref_slice %arg3[%add3A_105] : memref<1280000xi32, #tpu.memory_space<hbm>> -> memref<80xi32, #tpu.memory_space<hbm>>
      %dma_start3A_107 = tpu.memref_slice %arg3[%add3A_105] : memref<1280000xi32, #tpu.memory_space<hbm>> -> memref<80xi32, #tpu.memory_space<hbm>>
      tpu.enqueue_dma source(%dma_start3A_107 : memref<80xi32, #tpu.memory_space<hbm>>) target(%arg12 : memref<80xi32, #tpu.memory_space<vmem>>) target_semaphore(%arg22 : memref<!tpu.dma_semaphore, #tpu.memory_space<semaphore_mem>>)
      %add3A_108 = arith.constant 240 : i32
      %add3A_109 = arith.addi %add3A_73, %add3A_108 : i32
      %add3A_110 = arith.constant 320000 : i32
      %add3A_111 = arith.addi %add3A_109, %add3A_110 : i32
      %dma_start3A_112 = tpu.memref_slice %arg3[%add3A_111] : memref<1280000xi32, #tpu.memory_space<hbm>> -> memref<80xi32, #tpu.memory_space<hbm>>
      %dma_start3A_113 = tpu.memref_slice %arg3[%add3A_111] : memref<1280000xi32, #tpu.memory_space<hbm>> -> memref<80xi32, #tpu.memory_space<hbm>>
      tpu.enqueue_dma source(%dma_start3A_113 : memref<80xi32, #tpu.memory_space<hbm>>) target(%arg13 : memref<80xi32, #tpu.memory_space<vmem>>) target_semaphore(%arg22 : memref<!tpu.dma_semaphore, #tpu.memory_space<semaphore_mem>>)
      %dma_wait3A_114 = tpu.memref_slice %arg3[%add3A_75] : memref<1280000xi32, #tpu.memory_space<hbm>> -> memref<80xi32, #tpu.memory_space<hbm>>
      %dma_wait3A_115 = tpu.memref_slice %arg3[%add3A_75] : memref<1280000xi32, #tpu.memory_space<hbm>> -> memref<80xi32, #tpu.memory_space<hbm>>
      tpu.wait_dma2 semaphore(%arg19 : memref<!tpu.dma_semaphore, #tpu.memory_space<semaphore_mem>>) src(%dma_wait3A_115 : memref<80xi32, #tpu.memory_space<hbm>>) dst(%arg6 : memref<80xi32, #tpu.memory_space<vmem>>)
      %dma_wait3A_116 = tpu.memref_slice %arg3[%add3A_81] : memref<1280000xi32, #tpu.memory_space<hbm>> -> memref<80xi32, #tpu.memory_space<hbm>>
      %dma_wait3A_117 = tpu.memref_slice %arg3[%add3A_81] : memref<1280000xi32, #tpu.memory_space<hbm>> -> memref<80xi32, #tpu.memory_space<hbm>>
      tpu.wait_dma2 semaphore(%arg19 : memref<!tpu.dma_semaphore, #tpu.memory_space<semaphore_mem>>) src(%dma_wait3A_117 : memref<80xi32, #tpu.memory_space<hbm>>) dst(%arg7 : memref<80xi32, #tpu.memory_space<vmem>>)
      %dma_start3A_118 = arith.constant 0 : i32
      %dma_start3A_119 = arith.constant 0 : i32
      %dma_start3A_120 = tpu.memref_slice %arg2[%dma_start3A_118, %dma_start3A_119] : memref<20000x128xf32, #tpu.memory_space<hbm>> -> memref<20000x128xf32, #tpu.memory_space<hbm>>
      tpu.enqueue_indirect_dma source(%dma_start3A_120 : memref<20000x128xf32, #tpu.memory_space<hbm>>) target(%arg14 : memref<80x128xf32, #tpu.memory_space<vmem>>) offsets(%arg6 : memref<80xi32, #tpu.memory_space<vmem>>) semaphore(%arg23 : memref<!tpu.dma_semaphore, #tpu.memory_space<semaphore_mem>>)
      %dma_wait3A_121 = tpu.memref_slice %arg3[%add3A_85] : memref<1280000xi32, #tpu.memory_space<hbm>> -> memref<80xi32, #tpu.memory_space<hbm>>
      %dma_wait3A_122 = tpu.memref_slice %arg3[%add3A_85] : memref<1280000xi32, #tpu.memory_space<hbm>> -> memref<80xi32, #tpu.memory_space<hbm>>
      tpu.wait_dma2 semaphore(%arg20 : memref<!tpu.dma_semaphore, #tpu.memory_space<semaphore_mem>>) src(%dma_wait3A_122 : memref<80xi32, #tpu.memory_space<hbm>>) dst(%arg8 : memref<80xi32, #tpu.memory_space<vmem>>)
      %dma_wait3A_123 = tpu.memref_slice %arg3[%add3A_91] : memref<1280000xi32, #tpu.memory_space<hbm>> -> memref<80xi32, #tpu.memory_space<hbm>>
      %dma_wait3A_124 = tpu.memref_slice %arg3[%add3A_91] : memref<1280000xi32, #tpu.memory_space<hbm>> -> memref<80xi32, #tpu.memory_space<hbm>>
      tpu.wait_dma2 semaphore(%arg20 : memref<!tpu.dma_semaphore, #tpu.memory_space<semaphore_mem>>) src(%dma_wait3A_124 : memref<80xi32, #tpu.memory_space<hbm>>) dst(%arg9 : memref<80xi32, #tpu.memory_space<vmem>>)
      %dma_start3A_125 = arith.constant 0 : i32
      %dma_start3A_126 = arith.constant 0 : i32
      %dma_start3A_127 = tpu.memref_slice %arg2[%dma_start3A_125, %dma_start3A_126] : memref<20000x128xf32, #tpu.memory_space<hbm>> -> memref<20000x128xf32, #tpu.memory_space<hbm>>
      tpu.enqueue_indirect_dma source(%dma_start3A_127 : memref<20000x128xf32, #tpu.memory_space<hbm>>) target(%arg15 : memref<80x128xf32, #tpu.memory_space<vmem>>) offsets(%arg8 : memref<80xi32, #tpu.memory_space<vmem>>) semaphore(%arg24 : memref<!tpu.dma_semaphore, #tpu.memory_space<semaphore_mem>>)
      %dma_wait3A_128 = tpu.memref_slice %arg3[%add3A_95] : memref<1280000xi32, #tpu.memory_space<hbm>> -> memref<80xi32, #tpu.memory_space<hbm>>
      %dma_wait3A_129 = tpu.memref_slice %arg3[%add3A_95] : memref<1280000xi32, #tpu.memory_space<hbm>> -> memref<80xi32, #tpu.memory_space<hbm>>
      tpu.wait_dma2 semaphore(%arg21 : memref<!tpu.dma_semaphore, #tpu.memory_space<semaphore_mem>>) src(%dma_wait3A_129 : memref<80xi32, #tpu.memory_space<hbm>>) dst(%arg10 : memref<80xi32, #tpu.memory_space<vmem>>)
      %dma_wait3A_130 = tpu.memref_slice %arg3[%add3A_101] : memref<1280000xi32, #tpu.memory_space<hbm>> -> memref<80xi32, #tpu.memory_space<hbm>>
      %dma_wait3A_131 = tpu.memref_slice %arg3[%add3A_101] : memref<1280000xi32, #tpu.memory_space<hbm>> -> memref<80xi32, #tpu.memory_space<hbm>>
      tpu.wait_dma2 semaphore(%arg21 : memref<!tpu.dma_semaphore, #tpu.memory_space<semaphore_mem>>) src(%dma_wait3A_131 : memref<80xi32, #tpu.memory_space<hbm>>) dst(%arg11 : memref<80xi32, #tpu.memory_space<vmem>>)
      %dma_start3A_132 = arith.constant 0 : i32
      %dma_start3A_133 = arith.constant 0 : i32
      %dma_start3A_134 = tpu.memref_slice %arg2[%dma_start3A_132, %dma_start3A_133] : memref<20000x128xf32, #tpu.memory_space<hbm>> -> memref<20000x128xf32, #tpu.memory_space<hbm>>
      tpu.enqueue_indirect_dma source(%dma_start3A_134 : memref<20000x128xf32, #tpu.memory_space<hbm>>) target(%arg16 : memref<80x128xf32, #tpu.memory_space<vmem>>) offsets(%arg10 : memref<80xi32, #tpu.memory_space<vmem>>) semaphore(%arg25 : memref<!tpu.dma_semaphore, #tpu.memory_space<semaphore_mem>>)
      %dma_wait3A_135 = tpu.memref_slice %arg3[%add3A_105] : memref<1280000xi32, #tpu.memory_space<hbm>> -> memref<80xi32, #tpu.memory_space<hbm>>
      %dma_wait3A_136 = tpu.memref_slice %arg3[%add3A_105] : memref<1280000xi32, #tpu.memory_space<hbm>> -> memref<80xi32, #tpu.memory_space<hbm>>
      tpu.wait_dma2 semaphore(%arg22 : memref<!tpu.dma_semaphore, #tpu.memory_space<semaphore_mem>>) src(%dma_wait3A_136 : memref<80xi32, #tpu.memory_space<hbm>>) dst(%arg12 : memref<80xi32, #tpu.memory_space<vmem>>)
      %dma_wait3A_137 = tpu.memref_slice %arg3[%add3A_111] : memref<1280000xi32, #tpu.memory_space<hbm>> -> memref<80xi32, #tpu.memory_space<hbm>>
      %dma_wait3A_138 = tpu.memref_slice %arg3[%add3A_111] : memref<1280000xi32, #tpu.memory_space<hbm>> -> memref<80xi32, #tpu.memory_space<hbm>>
      tpu.wait_dma2 semaphore(%arg22 : memref<!tpu.dma_semaphore, #tpu.memory_space<semaphore_mem>>) src(%dma_wait3A_138 : memref<80xi32, #tpu.memory_space<hbm>>) dst(%arg13 : memref<80xi32, #tpu.memory_space<vmem>>)
      %dma_start3A_139 = arith.constant 0 : i32
      %dma_start3A_140 = arith.constant 0 : i32
      %dma_start3A_141 = tpu.memref_slice %arg2[%dma_start3A_139, %dma_start3A_140] : memref<20000x128xf32, #tpu.memory_space<hbm>> -> memref<20000x128xf32, #tpu.memory_space<hbm>>
      tpu.enqueue_indirect_dma source(%dma_start3A_141 : memref<20000x128xf32, #tpu.memory_space<hbm>>) target(%arg17 : memref<80x128xf32, #tpu.memory_space<vmem>>) offsets(%arg12 : memref<80xi32, #tpu.memory_space<vmem>>) semaphore(%arg26 : memref<!tpu.dma_semaphore, #tpu.memory_space<semaphore_mem>>)
      %dma_wait3A_142 = arith.constant 0 : i32
      %dma_wait3A_143 = arith.constant 0 : i32
      %dma_wait3A_144 = tpu.memref_slice %arg2[%dma_wait3A_142, %dma_wait3A_143] : memref<20000x128xf32, #tpu.memory_space<hbm>> -> memref<20000x128xf32, #tpu.memory_space<hbm>>
      tpu.wait_indirect_dma semaphore(%arg23 : memref<!tpu.dma_semaphore, #tpu.memory_space<semaphore_mem>>) src(%dma_wait3A_144 : memref<20000x128xf32, #tpu.memory_space<hbm>>) dst(%arg14 : memref<80x128xf32, #tpu.memory_space<vmem>>)
      %dma_start3A_145 = arith.constant 0 : i32
      %dma_start3A_146 = arith.constant 0 : i32
      %dma_start3A_147 = tpu.memref_slice %arg18[%dma_start3A_145, %dma_start3A_146] : memref<10000x128xf32, #tpu.memory_space<vmem_shared>> -> memref<10000x128xf32, #tpu.memory_space<vmem_shared>>
      tpu.enqueue_indirect_dma source(%arg14 : memref<80x128xf32, #tpu.memory_space<vmem>>) target(%dma_start3A_147 : memref<10000x128xf32, #tpu.memory_space<vmem_shared>>) offsets(%arg7 : memref<80xi32, #tpu.memory_space<vmem>>) semaphore(%arg23 : memref<!tpu.dma_semaphore, #tpu.memory_space<semaphore_mem>>) {add = true}
      %dma_wait3A_148 = arith.constant 0 : i32
      %dma_wait3A_149 = arith.constant 0 : i32
      %dma_wait3A_150 = tpu.memref_slice %arg2[%dma_wait3A_148, %dma_wait3A_149] : memref<20000x128xf32, #tpu.memory_space<hbm>> -> memref<20000x128xf32, #tpu.memory_space<hbm>>
      tpu.wait_indirect_dma semaphore(%arg24 : memref<!tpu.dma_semaphore, #tpu.memory_space<semaphore_mem>>) src(%dma_wait3A_150 : memref<20000x128xf32, #tpu.memory_space<hbm>>) dst(%arg15 : memref<80x128xf32, #tpu.memory_space<vmem>>)
      %dma_start3A_151 = arith.constant 0 : i32
      %dma_start3A_152 = arith.constant 0 : i32
      %dma_start3A_153 = tpu.memref_slice %arg18[%dma_start3A_151, %dma_start3A_152] : memref<10000x128xf32, #tpu.memory_space<vmem_shared>> -> memref<10000x128xf32, #tpu.memory_space<vmem_shared>>
      tpu.enqueue_indirect_dma source(%arg15 : memref<80x128xf32, #tpu.memory_space<vmem>>) target(%dma_start3A_153 : memref<10000x128xf32, #tpu.memory_space<vmem_shared>>) offsets(%arg9 : memref<80xi32, #tpu.memory_space<vmem>>) semaphore(%arg24 : memref<!tpu.dma_semaphore, #tpu.memory_space<semaphore_mem>>) {add = true}
      %dma_wait3A_154 = arith.constant 0 : i32
      %dma_wait3A_155 = arith.constant 0 : i32
      %dma_wait3A_156 = tpu.memref_slice %arg2[%dma_wait3A_154, %dma_wait3A_155] : memref<20000x128xf32, #tpu.memory_space<hbm>> -> memref<20000x128xf32, #tpu.memory_space<hbm>>
      tpu.wait_indirect_dma semaphore(%arg25 : memref<!tpu.dma_semaphore, #tpu.memory_space<semaphore_mem>>) src(%dma_wait3A_156 : memref<20000x128xf32, #tpu.memory_space<hbm>>) dst(%arg16 : memref<80x128xf32, #tpu.memory_space<vmem>>)
      %dma_start3A_157 = arith.constant 0 : i32
      %dma_start3A_158 = arith.constant 0 : i32
      %dma_start3A_159 = tpu.memref_slice %arg18[%dma_start3A_157, %dma_start3A_158] : memref<10000x128xf32, #tpu.memory_space<vmem_shared>> -> memref<10000x128xf32, #tpu.memory_space<vmem_shared>>
      tpu.enqueue_indirect_dma source(%arg16 : memref<80x128xf32, #tpu.memory_space<vmem>>) target(%dma_start3A_159 : memref<10000x128xf32, #tpu.memory_space<vmem_shared>>) offsets(%arg11 : memref<80xi32, #tpu.memory_space<vmem>>) semaphore(%arg25 : memref<!tpu.dma_semaphore, #tpu.memory_space<semaphore_mem>>) {add = true}
      %dma_wait3A_160 = arith.constant 0 : i32
      %dma_wait3A_161 = arith.constant 0 : i32
      %dma_wait3A_162 = tpu.memref_slice %arg2[%dma_wait3A_160, %dma_wait3A_161] : memref<20000x128xf32, #tpu.memory_space<hbm>> -> memref<20000x128xf32, #tpu.memory_space<hbm>>
      tpu.wait_indirect_dma semaphore(%arg26 : memref<!tpu.dma_semaphore, #tpu.memory_space<semaphore_mem>>) src(%dma_wait3A_162 : memref<20000x128xf32, #tpu.memory_space<hbm>>) dst(%arg17 : memref<80x128xf32, #tpu.memory_space<vmem>>)
      %dma_start3A_163 = arith.constant 0 : i32
      %dma_start3A_164 = arith.constant 0 : i32
      %dma_start3A_165 = tpu.memref_slice %arg18[%dma_start3A_163, %dma_start3A_164] : memref<10000x128xf32, #tpu.memory_space<vmem_shared>> -> memref<10000x128xf32, #tpu.memory_space<vmem_shared>>
      tpu.enqueue_indirect_dma source(%arg17 : memref<80x128xf32, #tpu.memory_space<vmem>>) target(%dma_start3A_165 : memref<10000x128xf32, #tpu.memory_space<vmem_shared>>) offsets(%arg13 : memref<80xi32, #tpu.memory_space<vmem>>) semaphore(%arg26 : memref<!tpu.dma_semaphore, #tpu.memory_space<semaphore_mem>>) {add = true}
      %dma_wait3A_166 = arith.constant 0 : i32
      %dma_wait3A_167 = arith.constant 0 : i32
      %dma_wait3A_168 = tpu.memref_slice %arg18[%dma_wait3A_166, %dma_wait3A_167] : memref<10000x128xf32, #tpu.memory_space<vmem_shared>> -> memref<10000x128xf32, #tpu.memory_space<vmem_shared>>
      tpu.wait_indirect_dma semaphore(%arg23 : memref<!tpu.dma_semaphore, #tpu.memory_space<semaphore_mem>>) src(%arg14 : memref<80x128xf32, #tpu.memory_space<vmem>>) dst(%dma_wait3A_168 : memref<10000x128xf32, #tpu.memory_space<vmem_shared>>)
      %dma_wait3A_169 = arith.constant 0 : i32
      %dma_wait3A_170 = arith.constant 0 : i32
      %dma_wait3A_171 = tpu.memref_slice %arg18[%dma_wait3A_169, %dma_wait3A_170] : memref<10000x128xf32, #tpu.memory_space<vmem_shared>> -> memref<10000x128xf32, #tpu.memory_space<vmem_shared>>
      tpu.wait_indirect_dma semaphore(%arg24 : memref<!tpu.dma_semaphore, #tpu.memory_space<semaphore_mem>>) src(%arg15 : memref<80x128xf32, #tpu.memory_space<vmem>>) dst(%dma_wait3A_171 : memref<10000x128xf32, #tpu.memory_space<vmem_shared>>)
      %dma_wait3A_172 = arith.constant 0 : i32
      %dma_wait3A_173 = arith.constant 0 : i32
      %dma_wait3A_174 = tpu.memref_slice %arg18[%dma_wait3A_172, %dma_wait3A_173] : memref<10000x128xf32, #tpu.memory_space<vmem_shared>> -> memref<10000x128xf32, #tpu.memory_space<vmem_shared>>
      tpu.wait_indirect_dma semaphore(%arg25 : memref<!tpu.dma_semaphore, #tpu.memory_space<semaphore_mem>>) src(%arg16 : memref<80x128xf32, #tpu.memory_space<vmem>>) dst(%dma_wait3A_174 : memref<10000x128xf32, #tpu.memory_space<vmem_shared>>)
      %dma_wait3A_175 = arith.constant 0 : i32
      %dma_wait3A_176 = arith.constant 0 : i32
      %dma_wait3A_177 = tpu.memref_slice %arg18[%dma_wait3A_175, %dma_wait3A_176] : memref<10000x128xf32, #tpu.memory_space<vmem_shared>> -> memref<10000x128xf32, #tpu.memory_space<vmem_shared>>
      tpu.wait_indirect_dma semaphore(%arg26 : memref<!tpu.dma_semaphore, #tpu.memory_space<semaphore_mem>>) src(%arg17 : memref<80x128xf32, #tpu.memory_space<vmem>>) dst(%dma_wait3A_177 : memref<10000x128xf32, #tpu.memory_space<vmem_shared>>)
    }
    %scan3A_9 = arith.constant 62 : i32
    %add3A_10 = arith.constant 19840 : i32
    %add3A_11 = arith.addi %add3A, %add3A_10 : i32
    %add3A_12 = arith.constant 0 : i32
    %add3A_13 = arith.addi %add3A_11, %add3A_12 : i32
    %dma_start3A = tpu.memref_slice %arg3[%add3A_13] : memref<1280000xi32, #tpu.memory_space<hbm>> -> memref<80xi32, #tpu.memory_space<hbm>>
    %dma_start3A_14 = tpu.memref_slice %arg3[%add3A_13] : memref<1280000xi32, #tpu.memory_space<hbm>> -> memref<80xi32, #tpu.memory_space<hbm>>
    tpu.enqueue_dma source(%dma_start3A_14 : memref<80xi32, #tpu.memory_space<hbm>>) target(%arg6 : memref<80xi32, #tpu.memory_space<vmem>>) target_semaphore(%arg19 : memref<!tpu.dma_semaphore, #tpu.memory_space<semaphore_mem>>)
    %add3A_15 = arith.constant 0 : i32
    %add3A_16 = arith.addi %add3A_11, %add3A_15 : i32
    %add3A_17 = arith.constant 320000 : i32
    %add3A_18 = arith.addi %add3A_16, %add3A_17 : i32
    %dma_start3A_19 = tpu.memref_slice %arg3[%add3A_18] : memref<1280000xi32, #tpu.memory_space<hbm>> -> memref<80xi32, #tpu.memory_space<hbm>>
    %dma_start3A_20 = tpu.memref_slice %arg3[%add3A_18] : memref<1280000xi32, #tpu.memory_space<hbm>> -> memref<80xi32, #tpu.memory_space<hbm>>
    tpu.enqueue_dma source(%dma_start3A_20 : memref<80xi32, #tpu.memory_space<hbm>>) target(%arg7 : memref<80xi32, #tpu.memory_space<vmem>>) target_semaphore(%arg19 : memref<!tpu.dma_semaphore, #tpu.memory_space<semaphore_mem>>)
    %add3A_21 = arith.constant 80 : i32
    %add3A_22 = arith.addi %add3A_11, %add3A_21 : i32
    %dma_start3A_23 = tpu.memref_slice %arg3[%add3A_22] : memref<1280000xi32, #tpu.memory_space<hbm>> -> memref<80xi32, #tpu.memory_space<hbm>>
    %dma_start3A_24 = tpu.memref_slice %arg3[%add3A_22] : memref<1280000xi32, #tpu.memory_space<hbm>> -> memref<80xi32, #tpu.memory_space<hbm>>
    tpu.enqueue_dma source(%dma_start3A_24 : memref<80xi32, #tpu.memory_space<hbm>>) target(%arg8 : memref<80xi32, #tpu.memory_space<vmem>>) target_semaphore(%arg20 : memref<!tpu.dma_semaphore, #tpu.memory_space<semaphore_mem>>)
    %add3A_25 = arith.constant 80 : i32
    %add3A_26 = arith.addi %add3A_11, %add3A_25 : i32
    %add3A_27 = arith.constant 320000 : i32
    %add3A_28 = arith.addi %add3A_26, %add3A_27 : i32
    %dma_start3A_29 = tpu.memref_slice %arg3[%add3A_28] : memref<1280000xi32, #tpu.memory_space<hbm>> -> memref<80xi32, #tpu.memory_space<hbm>>
    %dma_start3A_30 = tpu.memref_slice %arg3[%add3A_28] : memref<1280000xi32, #tpu.memory_space<hbm>> -> memref<80xi32, #tpu.memory_space<hbm>>
    tpu.enqueue_dma source(%dma_start3A_30 : memref<80xi32, #tpu.memory_space<hbm>>) target(%arg9 : memref<80xi32, #tpu.memory_space<vmem>>) target_semaphore(%arg20 : memref<!tpu.dma_semaphore, #tpu.memory_space<semaphore_mem>>)
    %dma_wait3A = tpu.memref_slice %arg3[%add3A_13] : memref<1280000xi32, #tpu.memory_space<hbm>> -> memref<80xi32, #tpu.memory_space<hbm>>
    %dma_wait3A_31 = tpu.memref_slice %arg3[%add3A_13] : memref<1280000xi32, #tpu.memory_space<hbm>> -> memref<80xi32, #tpu.memory_space<hbm>>
    tpu.wait_dma2 semaphore(%arg19 : memref<!tpu.dma_semaphore, #tpu.memory_space<semaphore_mem>>) src(%dma_wait3A_31 : memref<80xi32, #tpu.memory_space<hbm>>) dst(%arg6 : memref<80xi32, #tpu.memory_space<vmem>>)
    %dma_wait3A_32 = tpu.memref_slice %arg3[%add3A_18] : memref<1280000xi32, #tpu.memory_space<hbm>> -> memref<80xi32, #tpu.memory_space<hbm>>
    %dma_wait3A_33 = tpu.memref_slice %arg3[%add3A_18] : memref<1280000xi32, #tpu.memory_space<hbm>> -> memref<80xi32, #tpu.memory_space<hbm>>
    tpu.wait_dma2 semaphore(%arg19 : memref<!tpu.dma_semaphore, #tpu.memory_space<semaphore_mem>>) src(%dma_wait3A_33 : memref<80xi32, #tpu.memory_space<hbm>>) dst(%arg7 : memref<80xi32, #tpu.memory_space<vmem>>)
    %dma_start3A_34 = arith.constant 0 : i32
    %dma_start3A_35 = arith.constant 0 : i32
    %dma_start3A_36 = tpu.memref_slice %arg2[%dma_start3A_34, %dma_start3A_35] : memref<20000x128xf32, #tpu.memory_space<hbm>> -> memref<20000x128xf32, #tpu.memory_space<hbm>>
    tpu.enqueue_indirect_dma source(%dma_start3A_36 : memref<20000x128xf32, #tpu.memory_space<hbm>>) target(%arg14 : memref<80x128xf32, #tpu.memory_space<vmem>>) offsets(%arg6 : memref<80xi32, #tpu.memory_space<vmem>>) semaphore(%arg23 : memref<!tpu.dma_semaphore, #tpu.memory_space<semaphore_mem>>)
    %dma_wait3A_37 = tpu.memref_slice %arg3[%add3A_22] : memref<1280000xi32, #tpu.memory_space<hbm>> -> memref<80xi32, #tpu.memory_space<hbm>>
    %dma_wait3A_38 = tpu.memref_slice %arg3[%add3A_22] : memref<1280000xi32, #tpu.memory_space<hbm>> -> memref<80xi32, #tpu.memory_space<hbm>>
    tpu.wait_dma2 semaphore(%arg20 : memref<!tpu.dma_semaphore, #tpu.memory_space<semaphore_mem>>) src(%dma_wait3A_38 : memref<80xi32, #tpu.memory_space<hbm>>) dst(%arg8 : memref<80xi32, #tpu.memory_space<vmem>>)
    %dma_wait3A_39 = tpu.memref_slice %arg3[%add3A_28] : memref<1280000xi32, #tpu.memory_space<hbm>> -> memref<80xi32, #tpu.memory_space<hbm>>
    %dma_wait3A_40 = tpu.memref_slice %arg3[%add3A_28] : memref<1280000xi32, #tpu.memory_space<hbm>> -> memref<80xi32, #tpu.memory_space<hbm>>
    tpu.wait_dma2 semaphore(%arg20 : memref<!tpu.dma_semaphore, #tpu.memory_space<semaphore_mem>>) src(%dma_wait3A_40 : memref<80xi32, #tpu.memory_space<hbm>>) dst(%arg9 : memref<80xi32, #tpu.memory_space<vmem>>)
    %dma_start3A_41 = arith.constant 0 : i32
    %dma_start3A_42 = arith.constant 0 : i32
    %dma_start3A_43 = tpu.memref_slice %arg2[%dma_start3A_41, %dma_start3A_42] : memref<20000x128xf32, #tpu.memory_space<hbm>> -> memref<20000x128xf32, #tpu.memory_space<hbm>>
    tpu.enqueue_indirect_dma source(%dma_start3A_43 : memref<20000x128xf32, #tpu.memory_space<hbm>>) target(%arg15 : memref<80x128xf32, #tpu.memory_space<vmem>>) offsets(%arg8 : memref<80xi32, #tpu.memory_space<vmem>>) semaphore(%arg24 : memref<!tpu.dma_semaphore, #tpu.memory_space<semaphore_mem>>)
    %dma_wait3A_44 = arith.constant 0 : i32
    %dma_wait3A_45 = arith.constant 0 : i32
    %dma_wait3A_46 = tpu.memref_slice %arg2[%dma_wait3A_44, %dma_wait3A_45] : memref<20000x128xf32, #tpu.memory_space<hbm>> -> memref<20000x128xf32, #tpu.memory_space<hbm>>
    tpu.wait_indirect_dma semaphore(%arg23 : memref<!tpu.dma_semaphore, #tpu.memory_space<semaphore_mem>>) src(%dma_wait3A_46 : memref<20000x128xf32, #tpu.memory_space<hbm>>) dst(%arg14 : memref<80x128xf32, #tpu.memory_space<vmem>>)
    %dma_start3A_47 = arith.constant 0 : i32
    %dma_start3A_48 = arith.constant 0 : i32
    %dma_start3A_49 = tpu.memref_slice %arg18[%dma_start3A_47, %dma_start3A_48] : memref<10000x128xf32, #tpu.memory_space<vmem_shared>> -> memref<10000x128xf32, #tpu.memory_space<vmem_shared>>
    tpu.enqueue_indirect_dma source(%arg14 : memref<80x128xf32, #tpu.memory_space<vmem>>) target(%dma_start3A_49 : memref<10000x128xf32, #tpu.memory_space<vmem_shared>>) offsets(%arg7 : memref<80xi32, #tpu.memory_space<vmem>>) semaphore(%arg23 : memref<!tpu.dma_semaphore, #tpu.memory_space<semaphore_mem>>) {add = true}
    %dma_wait3A_50 = arith.constant 0 : i32
    %dma_wait3A_51 = arith.constant 0 : i32
    %dma_wait3A_52 = tpu.memref_slice %arg2[%dma_wait3A_50, %dma_wait3A_51] : memref<20000x128xf32, #tpu.memory_space<hbm>> -> memref<20000x128xf32, #tpu.memory_space<hbm>>
    tpu.wait_indirect_dma semaphore(%arg24 : memref<!tpu.dma_semaphore, #tpu.memory_space<semaphore_mem>>) src(%dma_wait3A_52 : memref<20000x128xf32, #tpu.memory_space<hbm>>) dst(%arg15 : memref<80x128xf32, #tpu.memory_space<vmem>>)
    %dma_start3A_53 = arith.constant 0 : i32
    %dma_start3A_54 = arith.constant 0 : i32
    %dma_start3A_55 = tpu.memref_slice %arg18[%dma_start3A_53, %dma_start3A_54] : memref<10000x128xf32, #tpu.memory_space<vmem_shared>> -> memref<10000x128xf32, #tpu.memory_space<vmem_shared>>
    tpu.enqueue_indirect_dma source(%arg15 : memref<80x128xf32, #tpu.memory_space<vmem>>) target(%dma_start3A_55 : memref<10000x128xf32, #tpu.memory_space<vmem_shared>>) offsets(%arg9 : memref<80xi32, #tpu.memory_space<vmem>>) semaphore(%arg24 : memref<!tpu.dma_semaphore, #tpu.memory_space<semaphore_mem>>) {add = true}
    %dma_wait3A_56 = arith.constant 0 : i32
    %dma_wait3A_57 = arith.constant 0 : i32
    %dma_wait3A_58 = tpu.memref_slice %arg18[%dma_wait3A_56, %dma_wait3A_57] : memref<10000x128xf32, #tpu.memory_space<vmem_shared>> -> memref<10000x128xf32, #tpu.memory_space<vmem_shared>>
    tpu.wait_indirect_dma semaphore(%arg23 : memref<!tpu.dma_semaphore, #tpu.memory_space<semaphore_mem>>) src(%arg14 : memref<80x128xf32, #tpu.memory_space<vmem>>) dst(%dma_wait3A_58 : memref<10000x128xf32, #tpu.memory_space<vmem_shared>>)
    %dma_wait3A_59 = arith.constant 0 : i32
    %dma_wait3A_60 = arith.constant 0 : i32
    %dma_wait3A_61 = tpu.memref_slice %arg18[%dma_wait3A_59, %dma_wait3A_60] : memref<10000x128xf32, #tpu.memory_space<vmem_shared>> -> memref<10000x128xf32, #tpu.memory_space<vmem_shared>>
    tpu.wait_indirect_dma semaphore(%arg24 : memref<!tpu.dma_semaphore, #tpu.memory_space<semaphore_mem>>) src(%arg15 : memref<80x128xf32, #tpu.memory_space<vmem>>) dst(%dma_wait3A_61 : memref<10000x128xf32, #tpu.memory_space<vmem_shared>>)
    %barrier3A_62 = arith.constant 0 : index
    tpu.barrier barrier_id(%barrier3A_62)
    %eq3A_63 = arith.constant 0 : i32
    %eq3A_64 = arith.cmpi eq, %arg1, %eq3A_63 : i32
    %convert_element_type3A_65 = arith.extui %eq3A_64 : i1 to i32
    %cond3A_66 = arith.constant 0 : i32
    %cond3A_67 = arith.cmpi ne, %convert_element_type3A_65, %cond3A_66 : i32
    scf.if %cond3A_67 {
      "tpu.region"() ({
        %run_scoped3A = tpu.sem_alloc : memref<!tpu.dma_semaphore, #tpu.memory_space<semaphore_mem>>
        %dma_start3A_68 = arith.constant 0 : i32
        %dma_start3A_69 = arith.constant 0 : i32
        %dma_start3A_70 = tpu.memref_slice %arg5[%arg0, %dma_start3A_68, %dma_start3A_69] : memref<2x10000x128xf32, #tpu.memory_space<hbm>> -> memref<1x10000x128xf32, #tpu.memory_space<hbm>>
        %dma_start3A_71 = tpu.memref_squeeze %dma_start3A_70 : memref<1x10000x128xf32, #tpu.memory_space<hbm>> -> memref<10000x128xf32, #tpu.memory_space<hbm>>
        tpu.enqueue_dma source(%arg18 : memref<10000x128xf32, #tpu.memory_space<vmem_shared>>) target(%dma_start3A_71 : memref<10000x128xf32, #tpu.memory_space<hbm>>) target_semaphore(%run_scoped3A : memref<!tpu.dma_semaphore, #tpu.memory_space<semaphore_mem>>)
        %dma_wait3A_72 = arith.constant 0 : i32
        %dma_wait3A_73 = arith.constant 0 : i32
        %dma_wait3A_74 = tpu.memref_slice %arg5[%arg0, %dma_wait3A_72, %dma_wait3A_73] : memref<2x10000x128xf32, #tpu.memory_space<hbm>> -> memref<1x10000x128xf32, #tpu.memory_space<hbm>>
        %dma_wait3A_75 = tpu.memref_squeeze %dma_wait3A_74 : memref<1x10000x128xf32, #tpu.memory_space<hbm>> -> memref<10000x128xf32, #tpu.memory_space<hbm>>
        tpu.wait_dma2 semaphore(%run_scoped3A : memref<!tpu.dma_semaphore, #tpu.memory_space<semaphore_mem>>) src(%arg18 : memref<10000x128xf32, #tpu.memory_space<vmem_shared>>) dst(%dma_wait3A_75 : memref<10000x128xf32, #tpu.memory_space<hbm>>)
        tpu.yield
      }) : () -> ()
    } else {
    }
    return
  }
}

#map = affine_map<(d0, d1) -> (0)>
#map1 = affine_map<(d0, d1) -> (0, 0, 0)>
#map2 = affine_map<(d0, d1) -> (0, 0)>
module attributes {stable_mosaic.version = 14 : i64} {
  func.func @_hist_body(%arg0: i32, %arg1: i32, %arg2: memref<1280000xi32, #tpu.memory_space<hbm>>, %arg3: memref<2x320000x8xf32, #tpu.memory_space<hbm>>, %arg4: memref<10000x8xf32, #tpu.memory_space<hbm>>, %arg5: memref<80x8xf32, #tpu.memory_space<hbm>>, %arg6: memref<2x10000x8xf32, #tpu.memory_space<hbm>>, %arg7: memref<80xi32, #tpu.memory_space<vmem>>, %arg8: memref<80xi32, #tpu.memory_space<vmem>>, %arg9: memref<80x8xf32, #tpu.memory_space<vmem>>, %arg10: memref<80xi32, #tpu.memory_space<vmem>>, %arg11: memref<80xi32, #tpu.memory_space<vmem>>, %arg12: memref<80x8xf32, #tpu.memory_space<vmem>>, %arg13: memref<80x8xf32, #tpu.memory_space<vmem>>, %arg14: memref<10000x8xf32, #tpu.memory_space<vmem_shared>>, %arg15: memref<!tpu.dma_semaphore, #tpu.memory_space<semaphore_mem>>, %arg16: memref<!tpu.dma_semaphore, #tpu.memory_space<semaphore_mem>>) attributes {dimension_semantics = [#tpu.dimension_semantics<core_parallel>, #tpu.dimension_semantics<subcore_parallel>], iteration_bounds = array<i64: 2, 16>, scalar_prefetch = 0 : i64, scratch_operands = 10 : i64, tpu.core_type = #tpu.core_type<sc_vector_subcore>, window_params = [{transform_indices = #map}, {transform_indices = #map1}, {transform_indices = #map2}, {transform_indices = #map2}, {transform_indices = #map1}]} {
    %eq3A = arith.constant 0 : i32
    %eq3A_0 = arith.cmpi eq, %arg1, %eq3A : i32
    %convert_element_type3A = arith.extui %eq3A_0 : i1 to i32
    %cond3A = arith.constant 0 : i32
    %cond3A_1 = arith.cmpi ne, %convert_element_type3A, %cond3A : i32
    scf.if %cond3A_1 {
      "tpu.region"() ({
        %run_scoped3A = tpu.sem_alloc : memref<!tpu.dma_semaphore, #tpu.memory_space<semaphore_mem>>
        tpu.enqueue_dma source(%arg4 : memref<10000x8xf32, #tpu.memory_space<hbm>>) target(%arg14 : memref<10000x8xf32, #tpu.memory_space<vmem_shared>>) target_semaphore(%run_scoped3A : memref<!tpu.dma_semaphore, #tpu.memory_space<semaphore_mem>>)
        tpu.wait_dma2 semaphore(%run_scoped3A : memref<!tpu.dma_semaphore, #tpu.memory_space<semaphore_mem>>) src(%arg4 : memref<10000x8xf32, #tpu.memory_space<hbm>>) dst(%arg14 : memref<10000x8xf32, #tpu.memory_space<vmem_shared>>)
        tpu.yield
      }) : () -> ()
    } else {
    }
    "tpu.region"() ({
      %run_scoped3A = tpu.sem_alloc : memref<!tpu.dma_semaphore, #tpu.memory_space<semaphore_mem>>
      tpu.enqueue_dma source(%arg5 : memref<80x8xf32, #tpu.memory_space<hbm>>) target(%arg13 : memref<80x8xf32, #tpu.memory_space<vmem>>) target_semaphore(%run_scoped3A : memref<!tpu.dma_semaphore, #tpu.memory_space<semaphore_mem>>)
      tpu.wait_dma2 semaphore(%run_scoped3A : memref<!tpu.dma_semaphore, #tpu.memory_space<semaphore_mem>>) src(%arg5 : memref<80x8xf32, #tpu.memory_space<hbm>>) dst(%arg13 : memref<80x8xf32, #tpu.memory_space<vmem>>)
      tpu.yield
    }) : () -> ()
    %barrier3A = arith.constant 0 : index
    tpu.barrier barrier_id(%barrier3A)
    %mul3A = arith.constant 640000 : i32
    %mul3A_2 = arith.muli %arg0, %mul3A : i32
    %mul3A_3 = arith.constant 20000 : i32
    %mul3A_4 = arith.muli %arg1, %mul3A_3 : i32
    %add3A = arith.addi %mul3A_2, %mul3A_4 : i32
    %scan3A = arith.constant 0 : i32
    %scan3A_5 = arith.constant 0 : i32
    %scan3A_6 = arith.constant 125 : i32
    %scan3A_7 = arith.addi %scan3A_5, %scan3A_6 : i32
    %scan3A_8 = arith.constant 1 : i32
    scf.for %scan3A_16 = %scan3A_5 to %scan3A_7 step %scan3A_8  : i32 {
      %mul3A_17 = arith.constant 2 : i32
      %mul3A_18 = arith.muli %mul3A_17, %scan3A_16 : i32
      %mul3A_19 = arith.constant 80 : i32
      %mul3A_20 = arith.muli %mul3A_18, %mul3A_19 : i32
      %add3A_21 = arith.addi %add3A, %mul3A_20 : i32
      %add3A_22 = arith.constant 80 : i32
      %add3A_23 = arith.addi %add3A_21, %add3A_22 : i32
      %mul3A_24 = arith.constant 20000 : i32
      %mul3A_25 = arith.muli %arg1, %mul3A_24 : i32
      %mul3A_26 = arith.constant 80 : i32
      %mul3A_27 = arith.muli %mul3A_18, %mul3A_26 : i32
      %add3A_28 = arith.addi %mul3A_25, %mul3A_27 : i32
      %dma_start3A = tpu.memref_slice %arg2[%add3A_21] : memref<1280000xi32, #tpu.memory_space<hbm>> -> memref<80xi32, #tpu.memory_space<hbm>>
      %dma_start3A_29 = tpu.memref_slice %arg2[%add3A_21] : memref<1280000xi32, #tpu.memory_space<hbm>> -> memref<80xi32, #tpu.memory_space<hbm>>
      tpu.enqueue_dma source(%dma_start3A_29 : memref<80xi32, #tpu.memory_space<hbm>>) target(%arg7 : memref<80xi32, #tpu.memory_space<vmem>>) target_semaphore(%arg15 : memref<!tpu.dma_semaphore, #tpu.memory_space<semaphore_mem>>)
      %add3A_30 = arith.constant 320000 : i32
      %add3A_31 = arith.addi %add3A_21, %add3A_30 : i32
      %dma_start3A_32 = tpu.memref_slice %arg2[%add3A_31] : memref<1280000xi32, #tpu.memory_space<hbm>> -> memref<80xi32, #tpu.memory_space<hbm>>
      %dma_start3A_33 = tpu.memref_slice %arg2[%add3A_31] : memref<1280000xi32, #tpu.memory_space<hbm>> -> memref<80xi32, #tpu.memory_space<hbm>>
      tpu.enqueue_dma source(%dma_start3A_33 : memref<80xi32, #tpu.memory_space<hbm>>) target(%arg8 : memref<80xi32, #tpu.memory_space<vmem>>) target_semaphore(%arg15 : memref<!tpu.dma_semaphore, #tpu.memory_space<semaphore_mem>>)
      %dma_start3A_34 = arith.constant 0 : i32
      %dma_start3A_35 = tpu.memref_slice %arg3[%arg0, %add3A_28, %dma_start3A_34] : memref<2x320000x8xf32, #tpu.memory_space<hbm>> -> memref<1x80x8xf32, #tpu.memory_space<hbm>>
      %dma_start3A_36 = tpu.memref_squeeze %dma_start3A_35 : memref<1x80x8xf32, #tpu.memory_space<hbm>> -> memref<80x8xf32, #tpu.memory_space<hbm>>
      %dma_start3A_37 = arith.constant 0 : i32
      %dma_start3A_38 = tpu.memref_slice %arg3[%arg0, %add3A_28, %dma_start3A_37] : memref<2x320000x8xf32, #tpu.memory_space<hbm>> -> memref<1x80x8xf32, #tpu.memory_space<hbm>>
      %dma_start3A_39 = tpu.memref_squeeze %dma_start3A_38 : memref<1x80x8xf32, #tpu.memory_space<hbm>> -> memref<80x8xf32, #tpu.memory_space<hbm>>
      tpu.enqueue_dma source(%dma_start3A_39 : memref<80x8xf32, #tpu.memory_space<hbm>>) target(%arg9 : memref<80x8xf32, #tpu.memory_space<vmem>>) target_semaphore(%arg15 : memref<!tpu.dma_semaphore, #tpu.memory_space<semaphore_mem>>)
      %dma_start3A_40 = tpu.memref_slice %arg2[%add3A_23] : memref<1280000xi32, #tpu.memory_space<hbm>> -> memref<80xi32, #tpu.memory_space<hbm>>
      %dma_start3A_41 = tpu.memref_slice %arg2[%add3A_23] : memref<1280000xi32, #tpu.memory_space<hbm>> -> memref<80xi32, #tpu.memory_space<hbm>>
      tpu.enqueue_dma source(%dma_start3A_41 : memref<80xi32, #tpu.memory_space<hbm>>) target(%arg10 : memref<80xi32, #tpu.memory_space<vmem>>) target_semaphore(%arg16 : memref<!tpu.dma_semaphore, #tpu.memory_space<semaphore_mem>>)
      %add3A_42 = arith.constant 320000 : i32
      %add3A_43 = arith.addi %add3A_23, %add3A_42 : i32
      %dma_start3A_44 = tpu.memref_slice %arg2[%add3A_43] : memref<1280000xi32, #tpu.memory_space<hbm>> -> memref<80xi32, #tpu.memory_space<hbm>>
      %dma_start3A_45 = tpu.memref_slice %arg2[%add3A_43] : memref<1280000xi32, #tpu.memory_space<hbm>> -> memref<80xi32, #tpu.memory_space<hbm>>
      tpu.enqueue_dma source(%dma_start3A_45 : memref<80xi32, #tpu.memory_space<hbm>>) target(%arg11 : memref<80xi32, #tpu.memory_space<vmem>>) target_semaphore(%arg16 : memref<!tpu.dma_semaphore, #tpu.memory_space<semaphore_mem>>)
      %add3A_46 = arith.constant 80 : i32
      %add3A_47 = arith.addi %add3A_28, %add3A_46 : i32
      %dma_start3A_48 = arith.constant 0 : i32
      %dma_start3A_49 = tpu.memref_slice %arg3[%arg0, %add3A_47, %dma_start3A_48] : memref<2x320000x8xf32, #tpu.memory_space<hbm>> -> memref<1x80x8xf32, #tpu.memory_space<hbm>>
      %dma_start3A_50 = tpu.memref_squeeze %dma_start3A_49 : memref<1x80x8xf32, #tpu.memory_space<hbm>> -> memref<80x8xf32, #tpu.memory_space<hbm>>
      %dma_start3A_51 = arith.constant 0 : i32
      %dma_start3A_52 = tpu.memref_slice %arg3[%arg0, %add3A_47, %dma_start3A_51] : memref<2x320000x8xf32, #tpu.memory_space<hbm>> -> memref<1x80x8xf32, #tpu.memory_space<hbm>>
      %dma_start3A_53 = tpu.memref_squeeze %dma_start3A_52 : memref<1x80x8xf32, #tpu.memory_space<hbm>> -> memref<80x8xf32, #tpu.memory_space<hbm>>
      tpu.enqueue_dma source(%dma_start3A_53 : memref<80x8xf32, #tpu.memory_space<hbm>>) target(%arg12 : memref<80x8xf32, #tpu.memory_space<vmem>>) target_semaphore(%arg16 : memref<!tpu.dma_semaphore, #tpu.memory_space<semaphore_mem>>)
      %dma_wait3A = tpu.memref_slice %arg2[%add3A_21] : memref<1280000xi32, #tpu.memory_space<hbm>> -> memref<80xi32, #tpu.memory_space<hbm>>
      %dma_wait3A_54 = tpu.memref_slice %arg2[%add3A_21] : memref<1280000xi32, #tpu.memory_space<hbm>> -> memref<80xi32, #tpu.memory_space<hbm>>
      tpu.wait_dma2 semaphore(%arg15 : memref<!tpu.dma_semaphore, #tpu.memory_space<semaphore_mem>>) src(%dma_wait3A_54 : memref<80xi32, #tpu.memory_space<hbm>>) dst(%arg7 : memref<80xi32, #tpu.memory_space<vmem>>)
      %dma_wait3A_55 = tpu.memref_slice %arg2[%add3A_31] : memref<1280000xi32, #tpu.memory_space<hbm>> -> memref<80xi32, #tpu.memory_space<hbm>>
      %dma_wait3A_56 = tpu.memref_slice %arg2[%add3A_31] : memref<1280000xi32, #tpu.memory_space<hbm>> -> memref<80xi32, #tpu.memory_space<hbm>>
      tpu.wait_dma2 semaphore(%arg15 : memref<!tpu.dma_semaphore, #tpu.memory_space<semaphore_mem>>) src(%dma_wait3A_56 : memref<80xi32, #tpu.memory_space<hbm>>) dst(%arg8 : memref<80xi32, #tpu.memory_space<vmem>>)
      %dma_wait3A_57 = arith.constant 0 : i32
      %dma_wait3A_58 = tpu.memref_slice %arg3[%arg0, %add3A_28, %dma_wait3A_57] : memref<2x320000x8xf32, #tpu.memory_space<hbm>> -> memref<1x80x8xf32, #tpu.memory_space<hbm>>
      %dma_wait3A_59 = tpu.memref_squeeze %dma_wait3A_58 : memref<1x80x8xf32, #tpu.memory_space<hbm>> -> memref<80x8xf32, #tpu.memory_space<hbm>>
      %dma_wait3A_60 = arith.constant 0 : i32
      %dma_wait3A_61 = tpu.memref_slice %arg3[%arg0, %add3A_28, %dma_wait3A_60] : memref<2x320000x8xf32, #tpu.memory_space<hbm>> -> memref<1x80x8xf32, #tpu.memory_space<hbm>>
      %dma_wait3A_62 = tpu.memref_squeeze %dma_wait3A_61 : memref<1x80x8xf32, #tpu.memory_space<hbm>> -> memref<80x8xf32, #tpu.memory_space<hbm>>
      tpu.wait_dma2 semaphore(%arg15 : memref<!tpu.dma_semaphore, #tpu.memory_space<semaphore_mem>>) src(%dma_wait3A_62 : memref<80x8xf32, #tpu.memory_space<hbm>>) dst(%arg9 : memref<80x8xf32, #tpu.memory_space<vmem>>)
      "tpu.region"() ({
        %run_scoped3A = tpu.sem_alloc : memref<!tpu.dma_semaphore, #tpu.memory_space<semaphore_mem>>
        %dma_start3A_73 = arith.constant 0 : i32
        %dma_start3A_74 = arith.constant 0 : i32
        %dma_start3A_75 = tpu.memref_slice %arg14[%dma_start3A_73, %dma_start3A_74] : memref<10000x8xf32, #tpu.memory_space<vmem_shared>> -> memref<10000x8xf32, #tpu.memory_space<vmem_shared>>
        tpu.enqueue_indirect_dma source(%arg13 : memref<80x8xf32, #tpu.memory_space<vmem>>) target(%dma_start3A_75 : memref<10000x8xf32, #tpu.memory_space<vmem_shared>>) offsets(%arg7 : memref<80xi32, #tpu.memory_space<vmem>>) semaphore(%run_scoped3A : memref<!tpu.dma_semaphore, #tpu.memory_space<semaphore_mem>>) {add = true}
        %dma_wait3A_76 = arith.constant 0 : i32
        %dma_wait3A_77 = arith.constant 0 : i32
        %dma_wait3A_78 = tpu.memref_slice %arg14[%dma_wait3A_76, %dma_wait3A_77] : memref<10000x8xf32, #tpu.memory_space<vmem_shared>> -> memref<10000x8xf32, #tpu.memory_space<vmem_shared>>
        tpu.wait_indirect_dma semaphore(%run_scoped3A : memref<!tpu.dma_semaphore, #tpu.memory_space<semaphore_mem>>) src(%arg13 : memref<80x8xf32, #tpu.memory_space<vmem>>) dst(%dma_wait3A_78 : memref<10000x8xf32, #tpu.memory_space<vmem_shared>>)
        tpu.yield
      }) : () -> ()
      "tpu.region"() ({
        %run_scoped3A = tpu.sem_alloc : memref<!tpu.dma_semaphore, #tpu.memory_space<semaphore_mem>>
        %dma_start3A_73 = arith.constant 0 : i32
        %dma_start3A_74 = arith.constant 0 : i32
        %dma_start3A_75 = tpu.memref_slice %arg14[%dma_start3A_73, %dma_start3A_74] : memref<10000x8xf32, #tpu.memory_space<vmem_shared>> -> memref<10000x8xf32, #tpu.memory_space<vmem_shared>>
        tpu.enqueue_indirect_dma source(%arg9 : memref<80x8xf32, #tpu.memory_space<vmem>>) target(%dma_start3A_75 : memref<10000x8xf32, #tpu.memory_space<vmem_shared>>) offsets(%arg8 : memref<80xi32, #tpu.memory_space<vmem>>) semaphore(%run_scoped3A : memref<!tpu.dma_semaphore, #tpu.memory_space<semaphore_mem>>) {add = true}
        %dma_wait3A_76 = arith.constant 0 : i32
        %dma_wait3A_77 = arith.constant 0 : i32
        %dma_wait3A_78 = tpu.memref_slice %arg14[%dma_wait3A_76, %dma_wait3A_77] : memref<10000x8xf32, #tpu.memory_space<vmem_shared>> -> memref<10000x8xf32, #tpu.memory_space<vmem_shared>>
        tpu.wait_indirect_dma semaphore(%run_scoped3A : memref<!tpu.dma_semaphore, #tpu.memory_space<semaphore_mem>>) src(%arg9 : memref<80x8xf32, #tpu.memory_space<vmem>>) dst(%dma_wait3A_78 : memref<10000x8xf32, #tpu.memory_space<vmem_shared>>)
        tpu.yield
      }) : () -> ()
      %dma_wait3A_63 = tpu.memref_slice %arg2[%add3A_23] : memref<1280000xi32, #tpu.memory_space<hbm>> -> memref<80xi32, #tpu.memory_space<hbm>>
      %dma_wait3A_64 = tpu.memref_slice %arg2[%add3A_23] : memref<1280000xi32, #tpu.memory_space<hbm>> -> memref<80xi32, #tpu.memory_space<hbm>>
      tpu.wait_dma2 semaphore(%arg16 : memref<!tpu.dma_semaphore, #tpu.memory_space<semaphore_mem>>) src(%dma_wait3A_64 : memref<80xi32, #tpu.memory_space<hbm>>) dst(%arg10 : memref<80xi32, #tpu.memory_space<vmem>>)
      %dma_wait3A_65 = tpu.memref_slice %arg2[%add3A_43] : memref<1280000xi32, #tpu.memory_space<hbm>> -> memref<80xi32, #tpu.memory_space<hbm>>
      %dma_wait3A_66 = tpu.memref_slice %arg2[%add3A_43] : memref<1280000xi32, #tpu.memory_space<hbm>> -> memref<80xi32, #tpu.memory_space<hbm>>
      tpu.wait_dma2 semaphore(%arg16 : memref<!tpu.dma_semaphore, #tpu.memory_space<semaphore_mem>>) src(%dma_wait3A_66 : memref<80xi32, #tpu.memory_space<hbm>>) dst(%arg11 : memref<80xi32, #tpu.memory_space<vmem>>)
      %dma_wait3A_67 = arith.constant 0 : i32
      %dma_wait3A_68 = tpu.memref_slice %arg3[%arg0, %add3A_47, %dma_wait3A_67] : memref<2x320000x8xf32, #tpu.memory_space<hbm>> -> memref<1x80x8xf32, #tpu.memory_space<hbm>>
      %dma_wait3A_69 = tpu.memref_squeeze %dma_wait3A_68 : memref<1x80x8xf32, #tpu.memory_space<hbm>> -> memref<80x8xf32, #tpu.memory_space<hbm>>
      %dma_wait3A_70 = arith.constant 0 : i32
      %dma_wait3A_71 = tpu.memref_slice %arg3[%arg0, %add3A_47, %dma_wait3A_70] : memref<2x320000x8xf32, #tpu.memory_space<hbm>> -> memref<1x80x8xf32, #tpu.memory_space<hbm>>
      %dma_wait3A_72 = tpu.memref_squeeze %dma_wait3A_71 : memref<1x80x8xf32, #tpu.memory_space<hbm>> -> memref<80x8xf32, #tpu.memory_space<hbm>>
      tpu.wait_dma2 semaphore(%arg16 : memref<!tpu.dma_semaphore, #tpu.memory_space<semaphore_mem>>) src(%dma_wait3A_72 : memref<80x8xf32, #tpu.memory_space<hbm>>) dst(%arg12 : memref<80x8xf32, #tpu.memory_space<vmem>>)
      "tpu.region"() ({
        %run_scoped3A = tpu.sem_alloc : memref<!tpu.dma_semaphore, #tpu.memory_space<semaphore_mem>>
        %dma_start3A_73 = arith.constant 0 : i32
        %dma_start3A_74 = arith.constant 0 : i32
        %dma_start3A_75 = tpu.memref_slice %arg14[%dma_start3A_73, %dma_start3A_74] : memref<10000x8xf32, #tpu.memory_space<vmem_shared>> -> memref<10000x8xf32, #tpu.memory_space<vmem_shared>>
        tpu.enqueue_indirect_dma source(%arg13 : memref<80x8xf32, #tpu.memory_space<vmem>>) target(%dma_start3A_75 : memref<10000x8xf32, #tpu.memory_space<vmem_shared>>) offsets(%arg10 : memref<80xi32, #tpu.memory_space<vmem>>) semaphore(%run_scoped3A : memref<!tpu.dma_semaphore, #tpu.memory_space<semaphore_mem>>) {add = true}
        %dma_wait3A_76 = arith.constant 0 : i32
        %dma_wait3A_77 = arith.constant 0 : i32
        %dma_wait3A_78 = tpu.memref_slice %arg14[%dma_wait3A_76, %dma_wait3A_77] : memref<10000x8xf32, #tpu.memory_space<vmem_shared>> -> memref<10000x8xf32, #tpu.memory_space<vmem_shared>>
        tpu.wait_indirect_dma semaphore(%run_scoped3A : memref<!tpu.dma_semaphore, #tpu.memory_space<semaphore_mem>>) src(%arg13 : memref<80x8xf32, #tpu.memory_space<vmem>>) dst(%dma_wait3A_78 : memref<10000x8xf32, #tpu.memory_space<vmem_shared>>)
        tpu.yield
      }) : () -> ()
      "tpu.region"() ({
        %run_scoped3A = tpu.sem_alloc : memref<!tpu.dma_semaphore, #tpu.memory_space<semaphore_mem>>
        %dma_start3A_73 = arith.constant 0 : i32
        %dma_start3A_74 = arith.constant 0 : i32
        %dma_start3A_75 = tpu.memref_slice %arg14[%dma_start3A_73, %dma_start3A_74] : memref<10000x8xf32, #tpu.memory_space<vmem_shared>> -> memref<10000x8xf32, #tpu.memory_space<vmem_shared>>
        tpu.enqueue_indirect_dma source(%arg12 : memref<80x8xf32, #tpu.memory_space<vmem>>) target(%dma_start3A_75 : memref<10000x8xf32, #tpu.memory_space<vmem_shared>>) offsets(%arg11 : memref<80xi32, #tpu.memory_space<vmem>>) semaphore(%run_scoped3A : memref<!tpu.dma_semaphore, #tpu.memory_space<semaphore_mem>>) {add = true}
        %dma_wait3A_76 = arith.constant 0 : i32
        %dma_wait3A_77 = arith.constant 0 : i32
        %dma_wait3A_78 = tpu.memref_slice %arg14[%dma_wait3A_76, %dma_wait3A_77] : memref<10000x8xf32, #tpu.memory_space<vmem_shared>> -> memref<10000x8xf32, #tpu.memory_space<vmem_shared>>
        tpu.wait_indirect_dma semaphore(%run_scoped3A : memref<!tpu.dma_semaphore, #tpu.memory_space<semaphore_mem>>) src(%arg12 : memref<80x8xf32, #tpu.memory_space<vmem>>) dst(%dma_wait3A_78 : memref<10000x8xf32, #tpu.memory_space<vmem_shared>>)
        tpu.yield
      }) : () -> ()
    }
    %scan3A_9 = arith.constant 125 : i32
    %barrier3A_10 = arith.constant 0 : index
    tpu.barrier barrier_id(%barrier3A_10)
    %eq3A_11 = arith.constant 0 : i32
    %eq3A_12 = arith.cmpi eq, %arg1, %eq3A_11 : i32
    %convert_element_type3A_13 = arith.extui %eq3A_12 : i1 to i32
    %cond3A_14 = arith.constant 0 : i32
    %cond3A_15 = arith.cmpi ne, %convert_element_type3A_13, %cond3A_14 : i32
    scf.if %cond3A_15 {
      "tpu.region"() ({
        %run_scoped3A = tpu.sem_alloc : memref<!tpu.dma_semaphore, #tpu.memory_space<semaphore_mem>>
        %dma_start3A = arith.constant 0 : i32
        %dma_start3A_16 = arith.constant 0 : i32
        %dma_start3A_17 = tpu.memref_slice %arg6[%arg0, %dma_start3A, %dma_start3A_16] : memref<2x10000x8xf32, #tpu.memory_space<hbm>> -> memref<1x10000x8xf32, #tpu.memory_space<hbm>>
        %dma_start3A_18 = tpu.memref_squeeze %dma_start3A_17 : memref<1x10000x8xf32, #tpu.memory_space<hbm>> -> memref<10000x8xf32, #tpu.memory_space<hbm>>
        tpu.enqueue_dma source(%arg14 : memref<10000x8xf32, #tpu.memory_space<vmem_shared>>) target(%dma_start3A_18 : memref<10000x8xf32, #tpu.memory_space<hbm>>) target_semaphore(%run_scoped3A : memref<!tpu.dma_semaphore, #tpu.memory_space<semaphore_mem>>)
        %dma_wait3A = arith.constant 0 : i32
        %dma_wait3A_19 = arith.constant 0 : i32
        %dma_wait3A_20 = tpu.memref_slice %arg6[%arg0, %dma_wait3A, %dma_wait3A_19] : memref<2x10000x8xf32, #tpu.memory_space<hbm>> -> memref<1x10000x8xf32, #tpu.memory_space<hbm>>
        %dma_wait3A_21 = tpu.memref_squeeze %dma_wait3A_20 : memref<1x10000x8xf32, #tpu.memory_space<hbm>> -> memref<10000x8xf32, #tpu.memory_space<hbm>>
        tpu.wait_dma2 semaphore(%run_scoped3A : memref<!tpu.dma_semaphore, #tpu.memory_space<semaphore_mem>>) src(%arg14 : memref<10000x8xf32, #tpu.memory_space<vmem_shared>>) dst(%dma_wait3A_21 : memref<10000x8xf32, #tpu.memory_space<hbm>>)
        tpu.yield
      }) : () -> ()
    } else {
    }
    return
  }
}

#map = affine_map<(d0, d1) -> (0, 0)>
#map1 = affine_map<(d0, d1) -> (0)>
#map2 = affine_map<(d0, d1) -> (0, 0, 0)>
module attributes {stable_mosaic.version = 14 : i64} {
  func.func @_seg_body(%arg0: i32, %arg1: i32, %arg2: memref<20000x128xf32, #tpu.memory_space<hbm>>, %arg3: memref<1280000xi32, #tpu.memory_space<hbm>>, %arg4: memref<2x10000x128xf32, #tpu.memory_space<hbm>>, %arg5: memref<2x10000x128xf32, #tpu.memory_space<hbm>>, %arg6: memref<80xi32, #tpu.memory_space<vmem>>, %arg7: memref<80xi32, #tpu.memory_space<vmem>>, %arg8: memref<80xi32, #tpu.memory_space<vmem>>, %arg9: memref<80xi32, #tpu.memory_space<vmem>>, %arg10: memref<80xi32, #tpu.memory_space<vmem>>, %arg11: memref<80xi32, #tpu.memory_space<vmem>>, %arg12: memref<80xi32, #tpu.memory_space<vmem>>, %arg13: memref<80xi32, #tpu.memory_space<vmem>>, %arg14: memref<80x128xf32, #tpu.memory_space<vmem>>, %arg15: memref<80x128xf32, #tpu.memory_space<vmem>>, %arg16: memref<80x128xf32, #tpu.memory_space<vmem>>, %arg17: memref<80x128xf32, #tpu.memory_space<vmem>>, %arg18: memref<10000x128xf32, #tpu.memory_space<vmem_shared>>, %arg19: memref<!tpu.dma_semaphore, #tpu.memory_space<semaphore_mem>>, %arg20: memref<!tpu.dma_semaphore, #tpu.memory_space<semaphore_mem>>, %arg21: memref<!tpu.dma_semaphore, #tpu.memory_space<semaphore_mem>>, %arg22: memref<!tpu.dma_semaphore, #tpu.memory_space<semaphore_mem>>, %arg23: memref<!tpu.dma_semaphore, #tpu.memory_space<semaphore_mem>>, %arg24: memref<!tpu.dma_semaphore, #tpu.memory_space<semaphore_mem>>, %arg25: memref<!tpu.dma_semaphore, #tpu.memory_space<semaphore_mem>>, %arg26: memref<!tpu.dma_semaphore, #tpu.memory_space<semaphore_mem>>) attributes {dimension_semantics = [#tpu.dimension_semantics<core_parallel>, #tpu.dimension_semantics<subcore_parallel>], iteration_bounds = array<i64: 2, 16>, scalar_prefetch = 0 : i64, scratch_operands = 21 : i64, tpu.core_type = #tpu.core_type<sc_vector_subcore>, window_params = [{transform_indices = #map}, {transform_indices = #map1}, {transform_indices = #map2}, {transform_indices = #map2}]} {
    %eq3A = arith.constant 0 : i32
    %eq3A_0 = arith.cmpi eq, %arg1, %eq3A : i32
    %convert_element_type3A = arith.extui %eq3A_0 : i1 to i32
    %cond3A = arith.constant 0 : i32
    %cond3A_1 = arith.cmpi ne, %convert_element_type3A, %cond3A : i32
    scf.if %cond3A_1 {
      "tpu.region"() ({
        %run_scoped3A = tpu.sem_alloc : memref<!tpu.dma_semaphore, #tpu.memory_space<semaphore_mem>>
        %dma_start3A_68 = arith.constant 0 : i32
        %dma_start3A_69 = arith.constant 0 : i32
        %dma_start3A_70 = tpu.memref_slice %arg4[%arg0, %dma_start3A_68, %dma_start3A_69] : memref<2x10000x128xf32, #tpu.memory_space<hbm>> -> memref<1x10000x128xf32, #tpu.memory_space<hbm>>
        %dma_start3A_71 = tpu.memref_squeeze %dma_start3A_70 : memref<1x10000x128xf32, #tpu.memory_space<hbm>> -> memref<10000x128xf32, #tpu.memory_space<hbm>>
        tpu.enqueue_dma source(%dma_start3A_71 : memref<10000x128xf32, #tpu.memory_space<hbm>>) target(%arg18 : memref<10000x128xf32, #tpu.memory_space<vmem_shared>>) target_semaphore(%run_scoped3A : memref<!tpu.dma_semaphore, #tpu.memory_space<semaphore_mem>>)
        %dma_wait3A_72 = arith.constant 0 : i32
        %dma_wait3A_73 = arith.constant 0 : i32
        %dma_wait3A_74 = tpu.memref_slice %arg4[%arg0, %dma_wait3A_72, %dma_wait3A_73] : memref<2x10000x128xf32, #tpu.memory_space<hbm>> -> memref<1x10000x128xf32, #tpu.memory_space<hbm>>
        %dma_wait3A_75 = tpu.memref_squeeze %dma_wait3A_74 : memref<1x10000x128xf32, #tpu.memory_space<hbm>> -> memref<10000x128xf32, #tpu.memory_space<hbm>>
        tpu.wait_dma2 semaphore(%run_scoped3A : memref<!tpu.dma_semaphore, #tpu.memory_space<semaphore_mem>>) src(%dma_wait3A_75 : memref<10000x128xf32, #tpu.memory_space<hbm>>) dst(%arg18 : memref<10000x128xf32, #tpu.memory_space<vmem_shared>>)
        tpu.yield
      }) : () -> ()
    } else {
    }
    %barrier3A = arith.constant 0 : index
    tpu.barrier barrier_id(%barrier3A)
    %mul3A = arith.constant 640000 : i32
    %mul3A_2 = arith.muli %arg0, %mul3A : i32
    %mul3A_3 = arith.constant 20000 : i32
    %mul3A_4 = arith.muli %arg1, %mul3A_3 : i32
    %add3A = arith.addi %mul3A_2, %mul3A_4 : i32
    %scan3A = arith.constant 0 : i32
    %scan3A_5 = arith.constant 0 : i32
    %scan3A_6 = arith.constant 62 : i32
    %scan3A_7 = arith.addi %scan3A_5, %scan3A_6 : i32
    %scan3A_8 = arith.constant 1 : i32
    scf.for %scan3A_68 = %scan3A_5 to %scan3A_7 step %scan3A_8  : i32 {
      %mul3A_69 = arith.constant 4 : i32
      %mul3A_70 = arith.muli %scan3A_68, %mul3A_69 : i32
      %mul3A_71 = arith.constant 80 : i32
      %mul3A_72 = arith.muli %mul3A_70, %mul3A_71 : i32
      %add3A_73 = arith.addi %add3A, %mul3A_72 : i32
      %add3A_74 = arith.constant 0 : i32
      %add3A_75 = arith.addi %add3A_73, %add3A_74 : i32
      %dma_start3A_76 = tpu.memref_slice %arg3[%add3A_75] : memref<1280000xi32, #tpu.memory_space<hbm>> -> memref<80xi32, #tpu.memory_space<hbm>>
      %dma_start3A_77 = tpu.memref_slice %arg3[%add3A_75] : memref<1280000xi32, #tpu.memory_space<hbm>> -> memref<80xi32, #tpu.memory_space<hbm>>
      tpu.enqueue_dma source(%dma_start3A_77 : memref<80xi32, #tpu.memory_space<hbm>>) target(%arg6 : memref<80xi32, #tpu.memory_space<vmem>>) target_semaphore(%arg19 : memref<!tpu.dma_semaphore, #tpu.memory_space<semaphore_mem>>)
      %add3A_78 = arith.constant 0 : i32
      %add3A_79 = arith.addi %add3A_73, %add3A_78 : i32
      %add3A_80 = arith.constant 320000 : i32
      %add3A_81 = arith.addi %add3A_79, %add3A_80 : i32
      %dma_start3A_82 = tpu.memref_slice %arg3[%add3A_81] : memref<1280000xi32, #tpu.memory_space<hbm>> -> memref<80xi32, #tpu.memory_space<hbm>>
      %dma_start3A_83 = tpu.memref_slice %arg3[%add3A_81] : memref<1280000xi32, #tpu.memory_space<hbm>> -> memref<80xi32, #tpu.memory_space<hbm>>
      tpu.enqueue_dma source(%dma_start3A_83 : memref<80xi32, #tpu.memory_space<hbm>>) target(%arg7 : memref<80xi32, #tpu.memory_space<vmem>>) target_semaphore(%arg19 : memref<!tpu.dma_semaphore, #tpu.memory_space<semaphore_mem>>)
      %add3A_84 = arith.constant 80 : i32
      %add3A_85 = arith.addi %add3A_73, %add3A_84 : i32
      %dma_start3A_86 = tpu.memref_slice %arg3[%add3A_85] : memref<1280000xi32, #tpu.memory_space<hbm>> -> memref<80xi32, #tpu.memory_space<hbm>>
      %dma_start3A_87 = tpu.memref_slice %arg3[%add3A_85] : memref<1280000xi32, #tpu.memory_space<hbm>> -> memref<80xi32, #tpu.memory_space<hbm>>
      tpu.enqueue_dma source(%dma_start3A_87 : memref<80xi32, #tpu.memory_space<hbm>>) target(%arg8 : memref<80xi32, #tpu.memory_space<vmem>>) target_semaphore(%arg20 : memref<!tpu.dma_semaphore, #tpu.memory_space<semaphore_mem>>)
      %add3A_88 = arith.constant 80 : i32
      %add3A_89 = arith.addi %add3A_73, %add3A_88 : i32
      %add3A_90 = arith.constant 320000 : i32
      %add3A_91 = arith.addi %add3A_89, %add3A_90 : i32
      %dma_start3A_92 = tpu.memref_slice %arg3[%add3A_91] : memref<1280000xi32, #tpu.memory_space<hbm>> -> memref<80xi32, #tpu.memory_space<hbm>>
      %dma_start3A_93 = tpu.memref_slice %arg3[%add3A_91] : memref<1280000xi32, #tpu.memory_space<hbm>> -> memref<80xi32, #tpu.memory_space<hbm>>
      tpu.enqueue_dma source(%dma_start3A_93 : memref<80xi32, #tpu.memory_space<hbm>>) target(%arg9 : memref<80xi32, #tpu.memory_space<vmem>>) target_semaphore(%arg20 : memref<!tpu.dma_semaphore, #tpu.memory_space<semaphore_mem>>)
      %add3A_94 = arith.constant 160 : i32
      %add3A_95 = arith.addi %add3A_73, %add3A_94 : i32
      %dma_start3A_96 = tpu.memref_slice %arg3[%add3A_95] : memref<1280000xi32, #tpu.memory_space<hbm>> -> memref<80xi32, #tpu.memory_space<hbm>>
      %dma_start3A_97 = tpu.memref_slice %arg3[%add3A_95] : memref<1280000xi32, #tpu.memory_space<hbm>> -> memref<80xi32, #tpu.memory_space<hbm>>
      tpu.enqueue_dma source(%dma_start3A_97 : memref<80xi32, #tpu.memory_space<hbm>>) target(%arg10 : memref<80xi32, #tpu.memory_space<vmem>>) target_semaphore(%arg21 : memref<!tpu.dma_semaphore, #tpu.memory_space<semaphore_mem>>)
      %add3A_98 = arith.constant 160 : i32
      %add3A_99 = arith.addi %add3A_73, %add3A_98 : i32
      %add3A_100 = arith.constant 320000 : i32
      %add3A_101 = arith.addi %add3A_99, %add3A_100 : i32
      %dma_start3A_102 = tpu.memref_slice %arg3[%add3A_101] : memref<1280000xi32, #tpu.memory_space<hbm>> -> memref<80xi32, #tpu.memory_space<hbm>>
      %dma_start3A_103 = tpu.memref_slice %arg3[%add3A_101] : memref<1280000xi32, #tpu.memory_space<hbm>> -> memref<80xi32, #tpu.memory_space<hbm>>
      tpu.enqueue_dma source(%dma_start3A_103 : memref<80xi32, #tpu.memory_space<hbm>>) target(%arg11 : memref<80xi32, #tpu.memory_space<vmem>>) target_semaphore(%arg21 : memref<!tpu.dma_semaphore, #tpu.memory_space<semaphore_mem>>)
      %add3A_104 = arith.constant 240 : i32
      %add3A_105 = arith.addi %add3A_73, %add3A_104 : i32
      %dma_start3A_106 = tpu.memref_slice %arg3[%add3A_105] : memref<1280000xi32, #tpu.memory_space<hbm>> -> memref<80xi32, #tpu.memory_space<hbm>>
      %dma_start3A_107 = tpu.memref_slice %arg3[%add3A_105] : memref<1280000xi32, #tpu.memory_space<hbm>> -> memref<80xi32, #tpu.memory_space<hbm>>
      tpu.enqueue_dma source(%dma_start3A_107 : memref<80xi32, #tpu.memory_space<hbm>>) target(%arg12 : memref<80xi32, #tpu.memory_space<vmem>>) target_semaphore(%arg22 : memref<!tpu.dma_semaphore, #tpu.memory_space<semaphore_mem>>)
      %add3A_108 = arith.constant 240 : i32
      %add3A_109 = arith.addi %add3A_73, %add3A_108 : i32
      %add3A_110 = arith.constant 320000 : i32
      %add3A_111 = arith.addi %add3A_109, %add3A_110 : i32
      %dma_start3A_112 = tpu.memref_slice %arg3[%add3A_111] : memref<1280000xi32, #tpu.memory_space<hbm>> -> memref<80xi32, #tpu.memory_space<hbm>>
      %dma_start3A_113 = tpu.memref_slice %arg3[%add3A_111] : memref<1280000xi32, #tpu.memory_space<hbm>> -> memref<80xi32, #tpu.memory_space<hbm>>
      tpu.enqueue_dma source(%dma_start3A_113 : memref<80xi32, #tpu.memory_space<hbm>>) target(%arg13 : memref<80xi32, #tpu.memory_space<vmem>>) target_semaphore(%arg22 : memref<!tpu.dma_semaphore, #tpu.memory_space<semaphore_mem>>)
      %dma_wait3A_114 = tpu.memref_slice %arg3[%add3A_75] : memref<1280000xi32, #tpu.memory_space<hbm>> -> memref<80xi32, #tpu.memory_space<hbm>>
      %dma_wait3A_115 = tpu.memref_slice %arg3[%add3A_75] : memref<1280000xi32, #tpu.memory_space<hbm>> -> memref<80xi32, #tpu.memory_space<hbm>>
      tpu.wait_dma2 semaphore(%arg19 : memref<!tpu.dma_semaphore, #tpu.memory_space<semaphore_mem>>) src(%dma_wait3A_115 : memref<80xi32, #tpu.memory_space<hbm>>) dst(%arg6 : memref<80xi32, #tpu.memory_space<vmem>>)
      %dma_wait3A_116 = tpu.memref_slice %arg3[%add3A_81] : memref<1280000xi32, #tpu.memory_space<hbm>> -> memref<80xi32, #tpu.memory_space<hbm>>
      %dma_wait3A_117 = tpu.memref_slice %arg3[%add3A_81] : memref<1280000xi32, #tpu.memory_space<hbm>> -> memref<80xi32, #tpu.memory_space<hbm>>
      tpu.wait_dma2 semaphore(%arg19 : memref<!tpu.dma_semaphore, #tpu.memory_space<semaphore_mem>>) src(%dma_wait3A_117 : memref<80xi32, #tpu.memory_space<hbm>>) dst(%arg7 : memref<80xi32, #tpu.memory_space<vmem>>)
      %dma_start3A_118 = arith.constant 0 : i32
      %dma_start3A_119 = arith.constant 0 : i32
      %dma_start3A_120 = tpu.memref_slice %arg2[%dma_start3A_118, %dma_start3A_119] : memref<20000x128xf32, #tpu.memory_space<hbm>> -> memref<20000x128xf32, #tpu.memory_space<hbm>>
      tpu.enqueue_indirect_dma source(%dma_start3A_120 : memref<20000x128xf32, #tpu.memory_space<hbm>>) target(%arg14 : memref<80x128xf32, #tpu.memory_space<vmem>>) offsets(%arg6 : memref<80xi32, #tpu.memory_space<vmem>>) semaphore(%arg23 : memref<!tpu.dma_semaphore, #tpu.memory_space<semaphore_mem>>)
      %dma_wait3A_121 = tpu.memref_slice %arg3[%add3A_85] : memref<1280000xi32, #tpu.memory_space<hbm>> -> memref<80xi32, #tpu.memory_space<hbm>>
      %dma_wait3A_122 = tpu.memref_slice %arg3[%add3A_85] : memref<1280000xi32, #tpu.memory_space<hbm>> -> memref<80xi32, #tpu.memory_space<hbm>>
      tpu.wait_dma2 semaphore(%arg20 : memref<!tpu.dma_semaphore, #tpu.memory_space<semaphore_mem>>) src(%dma_wait3A_122 : memref<80xi32, #tpu.memory_space<hbm>>) dst(%arg8 : memref<80xi32, #tpu.memory_space<vmem>>)
      %dma_wait3A_123 = tpu.memref_slice %arg3[%add3A_91] : memref<1280000xi32, #tpu.memory_space<hbm>> -> memref<80xi32, #tpu.memory_space<hbm>>
      %dma_wait3A_124 = tpu.memref_slice %arg3[%add3A_91] : memref<1280000xi32, #tpu.memory_space<hbm>> -> memref<80xi32, #tpu.memory_space<hbm>>
      tpu.wait_dma2 semaphore(%arg20 : memref<!tpu.dma_semaphore, #tpu.memory_space<semaphore_mem>>) src(%dma_wait3A_124 : memref<80xi32, #tpu.memory_space<hbm>>) dst(%arg9 : memref<80xi32, #tpu.memory_space<vmem>>)
      %dma_start3A_125 = arith.constant 0 : i32
      %dma_start3A_126 = arith.constant 0 : i32
      %dma_start3A_127 = tpu.memref_slice %arg2[%dma_start3A_125, %dma_start3A_126] : memref<20000x128xf32, #tpu.memory_space<hbm>> -> memref<20000x128xf32, #tpu.memory_space<hbm>>
      tpu.enqueue_indirect_dma source(%dma_start3A_127 : memref<20000x128xf32, #tpu.memory_space<hbm>>) target(%arg15 : memref<80x128xf32, #tpu.memory_space<vmem>>) offsets(%arg8 : memref<80xi32, #tpu.memory_space<vmem>>) semaphore(%arg24 : memref<!tpu.dma_semaphore, #tpu.memory_space<semaphore_mem>>)
      %dma_wait3A_128 = tpu.memref_slice %arg3[%add3A_95] : memref<1280000xi32, #tpu.memory_space<hbm>> -> memref<80xi32, #tpu.memory_space<hbm>>
      %dma_wait3A_129 = tpu.memref_slice %arg3[%add3A_95] : memref<1280000xi32, #tpu.memory_space<hbm>> -> memref<80xi32, #tpu.memory_space<hbm>>
      tpu.wait_dma2 semaphore(%arg21 : memref<!tpu.dma_semaphore, #tpu.memory_space<semaphore_mem>>) src(%dma_wait3A_129 : memref<80xi32, #tpu.memory_space<hbm>>) dst(%arg10 : memref<80xi32, #tpu.memory_space<vmem>>)
      %dma_wait3A_130 = tpu.memref_slice %arg3[%add3A_101] : memref<1280000xi32, #tpu.memory_space<hbm>> -> memref<80xi32, #tpu.memory_space<hbm>>
      %dma_wait3A_131 = tpu.memref_slice %arg3[%add3A_101] : memref<1280000xi32, #tpu.memory_space<hbm>> -> memref<80xi32, #tpu.memory_space<hbm>>
      tpu.wait_dma2 semaphore(%arg21 : memref<!tpu.dma_semaphore, #tpu.memory_space<semaphore_mem>>) src(%dma_wait3A_131 : memref<80xi32, #tpu.memory_space<hbm>>) dst(%arg11 : memref<80xi32, #tpu.memory_space<vmem>>)
      %dma_start3A_132 = arith.constant 0 : i32
      %dma_start3A_133 = arith.constant 0 : i32
      %dma_start3A_134 = tpu.memref_slice %arg2[%dma_start3A_132, %dma_start3A_133] : memref<20000x128xf32, #tpu.memory_space<hbm>> -> memref<20000x128xf32, #tpu.memory_space<hbm>>
      tpu.enqueue_indirect_dma source(%dma_start3A_134 : memref<20000x128xf32, #tpu.memory_space<hbm>>) target(%arg16 : memref<80x128xf32, #tpu.memory_space<vmem>>) offsets(%arg10 : memref<80xi32, #tpu.memory_space<vmem>>) semaphore(%arg25 : memref<!tpu.dma_semaphore, #tpu.memory_space<semaphore_mem>>)
      %dma_wait3A_135 = tpu.memref_slice %arg3[%add3A_105] : memref<1280000xi32, #tpu.memory_space<hbm>> -> memref<80xi32, #tpu.memory_space<hbm>>
      %dma_wait3A_136 = tpu.memref_slice %arg3[%add3A_105] : memref<1280000xi32, #tpu.memory_space<hbm>> -> memref<80xi32, #tpu.memory_space<hbm>>
      tpu.wait_dma2 semaphore(%arg22 : memref<!tpu.dma_semaphore, #tpu.memory_space<semaphore_mem>>) src(%dma_wait3A_136 : memref<80xi32, #tpu.memory_space<hbm>>) dst(%arg12 : memref<80xi32, #tpu.memory_space<vmem>>)
      %dma_wait3A_137 = tpu.memref_slice %arg3[%add3A_111] : memref<1280000xi32, #tpu.memory_space<hbm>> -> memref<80xi32, #tpu.memory_space<hbm>>
      %dma_wait3A_138 = tpu.memref_slice %arg3[%add3A_111] : memref<1280000xi32, #tpu.memory_space<hbm>> -> memref<80xi32, #tpu.memory_space<hbm>>
      tpu.wait_dma2 semaphore(%arg22 : memref<!tpu.dma_semaphore, #tpu.memory_space<semaphore_mem>>) src(%dma_wait3A_138 : memref<80xi32, #tpu.memory_space<hbm>>) dst(%arg13 : memref<80xi32, #tpu.memory_space<vmem>>)
      %dma_start3A_139 = arith.constant 0 : i32
      %dma_start3A_140 = arith.constant 0 : i32
      %dma_start3A_141 = tpu.memref_slice %arg2[%dma_start3A_139, %dma_start3A_140] : memref<20000x128xf32, #tpu.memory_space<hbm>> -> memref<20000x128xf32, #tpu.memory_space<hbm>>
      tpu.enqueue_indirect_dma source(%dma_start3A_141 : memref<20000x128xf32, #tpu.memory_space<hbm>>) target(%arg17 : memref<80x128xf32, #tpu.memory_space<vmem>>) offsets(%arg12 : memref<80xi32, #tpu.memory_space<vmem>>) semaphore(%arg26 : memref<!tpu.dma_semaphore, #tpu.memory_space<semaphore_mem>>)
      %dma_wait3A_142 = arith.constant 0 : i32
      %dma_wait3A_143 = arith.constant 0 : i32
      %dma_wait3A_144 = tpu.memref_slice %arg2[%dma_wait3A_142, %dma_wait3A_143] : memref<20000x128xf32, #tpu.memory_space<hbm>> -> memref<20000x128xf32, #tpu.memory_space<hbm>>
      tpu.wait_indirect_dma semaphore(%arg23 : memref<!tpu.dma_semaphore, #tpu.memory_space<semaphore_mem>>) src(%dma_wait3A_144 : memref<20000x128xf32, #tpu.memory_space<hbm>>) dst(%arg14 : memref<80x128xf32, #tpu.memory_space<vmem>>)
      %dma_start3A_145 = arith.constant 0 : i32
      %dma_start3A_146 = arith.constant 0 : i32
      %dma_start3A_147 = tpu.memref_slice %arg18[%dma_start3A_145, %dma_start3A_146] : memref<10000x128xf32, #tpu.memory_space<vmem_shared>> -> memref<10000x128xf32, #tpu.memory_space<vmem_shared>>
      tpu.enqueue_indirect_dma source(%arg14 : memref<80x128xf32, #tpu.memory_space<vmem>>) target(%dma_start3A_147 : memref<10000x128xf32, #tpu.memory_space<vmem_shared>>) offsets(%arg7 : memref<80xi32, #tpu.memory_space<vmem>>) semaphore(%arg23 : memref<!tpu.dma_semaphore, #tpu.memory_space<semaphore_mem>>) {add = true}
      %dma_wait3A_148 = arith.constant 0 : i32
      %dma_wait3A_149 = arith.constant 0 : i32
      %dma_wait3A_150 = tpu.memref_slice %arg2[%dma_wait3A_148, %dma_wait3A_149] : memref<20000x128xf32, #tpu.memory_space<hbm>> -> memref<20000x128xf32, #tpu.memory_space<hbm>>
      tpu.wait_indirect_dma semaphore(%arg24 : memref<!tpu.dma_semaphore, #tpu.memory_space<semaphore_mem>>) src(%dma_wait3A_150 : memref<20000x128xf32, #tpu.memory_space<hbm>>) dst(%arg15 : memref<80x128xf32, #tpu.memory_space<vmem>>)
      %dma_start3A_151 = arith.constant 0 : i32
      %dma_start3A_152 = arith.constant 0 : i32
      %dma_start3A_153 = tpu.memref_slice %arg18[%dma_start3A_151, %dma_start3A_152] : memref<10000x128xf32, #tpu.memory_space<vmem_shared>> -> memref<10000x128xf32, #tpu.memory_space<vmem_shared>>
      tpu.enqueue_indirect_dma source(%arg15 : memref<80x128xf32, #tpu.memory_space<vmem>>) target(%dma_start3A_153 : memref<10000x128xf32, #tpu.memory_space<vmem_shared>>) offsets(%arg9 : memref<80xi32, #tpu.memory_space<vmem>>) semaphore(%arg24 : memref<!tpu.dma_semaphore, #tpu.memory_space<semaphore_mem>>) {add = true}
      %dma_wait3A_154 = arith.constant 0 : i32
      %dma_wait3A_155 = arith.constant 0 : i32
      %dma_wait3A_156 = tpu.memref_slice %arg2[%dma_wait3A_154, %dma_wait3A_155] : memref<20000x128xf32, #tpu.memory_space<hbm>> -> memref<20000x128xf32, #tpu.memory_space<hbm>>
      tpu.wait_indirect_dma semaphore(%arg25 : memref<!tpu.dma_semaphore, #tpu.memory_space<semaphore_mem>>) src(%dma_wait3A_156 : memref<20000x128xf32, #tpu.memory_space<hbm>>) dst(%arg16 : memref<80x128xf32, #tpu.memory_space<vmem>>)
      %dma_start3A_157 = arith.constant 0 : i32
      %dma_start3A_158 = arith.constant 0 : i32
      %dma_start3A_159 = tpu.memref_slice %arg18[%dma_start3A_157, %dma_start3A_158] : memref<10000x128xf32, #tpu.memory_space<vmem_shared>> -> memref<10000x128xf32, #tpu.memory_space<vmem_shared>>
      tpu.enqueue_indirect_dma source(%arg16 : memref<80x128xf32, #tpu.memory_space<vmem>>) target(%dma_start3A_159 : memref<10000x128xf32, #tpu.memory_space<vmem_shared>>) offsets(%arg11 : memref<80xi32, #tpu.memory_space<vmem>>) semaphore(%arg25 : memref<!tpu.dma_semaphore, #tpu.memory_space<semaphore_mem>>) {add = true}
      %dma_wait3A_160 = arith.constant 0 : i32
      %dma_wait3A_161 = arith.constant 0 : i32
      %dma_wait3A_162 = tpu.memref_slice %arg2[%dma_wait3A_160, %dma_wait3A_161] : memref<20000x128xf32, #tpu.memory_space<hbm>> -> memref<20000x128xf32, #tpu.memory_space<hbm>>
      tpu.wait_indirect_dma semaphore(%arg26 : memref<!tpu.dma_semaphore, #tpu.memory_space<semaphore_mem>>) src(%dma_wait3A_162 : memref<20000x128xf32, #tpu.memory_space<hbm>>) dst(%arg17 : memref<80x128xf32, #tpu.memory_space<vmem>>)
      %dma_start3A_163 = arith.constant 0 : i32
      %dma_start3A_164 = arith.constant 0 : i32
      %dma_start3A_165 = tpu.memref_slice %arg18[%dma_start3A_163, %dma_start3A_164] : memref<10000x128xf32, #tpu.memory_space<vmem_shared>> -> memref<10000x128xf32, #tpu.memory_space<vmem_shared>>
      tpu.enqueue_indirect_dma source(%arg17 : memref<80x128xf32, #tpu.memory_space<vmem>>) target(%dma_start3A_165 : memref<10000x128xf32, #tpu.memory_space<vmem_shared>>) offsets(%arg13 : memref<80xi32, #tpu.memory_space<vmem>>) semaphore(%arg26 : memref<!tpu.dma_semaphore, #tpu.memory_space<semaphore_mem>>) {add = true}
      %dma_wait3A_166 = arith.constant 0 : i32
      %dma_wait3A_167 = arith.constant 0 : i32
      %dma_wait3A_168 = tpu.memref_slice %arg18[%dma_wait3A_166, %dma_wait3A_167] : memref<10000x128xf32, #tpu.memory_space<vmem_shared>> -> memref<10000x128xf32, #tpu.memory_space<vmem_shared>>
      tpu.wait_indirect_dma semaphore(%arg23 : memref<!tpu.dma_semaphore, #tpu.memory_space<semaphore_mem>>) src(%arg14 : memref<80x128xf32, #tpu.memory_space<vmem>>) dst(%dma_wait3A_168 : memref<10000x128xf32, #tpu.memory_space<vmem_shared>>)
      %dma_wait3A_169 = arith.constant 0 : i32
      %dma_wait3A_170 = arith.constant 0 : i32
      %dma_wait3A_171 = tpu.memref_slice %arg18[%dma_wait3A_169, %dma_wait3A_170] : memref<10000x128xf32, #tpu.memory_space<vmem_shared>> -> memref<10000x128xf32, #tpu.memory_space<vmem_shared>>
      tpu.wait_indirect_dma semaphore(%arg24 : memref<!tpu.dma_semaphore, #tpu.memory_space<semaphore_mem>>) src(%arg15 : memref<80x128xf32, #tpu.memory_space<vmem>>) dst(%dma_wait3A_171 : memref<10000x128xf32, #tpu.memory_space<vmem_shared>>)
      %dma_wait3A_172 = arith.constant 0 : i32
      %dma_wait3A_173 = arith.constant 0 : i32
      %dma_wait3A_174 = tpu.memref_slice %arg18[%dma_wait3A_172, %dma_wait3A_173] : memref<10000x128xf32, #tpu.memory_space<vmem_shared>> -> memref<10000x128xf32, #tpu.memory_space<vmem_shared>>
      tpu.wait_indirect_dma semaphore(%arg25 : memref<!tpu.dma_semaphore, #tpu.memory_space<semaphore_mem>>) src(%arg16 : memref<80x128xf32, #tpu.memory_space<vmem>>) dst(%dma_wait3A_174 : memref<10000x128xf32, #tpu.memory_space<vmem_shared>>)
      %dma_wait3A_175 = arith.constant 0 : i32
      %dma_wait3A_176 = arith.constant 0 : i32
      %dma_wait3A_177 = tpu.memref_slice %arg18[%dma_wait3A_175, %dma_wait3A_176] : memref<10000x128xf32, #tpu.memory_space<vmem_shared>> -> memref<10000x128xf32, #tpu.memory_space<vmem_shared>>
      tpu.wait_indirect_dma semaphore(%arg26 : memref<!tpu.dma_semaphore, #tpu.memory_space<semaphore_mem>>) src(%arg17 : memref<80x128xf32, #tpu.memory_space<vmem>>) dst(%dma_wait3A_177 : memref<10000x128xf32, #tpu.memory_space<vmem_shared>>)
    }
    %scan3A_9 = arith.constant 62 : i32
    %add3A_10 = arith.constant 19840 : i32
    %add3A_11 = arith.addi %add3A, %add3A_10 : i32
    %add3A_12 = arith.constant 0 : i32
    %add3A_13 = arith.addi %add3A_11, %add3A_12 : i32
    %dma_start3A = tpu.memref_slice %arg3[%add3A_13] : memref<1280000xi32, #tpu.memory_space<hbm>> -> memref<80xi32, #tpu.memory_space<hbm>>
    %dma_start3A_14 = tpu.memref_slice %arg3[%add3A_13] : memref<1280000xi32, #tpu.memory_space<hbm>> -> memref<80xi32, #tpu.memory_space<hbm>>
    tpu.enqueue_dma source(%dma_start3A_14 : memref<80xi32, #tpu.memory_space<hbm>>) target(%arg6 : memref<80xi32, #tpu.memory_space<vmem>>) target_semaphore(%arg19 : memref<!tpu.dma_semaphore, #tpu.memory_space<semaphore_mem>>)
    %add3A_15 = arith.constant 0 : i32
    %add3A_16 = arith.addi %add3A_11, %add3A_15 : i32
    %add3A_17 = arith.constant 320000 : i32
    %add3A_18 = arith.addi %add3A_16, %add3A_17 : i32
    %dma_start3A_19 = tpu.memref_slice %arg3[%add3A_18] : memref<1280000xi32, #tpu.memory_space<hbm>> -> memref<80xi32, #tpu.memory_space<hbm>>
    %dma_start3A_20 = tpu.memref_slice %arg3[%add3A_18] : memref<1280000xi32, #tpu.memory_space<hbm>> -> memref<80xi32, #tpu.memory_space<hbm>>
    tpu.enqueue_dma source(%dma_start3A_20 : memref<80xi32, #tpu.memory_space<hbm>>) target(%arg7 : memref<80xi32, #tpu.memory_space<vmem>>) target_semaphore(%arg19 : memref<!tpu.dma_semaphore, #tpu.memory_space<semaphore_mem>>)
    %add3A_21 = arith.constant 80 : i32
    %add3A_22 = arith.addi %add3A_11, %add3A_21 : i32
    %dma_start3A_23 = tpu.memref_slice %arg3[%add3A_22] : memref<1280000xi32, #tpu.memory_space<hbm>> -> memref<80xi32, #tpu.memory_space<hbm>>
    %dma_start3A_24 = tpu.memref_slice %arg3[%add3A_22] : memref<1280000xi32, #tpu.memory_space<hbm>> -> memref<80xi32, #tpu.memory_space<hbm>>
    tpu.enqueue_dma source(%dma_start3A_24 : memref<80xi32, #tpu.memory_space<hbm>>) target(%arg8 : memref<80xi32, #tpu.memory_space<vmem>>) target_semaphore(%arg20 : memref<!tpu.dma_semaphore, #tpu.memory_space<semaphore_mem>>)
    %add3A_25 = arith.constant 80 : i32
    %add3A_26 = arith.addi %add3A_11, %add3A_25 : i32
    %add3A_27 = arith.constant 320000 : i32
    %add3A_28 = arith.addi %add3A_26, %add3A_27 : i32
    %dma_start3A_29 = tpu.memref_slice %arg3[%add3A_28] : memref<1280000xi32, #tpu.memory_space<hbm>> -> memref<80xi32, #tpu.memory_space<hbm>>
    %dma_start3A_30 = tpu.memref_slice %arg3[%add3A_28] : memref<1280000xi32, #tpu.memory_space<hbm>> -> memref<80xi32, #tpu.memory_space<hbm>>
    tpu.enqueue_dma source(%dma_start3A_30 : memref<80xi32, #tpu.memory_space<hbm>>) target(%arg9 : memref<80xi32, #tpu.memory_space<vmem>>) target_semaphore(%arg20 : memref<!tpu.dma_semaphore, #tpu.memory_space<semaphore_mem>>)
    %dma_wait3A = tpu.memref_slice %arg3[%add3A_13] : memref<1280000xi32, #tpu.memory_space<hbm>> -> memref<80xi32, #tpu.memory_space<hbm>>
    %dma_wait3A_31 = tpu.memref_slice %arg3[%add3A_13] : memref<1280000xi32, #tpu.memory_space<hbm>> -> memref<80xi32, #tpu.memory_space<hbm>>
    tpu.wait_dma2 semaphore(%arg19 : memref<!tpu.dma_semaphore, #tpu.memory_space<semaphore_mem>>) src(%dma_wait3A_31 : memref<80xi32, #tpu.memory_space<hbm>>) dst(%arg6 : memref<80xi32, #tpu.memory_space<vmem>>)
    %dma_wait3A_32 = tpu.memref_slice %arg3[%add3A_18] : memref<1280000xi32, #tpu.memory_space<hbm>> -> memref<80xi32, #tpu.memory_space<hbm>>
    %dma_wait3A_33 = tpu.memref_slice %arg3[%add3A_18] : memref<1280000xi32, #tpu.memory_space<hbm>> -> memref<80xi32, #tpu.memory_space<hbm>>
    tpu.wait_dma2 semaphore(%arg19 : memref<!tpu.dma_semaphore, #tpu.memory_space<semaphore_mem>>) src(%dma_wait3A_33 : memref<80xi32, #tpu.memory_space<hbm>>) dst(%arg7 : memref<80xi32, #tpu.memory_space<vmem>>)
    %dma_start3A_34 = arith.constant 0 : i32
    %dma_start3A_35 = arith.constant 0 : i32
    %dma_start3A_36 = tpu.memref_slice %arg2[%dma_start3A_34, %dma_start3A_35] : memref<20000x128xf32, #tpu.memory_space<hbm>> -> memref<20000x128xf32, #tpu.memory_space<hbm>>
    tpu.enqueue_indirect_dma source(%dma_start3A_36 : memref<20000x128xf32, #tpu.memory_space<hbm>>) target(%arg14 : memref<80x128xf32, #tpu.memory_space<vmem>>) offsets(%arg6 : memref<80xi32, #tpu.memory_space<vmem>>) semaphore(%arg23 : memref<!tpu.dma_semaphore, #tpu.memory_space<semaphore_mem>>)
    %dma_wait3A_37 = tpu.memref_slice %arg3[%add3A_22] : memref<1280000xi32, #tpu.memory_space<hbm>> -> memref<80xi32, #tpu.memory_space<hbm>>
    %dma_wait3A_38 = tpu.memref_slice %arg3[%add3A_22] : memref<1280000xi32, #tpu.memory_space<hbm>> -> memref<80xi32, #tpu.memory_space<hbm>>
    tpu.wait_dma2 semaphore(%arg20 : memref<!tpu.dma_semaphore, #tpu.memory_space<semaphore_mem>>) src(%dma_wait3A_38 : memref<80xi32, #tpu.memory_space<hbm>>) dst(%arg8 : memref<80xi32, #tpu.memory_space<vmem>>)
    %dma_wait3A_39 = tpu.memref_slice %arg3[%add3A_28] : memref<1280000xi32, #tpu.memory_space<hbm>> -> memref<80xi32, #tpu.memory_space<hbm>>
    %dma_wait3A_40 = tpu.memref_slice %arg3[%add3A_28] : memref<1280000xi32, #tpu.memory_space<hbm>> -> memref<80xi32, #tpu.memory_space<hbm>>
    tpu.wait_dma2 semaphore(%arg20 : memref<!tpu.dma_semaphore, #tpu.memory_space<semaphore_mem>>) src(%dma_wait3A_40 : memref<80xi32, #tpu.memory_space<hbm>>) dst(%arg9 : memref<80xi32, #tpu.memory_space<vmem>>)
    %dma_start3A_41 = arith.constant 0 : i32
    %dma_start3A_42 = arith.constant 0 : i32
    %dma_start3A_43 = tpu.memref_slice %arg2[%dma_start3A_41, %dma_start3A_42] : memref<20000x128xf32, #tpu.memory_space<hbm>> -> memref<20000x128xf32, #tpu.memory_space<hbm>>
    tpu.enqueue_indirect_dma source(%dma_start3A_43 : memref<20000x128xf32, #tpu.memory_space<hbm>>) target(%arg15 : memref<80x128xf32, #tpu.memory_space<vmem>>) offsets(%arg8 : memref<80xi32, #tpu.memory_space<vmem>>) semaphore(%arg24 : memref<!tpu.dma_semaphore, #tpu.memory_space<semaphore_mem>>)
    %dma_wait3A_44 = arith.constant 0 : i32
    %dma_wait3A_45 = arith.constant 0 : i32
    %dma_wait3A_46 = tpu.memref_slice %arg2[%dma_wait3A_44, %dma_wait3A_45] : memref<20000x128xf32, #tpu.memory_space<hbm>> -> memref<20000x128xf32, #tpu.memory_space<hbm>>
    tpu.wait_indirect_dma semaphore(%arg23 : memref<!tpu.dma_semaphore, #tpu.memory_space<semaphore_mem>>) src(%dma_wait3A_46 : memref<20000x128xf32, #tpu.memory_space<hbm>>) dst(%arg14 : memref<80x128xf32, #tpu.memory_space<vmem>>)
    %dma_start3A_47 = arith.constant 0 : i32
    %dma_start3A_48 = arith.constant 0 : i32
    %dma_start3A_49 = tpu.memref_slice %arg18[%dma_start3A_47, %dma_start3A_48] : memref<10000x128xf32, #tpu.memory_space<vmem_shared>> -> memref<10000x128xf32, #tpu.memory_space<vmem_shared>>
    tpu.enqueue_indirect_dma source(%arg14 : memref<80x128xf32, #tpu.memory_space<vmem>>) target(%dma_start3A_49 : memref<10000x128xf32, #tpu.memory_space<vmem_shared>>) offsets(%arg7 : memref<80xi32, #tpu.memory_space<vmem>>) semaphore(%arg23 : memref<!tpu.dma_semaphore, #tpu.memory_space<semaphore_mem>>) {add = true}
    %dma_wait3A_50 = arith.constant 0 : i32
    %dma_wait3A_51 = arith.constant 0 : i32
    %dma_wait3A_52 = tpu.memref_slice %arg2[%dma_wait3A_50, %dma_wait3A_51] : memref<20000x128xf32, #tpu.memory_space<hbm>> -> memref<20000x128xf32, #tpu.memory_space<hbm>>
    tpu.wait_indirect_dma semaphore(%arg24 : memref<!tpu.dma_semaphore, #tpu.memory_space<semaphore_mem>>) src(%dma_wait3A_52 : memref<20000x128xf32, #tpu.memory_space<hbm>>) dst(%arg15 : memref<80x128xf32, #tpu.memory_space<vmem>>)
    %dma_start3A_53 = arith.constant 0 : i32
    %dma_start3A_54 = arith.constant 0 : i32
    %dma_start3A_55 = tpu.memref_slice %arg18[%dma_start3A_53, %dma_start3A_54] : memref<10000x128xf32, #tpu.memory_space<vmem_shared>> -> memref<10000x128xf32, #tpu.memory_space<vmem_shared>>
    tpu.enqueue_indirect_dma source(%arg15 : memref<80x128xf32, #tpu.memory_space<vmem>>) target(%dma_start3A_55 : memref<10000x128xf32, #tpu.memory_space<vmem_shared>>) offsets(%arg9 : memref<80xi32, #tpu.memory_space<vmem>>) semaphore(%arg24 : memref<!tpu.dma_semaphore, #tpu.memory_space<semaphore_mem>>) {add = true}
    %dma_wait3A_56 = arith.constant 0 : i32
    %dma_wait3A_57 = arith.constant 0 : i32
    %dma_wait3A_58 = tpu.memref_slice %arg18[%dma_wait3A_56, %dma_wait3A_57] : memref<10000x128xf32, #tpu.memory_space<vmem_shared>> -> memref<10000x128xf32, #tpu.memory_space<vmem_shared>>
    tpu.wait_indirect_dma semaphore(%arg23 : memref<!tpu.dma_semaphore, #tpu.memory_space<semaphore_mem>>) src(%arg14 : memref<80x128xf32, #tpu.memory_space<vmem>>) dst(%dma_wait3A_58 : memref<10000x128xf32, #tpu.memory_space<vmem_shared>>)
    %dma_wait3A_59 = arith.constant 0 : i32
    %dma_wait3A_60 = arith.constant 0 : i32
    %dma_wait3A_61 = tpu.memref_slice %arg18[%dma_wait3A_59, %dma_wait3A_60] : memref<10000x128xf32, #tpu.memory_space<vmem_shared>> -> memref<10000x128xf32, #tpu.memory_space<vmem_shared>>
    tpu.wait_indirect_dma semaphore(%arg24 : memref<!tpu.dma_semaphore, #tpu.memory_space<semaphore_mem>>) src(%arg15 : memref<80x128xf32, #tpu.memory_space<vmem>>) dst(%dma_wait3A_61 : memref<10000x128xf32, #tpu.memory_space<vmem_shared>>)
    %barrier3A_62 = arith.constant 0 : index
    tpu.barrier barrier_id(%barrier3A_62)
    %eq3A_63 = arith.constant 0 : i32
    %eq3A_64 = arith.cmpi eq, %arg1, %eq3A_63 : i32
    %convert_element_type3A_65 = arith.extui %eq3A_64 : i1 to i32
    %cond3A_66 = arith.constant 0 : i32
    %cond3A_67 = arith.cmpi ne, %convert_element_type3A_65, %cond3A_66 : i32
    scf.if %cond3A_67 {
      "tpu.region"() ({
        %run_scoped3A = tpu.sem_alloc : memref<!tpu.dma_semaphore, #tpu.memory_space<semaphore_mem>>
        %dma_start3A_68 = arith.constant 0 : i32
        %dma_start3A_69 = arith.constant 0 : i32
        %dma_start3A_70 = tpu.memref_slice %arg5[%arg0, %dma_start3A_68, %dma_start3A_69] : memref<2x10000x128xf32, #tpu.memory_space<hbm>> -> memref<1x10000x128xf32, #tpu.memory_space<hbm>>
        %dma_start3A_71 = tpu.memref_squeeze %dma_start3A_70 : memref<1x10000x128xf32, #tpu.memory_space<hbm>> -> memref<10000x128xf32, #tpu.memory_space<hbm>>
        tpu.enqueue_dma source(%arg18 : memref<10000x128xf32, #tpu.memory_space<vmem_shared>>) target(%dma_start3A_71 : memref<10000x128xf32, #tpu.memory_space<hbm>>) target_semaphore(%run_scoped3A : memref<!tpu.dma_semaphore, #tpu.memory_space<semaphore_mem>>)
        %dma_wait3A_72 = arith.constant 0 : i32
        %dma_wait3A_73 = arith.constant 0 : i32
        %dma_wait3A_74 = tpu.memref_slice %arg5[%arg0, %dma_wait3A_72, %dma_wait3A_73] : memref<2x10000x128xf32, #tpu.memory_space<hbm>> -> memref<1x10000x128xf32, #tpu.memory_space<hbm>>
        %dma_wait3A_75 = tpu.memref_squeeze %dma_wait3A_74 : memref<1x10000x128xf32, #tpu.memory_space<hbm>> -> memref<10000x128xf32, #tpu.memory_space<hbm>>
        tpu.wait_dma2 semaphore(%run_scoped3A : memref<!tpu.dma_semaphore, #tpu.memory_space<semaphore_mem>>) src(%arg18 : memref<10000x128xf32, #tpu.memory_space<vmem_shared>>) dst(%dma_wait3A_75 : memref<10000x128xf32, #tpu.memory_space<hbm>>)
        tpu.yield
      }) : () -> ()
    } else {
    }
    return
  }
}

module attributes {stable_mosaic.version = 14 : i64} {
  func.func @_q_kernel_body(%arg0: i32, %arg1: memref<16000x16xf32, #tpu.memory_space<vmem>>, %arg2: memref<16x8xf32, #tpu.memory_space<vmem>>, %arg3: memref<1x8xf32, #tpu.memory_space<vmem>>, %arg4: memref<16000x8xf32, #tpu.memory_space<vmem>>) attributes {dimension_semantics = [#tpu.dimension_semantics<arbitrary>], iteration_bounds = array<i64: 20>, scalar_prefetch = 0 : i64, scratch_operands = 0 : i64, tpu.core_type = #tpu.core_type<tc>, window_params = [{transform_indices = @transform_0, window_bounds = array<i64: 16000, 16>}, {pipeline_mode = #tpu.pipeline_mode<synchronous>, transform_indices = @transform_1, window_bounds = array<i64: 16, 8>}, {pipeline_mode = #tpu.pipeline_mode<synchronous>, transform_indices = @transform_2, window_bounds = array<i64: 1, 8>}, {transform_indices = @transform_3, window_bounds = array<i64: 16000, 8>}]} {
    %get3A = arith.constant 0 : index
    %get3A_0 = arith.constant 0 : index
    %get3A_1 = vector.load %arg1[%get3A, %get3A_0] : memref<16000x16xf32, #tpu.memory_space<vmem>>, vector<16000x16xf32>
    %get3A_2 = arith.constant 0 : index
    %get3A_3 = arith.constant 0 : index
    %get3A_4 = vector.load %arg2[%get3A_2, %get3A_3] : memref<16x8xf32, #tpu.memory_space<vmem>>, vector<16x8xf32>
    %dot_general3A = arith.constant dense<0.000000e+00> : vector<16000x8xf32>
    %dot_general3A_5 = tpu.matmul %get3A_1, %get3A_4, %dot_general3A {dimension_numbers = #tpu.dot_dimension_numbers<[1], [0], [0], [1], [0, 0, 1, 1], [], []>, transpose_lhs_hint = false} : vector<16000x16xf32>, vector<16x8xf32>, vector<16000x8xf32> -> vector<16000x8xf32>
    %get3A_6 = arith.constant 0 : index
    %get3A_7 = arith.constant 0 : index
    %get3A_8 = vector.load %arg3[%get3A_6, %get3A_7] : memref<1x8xf32, #tpu.memory_space<vmem>>, vector<1x8xf32>
    %add3A = vector.broadcast %get3A_8 : vector<1x8xf32> to vector<16000x8xf32>
    %add3A_9 = arith.addf %dot_general3A_5, %add3A : vector<16000x8xf32>
    %swap3A = arith.constant 0 : index
    %swap3A_10 = arith.constant 0 : index
    %swap3A_11 = vector.load %arg4[%swap3A, %swap3A_10] : memref<16000x8xf32, #tpu.memory_space<vmem>>, vector<16000x8xf32>
    tpu.vector_store %arg4[%swap3A, %swap3A_10], %add3A_9 {strides = array<i32>} : memref<16000x8xf32, #tpu.memory_space<vmem>>, vector<16000x8xf32>,
    return
  }
  func.func @transform_0(%arg0: i32) -> (i32, i32) {
    %c0_i32 = arith.constant 0 : i32
    %c0_i32_0 = arith.constant 0 : i32
    return %arg0, %c0_i32 : i32, i32
  }
  func.func @transform_1(%arg0: i32) -> (i32, i32) {
    %c0_i32 = arith.constant 0 : i32
    %c0_i32_0 = arith.constant 0 : i32
    %c0_i32_1 = arith.constant 0 : i32
    return %c0_i32, %c0_i32_0 : i32, i32
  }
  func.func @transform_2(%arg0: i32) -> (i32, i32) {
    %c0_i32 = arith.constant 0 : i32
    %c0_i32_0 = arith.constant 0 : i32
    %c0_i32_1 = arith.constant 0 : i32
    return %c0_i32, %c0_i32_0 : i32, i32
  }
  func.func @transform_3(%arg0: i32) -> (i32, i32) {
    %c0_i32 = arith.constant 0 : i32
    %c0_i32_0 = arith.constant 0 : i32
    return %arg0, %c0_i32 : i32, i32
  }
}

module attributes {stable_mosaic.version = 14 : i64} {
  func.func @_dense_kernel_body(%arg0: i32, %arg1: i32, %arg2: memref<1x400x128xf32, #tpu.memory_space<vmem>>, %arg3: memref<1x128x384xf32, #tpu.memory_space<vmem>>, %arg4: memref<1x1x384xf32, #tpu.memory_space<vmem>>, %arg5: memref<1x400x256xf32, #tpu.memory_space<vmem>>, %arg6: memref<1x400x8xf32, #tpu.memory_space<vmem>>) attributes {dimension_semantics = [#tpu.dimension_semantics<arbitrary>, #tpu.dimension_semantics<arbitrary>], iteration_bounds = array<i64: 2, 25>, scalar_prefetch = 0 : i64, scratch_operands = 0 : i64, tpu.core_type = #tpu.core_type<tc>, window_params = [{transform_indices = @transform_0, window_bounds = array<i64: 1, 400, 128>}, {transform_indices = @transform_1, window_bounds = array<i64: 1, 128, 384>}, {transform_indices = @transform_2, window_bounds = array<i64: 1, 1, 384>}, {transform_indices = @transform_3, window_bounds = array<i64: 1, 400, 256>}, {transform_indices = @transform_4, window_bounds = array<i64: 1, 400, 8>}]} {
    %get3A = arith.constant 0 : index
    %get3A_0 = arith.constant 0 : index
    %get3A_1 = arith.constant 0 : index
    %get3A_2 = vector.load %arg2[%get3A, %get3A_0, %get3A_1] : memref<1x400x128xf32, #tpu.memory_space<vmem>>, vector<1x400x128xf32>
    %get3A_3 = vector.shape_cast %get3A_2 : vector<1x400x128xf32> to vector<400x128xf32>
    %get3A_4 = arith.constant 0 : index
    %get3A_5 = arith.constant 0 : index
    %get3A_6 = arith.constant 0 : index
    %get3A_7 = vector.load %arg3[%get3A_4, %get3A_5, %get3A_6] : memref<1x128x384xf32, #tpu.memory_space<vmem>>, vector<1x128x384xf32>
    %get3A_8 = vector.shape_cast %get3A_7 : vector<1x128x384xf32> to vector<128x384xf32>
    %dot_general3A = arith.constant dense<0.000000e+00> : vector<400x384xf32>
    %dot_general3A_9 = tpu.matmul %get3A_3, %get3A_8, %dot_general3A {dimension_numbers = #tpu.dot_dimension_numbers<[1], [0], [0], [1], [0, 0, 1, 1], [], []>, transpose_lhs_hint = false} : vector<400x128xf32>, vector<128x384xf32>, vector<400x384xf32> -> vector<400x384xf32>
    %get3A_10 = arith.constant 0 : index
    %get3A_11 = arith.constant 0 : index
    %get3A_12 = arith.constant 0 : index
    %get3A_13 = vector.load %arg4[%get3A_10, %get3A_11, %get3A_12] : memref<1x1x384xf32, #tpu.memory_space<vmem>>, vector<1x1x384xf32>
    %get3A_14 = vector.shape_cast %get3A_13 : vector<1x1x384xf32> to vector<1x384xf32>
    %add3A = vector.broadcast %get3A_14 : vector<1x384xf32> to vector<400x384xf32>
    %add3A_15 = arith.addf %dot_general3A_9, %add3A : vector<400x384xf32>
    %slice3A = vector.extract_strided_slice %add3A_15 {offsets = [0, 0], sizes = [400, 256], strides = [1, 1]} : vector<400x384xf32> to vector<400x256xf32>
    %swap3A = arith.constant 0 : index
    %swap3A_16 = arith.constant 0 : index
    %swap3A_17 = arith.constant 0 : index
    %swap3A_18 = vector.load %arg5[%swap3A, %swap3A_16, %swap3A_17] : memref<1x400x256xf32, #tpu.memory_space<vmem>>, vector<1x400x256xf32>
    %swap3A_19 = vector.shape_cast %swap3A_18 : vector<1x400x256xf32> to vector<400x256xf32>
    %swap3A_20 = vector.shape_cast %slice3A : vector<400x256xf32> to vector<1x400x256xf32>
    tpu.vector_store %arg5[%swap3A, %swap3A_16, %swap3A_17], %swap3A_20 {strides = array<i32>} : memref<1x400x256xf32, #tpu.memory_space<vmem>>, vector<1x400x256xf32>,
    %slice3A_21 = vector.extract_strided_slice %add3A_15 {offsets = [0, 256], sizes = [400, 8], strides = [1, 1]} : vector<400x384xf32> to vector<400x8xf32>
    %swap3A_22 = arith.constant 0 : index
    %swap3A_23 = arith.constant 0 : index
    %swap3A_24 = arith.constant 0 : index
    %swap3A_25 = vector.load %arg6[%swap3A_22, %swap3A_23, %swap3A_24] : memref<1x400x8xf32, #tpu.memory_space<vmem>>, vector<1x400x8xf32>
    %swap3A_26 = vector.shape_cast %swap3A_25 : vector<1x400x8xf32> to vector<400x8xf32>
    %swap3A_27 = vector.shape_cast %slice3A_21 : vector<400x8xf32> to vector<1x400x8xf32>
    tpu.vector_store %arg6[%swap3A_22, %swap3A_23, %swap3A_24], %swap3A_27 {strides = array<i32>} : memref<1x400x8xf32, #tpu.memory_space<vmem>>, vector<1x400x8xf32>,
    return
  }
  func.func @transform_0(%arg0: i32, %arg1: i32) -> (i32, i32, i32) {
    %c0_i32 = arith.constant 0 : i32
    %c0_i32_0 = arith.constant 0 : i32
    return %arg0, %arg1, %c0_i32 : i32, i32, i32
  }
  func.func @transform_1(%arg0: i32, %arg1: i32) -> (i32, i32, i32) {
    %c0_i32 = arith.constant 0 : i32
    %c0_i32_0 = arith.constant 0 : i32
    %c0_i32_1 = arith.constant 0 : i32
    return %arg0, %c0_i32, %c0_i32_0 : i32, i32, i32
  }
  func.func @transform_2(%arg0: i32, %arg1: i32) -> (i32, i32, i32) {
    %c0_i32 = arith.constant 0 : i32
    %c0_i32_0 = arith.constant 0 : i32
    %c0_i32_1 = arith.constant 0 : i32
    return %arg0, %c0_i32, %c0_i32_0 : i32, i32, i32
  }
  func.func @transform_3(%arg0: i32, %arg1: i32) -> (i32, i32, i32) {
    %c0_i32 = arith.constant 0 : i32
    %c0_i32_0 = arith.constant 0 : i32
    return %arg0, %arg1, %c0_i32 : i32, i32, i32
  }
  func.func @transform_4(%arg0: i32, %arg1: i32) -> (i32, i32, i32) {
    %c0_i32 = arith.constant 0 : i32
    %c0_i32_0 = arith.constant 0 : i32
    return %arg0, %arg1, %c0_i32 : i32, i32, i32
  }
}

module attributes {stable_mosaic.version = 14 : i64} {
  func.func @_stats_kernel_body(%arg0: i32, %arg1: memref<1x10000x8xf32, #tpu.memory_space<vmem>>, %arg2: memref<1x10000x8xf32, #tpu.memory_space<vmem>>, %arg3: memref<1x1x8xf32, #tpu.memory_space<vmem>>) attributes {dimension_semantics = [#tpu.dimension_semantics<arbitrary>], iteration_bounds = array<i64: 2>, scalar_prefetch = 0 : i64, scratch_operands = 0 : i64, tpu.core_type = #tpu.core_type<tc>, window_params = [{transform_indices = @transform_0, window_bounds = array<i64: 1, 10000, 8>}, {transform_indices = @transform_1, window_bounds = array<i64: 1, 10000, 8>}, {transform_indices = @transform_2, window_bounds = array<i64: 1, 1, 8>}]} {
    %get3A = arith.constant 0 : index
    %get3A_0 = arith.constant 0 : index
    %get3A_1 = arith.constant 0 : index
    %get3A_2 = vector.load %arg1[%get3A, %get3A_0, %get3A_1] : memref<1x10000x8xf32, #tpu.memory_space<vmem>>, vector<1x10000x8xf32>
    %get3A_3 = vector.shape_cast %get3A_2 : vector<1x10000x8xf32> to vector<10000x8xf32>
    %slice3A = vector.extract_strided_slice %get3A_3 {offsets = [0, 0], sizes = [10000, 3], strides = [1, 1]} : vector<10000x8xf32> to vector<10000x3xf32>
    %ge3A = arith.constant 0.000000e+00 : f32
    %ge3A_4 = vector.broadcast %ge3A : f32 to vector<10000x3xf32>
    %ge3A_5 = arith.cmpf oge, %slice3A, %ge3A_4 : vector<10000x3xf32>
    %mul3A = arith.constant 2.000000e-01 : f32
    %mul3A_6 = vector.broadcast %mul3A : f32 to vector<10000x3xf32>
    %mul3A_7 = arith.mulf %mul3A_6, %slice3A : vector<10000x3xf32>
    %select_n3A = arith.select %ge3A_5, %slice3A, %mul3A_7 : vector<10000x3xi1>, vector<10000x3xf32>
    %reduce_max3A = arith.constant dense<0xFF800000> : vector<3xf32>
    %reduce_max3A_8 = vector.multi_reduction <maximumf>, %select_n3A, %reduce_max3A [0] : vector<10000x3xf32> to vector<3xf32>
    %broadcast_in_dim3A = vector.shape_cast %reduce_max3A_8 : vector<3xf32> to vector<1x3xf32>
    %sub3A = vector.broadcast %broadcast_in_dim3A : vector<1x3xf32> to vector<10000x3xf32>
    %sub3A_9 = arith.subf %select_n3A, %sub3A : vector<10000x3xf32>
    %exp3A = math.exp %sub3A_9 : vector<10000x3xf32>
    %get3A_10 = arith.constant 0 : index
    %get3A_11 = arith.constant 0 : index
    %get3A_12 = arith.constant 0 : index
    %get3A_13 = vector.load %arg2[%get3A_10, %get3A_11, %get3A_12] : memref<1x10000x8xf32, #tpu.memory_space<vmem>>, vector<1x10000x8xf32>
    %get3A_14 = vector.shape_cast %get3A_13 : vector<1x10000x8xf32> to vector<10000x8xf32>
    %slice3A_15 = vector.extract_strided_slice %get3A_14 {offsets = [0, 0], sizes = [10000, 1], strides = [1, 1]} : vector<10000x8xf32> to vector<10000x1xf32>
    %add3A = arith.constant 1.000000e+00 : f32
    %add3A_16 = vector.broadcast %add3A : f32 to vector<10000x1xf32>
    %add3A_17 = arith.addf %slice3A_15, %add3A_16 : vector<10000x1xf32>
    %mul3A_18 = vector.broadcast %add3A_17 : vector<10000x1xf32> to vector<10000x3xf32>
    %mul3A_19 = arith.mulf %exp3A, %mul3A_18 : vector<10000x3xf32>
    %reduce_sum3A = arith.constant dense<0.000000e+00> : vector<3xf32>
    %reduce_sum3A_20 = vector.multi_reduction <add>, %mul3A_19, %reduce_sum3A [0] : vector<10000x3xf32> to vector<3xf32>
    %broadcast_in_dim3A_21 = vector.shape_cast %reduce_sum3A_20 : vector<3xf32> to vector<1x3xf32>
    %broadcast_in_dim3A_22 = arith.constant 0.000000e+00 : f32
    %broadcast_in_dim3A_23 = vector.broadcast %broadcast_in_dim3A_22 : f32 to vector<1x2xf32>
    %concatenate3A = tpu.concatenate %broadcast_in_dim3A, %broadcast_in_dim3A_21, %broadcast_in_dim3A_23 in 1 : vector<1x3xf32>, vector<1x3xf32>, vector<1x2xf32> -> vector<1x8xf32>
    %swap3A = arith.constant 0 : index
    %swap3A_24 = arith.constant 0 : index
    %swap3A_25 = arith.constant 0 : index
    %swap3A_26 = vector.load %arg3[%swap3A, %swap3A_24, %swap3A_25] : memref<1x1x8xf32, #tpu.memory_space<vmem>>, vector<1x1x8xf32>
    %swap3A_27 = vector.shape_cast %swap3A_26 : vector<1x1x8xf32> to vector<1x8xf32>
    %swap3A_28 = vector.shape_cast %concatenate3A : vector<1x8xf32> to vector<1x1x8xf32>
    tpu.vector_store %arg3[%swap3A, %swap3A_24, %swap3A_25], %swap3A_28 {strides = array<i32>} : memref<1x1x8xf32, #tpu.memory_space<vmem>>, vector<1x1x8xf32>,
    return
  }
  func.func @transform_0(%arg0: i32) -> (i32, i32, i32) {
    %c0_i32 = arith.constant 0 : i32
    %c0_i32_0 = arith.constant 0 : i32
    %c0_i32_1 = arith.constant 0 : i32
    return %arg0, %c0_i32, %c0_i32_0 : i32, i32, i32
  }
  func.func @transform_1(%arg0: i32) -> (i32, i32, i32) {
    %c0_i32 = arith.constant 0 : i32
    %c0_i32_0 = arith.constant 0 : i32
    %c0_i32_1 = arith.constant 0 : i32
    return %arg0, %c0_i32, %c0_i32_0 : i32, i32, i32
  }
  func.func @transform_2(%arg0: i32) -> (i32, i32, i32) {
    %c0_i32 = arith.constant 0 : i32
    %c0_i32_0 = arith.constant 0 : i32
    %c0_i32_1 = arith.constant 0 : i32
    return %arg0, %c0_i32, %c0_i32_0 : i32, i32, i32
  }
}

module attributes {stable_mosaic.version = 14 : i64} {
  func.func @_glue_kernel_body(%arg0: i32, %arg1: i32, %arg2: memref<1x2000x256xf32, #tpu.memory_space<vmem>>, %arg3: memref<1x2000x8xf32, #tpu.memory_space<vmem>>, %arg4: memref<1x2000x8xf32, #tpu.memory_space<vmem>>, %arg5: memref<1x1x8xf32, #tpu.memory_space<vmem>>, %arg6: memref<1x1x128xf32, #tpu.memory_space<vmem>>, %arg7: memref<1x2000x128xf32, #tpu.memory_space<vmem>>, %arg8: memref<1x2000x128xf32, #tpu.memory_space<vmem>>) attributes {dimension_semantics = [#tpu.dimension_semantics<arbitrary>, #tpu.dimension_semantics<arbitrary>], iteration_bounds = array<i64: 2, 5>, scalar_prefetch = 0 : i64, scratch_operands = 0 : i64, tpu.core_type = #tpu.core_type<tc>, window_params = [{transform_indices = @transform_0, window_bounds = array<i64: 1, 2000, 256>}, {transform_indices = @transform_1, window_bounds = array<i64: 1, 2000, 8>}, {transform_indices = @transform_2, window_bounds = array<i64: 1, 2000, 8>}, {transform_indices = @transform_3, window_bounds = array<i64: 1, 1, 8>}, {transform_indices = @transform_4, window_bounds = array<i64: 1, 1, 128>}, {transform_indices = @transform_5, window_bounds = array<i64: 1, 2000, 128>}, {transform_indices = @transform_6, window_bounds = array<i64: 1, 2000, 128>}]} {
    %get3A = arith.constant 0 : index
    %get3A_0 = arith.constant 0 : index
    %get3A_1 = arith.constant 0 : index
    %get3A_2 = vector.load %arg3[%get3A, %get3A_0, %get3A_1] : memref<1x2000x8xf32, #tpu.memory_space<vmem>>, vector<1x2000x8xf32>
    %get3A_3 = vector.shape_cast %get3A_2 : vector<1x2000x8xf32> to vector<2000x8xf32>
    %slice3A = vector.extract_strided_slice %get3A_3 {offsets = [0, 0], sizes = [2000, 3], strides = [1, 1]} : vector<2000x8xf32> to vector<2000x3xf32>
    %ge3A = arith.constant 0.000000e+00 : f32
    %ge3A_4 = vector.broadcast %ge3A : f32 to vector<2000x3xf32>
    %ge3A_5 = arith.cmpf oge, %slice3A, %ge3A_4 : vector<2000x3xf32>
    %mul3A = arith.constant 2.000000e-01 : f32
    %mul3A_6 = vector.broadcast %mul3A : f32 to vector<2000x3xf32>
    %mul3A_7 = arith.mulf %mul3A_6, %slice3A : vector<2000x3xf32>
    %select_n3A = arith.select %ge3A_5, %slice3A, %mul3A_7 : vector<2000x3xi1>, vector<2000x3xf32>
    %get3A_8 = arith.constant 0 : index
    %get3A_9 = arith.constant 0 : index
    %get3A_10 = arith.constant 0 : index
    %get3A_11 = vector.load %arg5[%get3A_8, %get3A_9, %get3A_10] : memref<1x1x8xf32, #tpu.memory_space<vmem>>, vector<1x1x8xf32>
    %get3A_12 = vector.shape_cast %get3A_11 : vector<1x1x8xf32> to vector<1x8xf32>
    %slice3A_13 = vector.extract_strided_slice %get3A_12 {offsets = [0, 0], sizes = [1, 3], strides = [1, 1]} : vector<1x8xf32> to vector<1x3xf32>
    %slice3A_14 = vector.extract_strided_slice %get3A_12 {offsets = [0, 3], sizes = [1, 3], strides = [1, 1]} : vector<1x8xf32> to vector<1x3xf32>
    %sub3A = vector.broadcast %slice3A_13 : vector<1x3xf32> to vector<2000x3xf32>
    %sub3A_15 = arith.subf %select_n3A, %sub3A : vector<2000x3xf32>
    %exp3A = math.exp %sub3A_15 : vector<2000x3xf32>
    %div3A = vector.broadcast %slice3A_14 : vector<1x3xf32> to vector<2000x3xf32>
    %div3A_16 = arith.divf %exp3A, %div3A : vector<2000x3xf32>
    %reduce_sum3A = arith.constant dense<0.000000e+00> : vector<2000xf32>
    %reduce_sum3A_17 = vector.multi_reduction <add>, %div3A_16, %reduce_sum3A [1] : vector<2000x3xf32> to vector<2000xf32>
    %broadcast_in_dim3A = vector.shape_cast %reduce_sum3A_17 : vector<2000xf32> to vector<2000x1xf32>
    %mul3A_18 = arith.constant 0.333333343 : f32
    %mul3A_19 = vector.broadcast %mul3A_18 : f32 to vector<2000x1xf32>
    %mul3A_20 = arith.mulf %broadcast_in_dim3A, %mul3A_19 : vector<2000x1xf32>
    %get3A_21 = arith.constant 0 : index
    %get3A_22 = arith.constant 0 : index
    %get3A_23 = arith.constant 0 : index
    %get3A_24 = vector.load %arg2[%get3A_21, %get3A_22, %get3A_23] : memref<1x2000x256xf32, #tpu.memory_space<vmem>>, vector<1x2000x256xf32>
    %get3A_25 = vector.shape_cast %get3A_24 : vector<1x2000x256xf32> to vector<2000x256xf32>
    %slice3A_26 = vector.extract_strided_slice %get3A_25 {offsets = [0, 128], sizes = [2000, 128], strides = [1, 1]} : vector<2000x256xf32> to vector<2000x128xf32>
    %mul3A_27 = vector.broadcast %mul3A_20 : vector<2000x1xf32> to vector<2000x128xf32>
    %mul3A_28 = arith.mulf %slice3A_26, %mul3A_27 : vector<2000x128xf32>
    %get3A_29 = arith.constant 0 : index
    %get3A_30 = arith.constant 0 : index
    %get3A_31 = arith.constant 0 : index
    %get3A_32 = vector.load %arg4[%get3A_29, %get3A_30, %get3A_31] : memref<1x2000x8xf32, #tpu.memory_space<vmem>>, vector<1x2000x8xf32>
    %get3A_33 = vector.shape_cast %get3A_32 : vector<1x2000x8xf32> to vector<2000x8xf32>
    %slice3A_34 = vector.extract_strided_slice %get3A_33 {offsets = [0, 1], sizes = [2000, 1], strides = [1, 1]} : vector<2000x8xf32> to vector<2000x1xf32>
    %slice3A_35 = vector.extract_strided_slice %get3A_25 {offsets = [0, 0], sizes = [2000, 128], strides = [1, 1]} : vector<2000x256xf32> to vector<2000x128xf32>
    %add3A = arith.addf %slice3A_35, %mul3A_28 : vector<2000x128xf32>
    %get3A_36 = arith.constant 0 : index
    %get3A_37 = arith.constant 0 : index
    %get3A_38 = arith.constant 0 : index
    %get3A_39 = vector.load %arg6[%get3A_36, %get3A_37, %get3A_38] : memref<1x1x128xf32, #tpu.memory_space<vmem>>, vector<1x1x128xf32>
    %get3A_40 = vector.shape_cast %get3A_39 : vector<1x1x128xf32> to vector<1x128xf32>
    %add3A_41 = vector.broadcast %get3A_40 : vector<1x128xf32> to vector<2000x128xf32>
    %add3A_42 = arith.addf %add3A, %add3A_41 : vector<2000x128xf32>
    %mul3A_43 = arith.constant 5.000000e-02 : f32
    %mul3A_44 = vector.broadcast %mul3A_43 : f32 to vector<2000x1xf32>
    %mul3A_45 = arith.mulf %slice3A_34, %mul3A_44 : vector<2000x1xf32>
    %add3A_46 = vector.broadcast %mul3A_45 : vector<2000x1xf32> to vector<2000x128xf32>
    %add3A_47 = arith.addf %add3A_42, %add3A_46 : vector<2000x128xf32>
    %swap3A = arith.constant 0 : index
    %swap3A_48 = arith.constant 0 : index
    %swap3A_49 = arith.constant 0 : index
    %swap3A_50 = vector.load %arg7[%swap3A, %swap3A_48, %swap3A_49] : memref<1x2000x128xf32, #tpu.memory_space<vmem>>, vector<1x2000x128xf32>
    %swap3A_51 = vector.shape_cast %swap3A_50 : vector<1x2000x128xf32> to vector<2000x128xf32>
    %swap3A_52 = vector.shape_cast %mul3A_28 : vector<2000x128xf32> to vector<1x2000x128xf32>
    tpu.vector_store %arg7[%swap3A, %swap3A_48, %swap3A_49], %swap3A_52 {strides = array<i32>} : memref<1x2000x128xf32, #tpu.memory_space<vmem>>, vector<1x2000x128xf32>,
    %swap3A_53 = arith.constant 0 : index
    %swap3A_54 = arith.constant 0 : index
    %swap3A_55 = arith.constant 0 : index
    %swap3A_56 = vector.load %arg8[%swap3A_53, %swap3A_54, %swap3A_55] : memref<1x2000x128xf32, #tpu.memory_space<vmem>>, vector<1x2000x128xf32>
    %swap3A_57 = vector.shape_cast %swap3A_56 : vector<1x2000x128xf32> to vector<2000x128xf32>
    %swap3A_58 = vector.shape_cast %add3A_47 : vector<2000x128xf32> to vector<1x2000x128xf32>
    tpu.vector_store %arg8[%swap3A_53, %swap3A_54, %swap3A_55], %swap3A_58 {strides = array<i32>} : memref<1x2000x128xf32, #tpu.memory_space<vmem>>, vector<1x2000x128xf32>,
    return
  }
  func.func @transform_0(%arg0: i32, %arg1: i32) -> (i32, i32, i32) {
    %c0_i32 = arith.constant 0 : i32
    %c0_i32_0 = arith.constant 0 : i32
    return %arg0, %arg1, %c0_i32 : i32, i32, i32
  }
  func.func @transform_1(%arg0: i32, %arg1: i32) -> (i32, i32, i32) {
    %c0_i32 = arith.constant 0 : i32
    %c0_i32_0 = arith.constant 0 : i32
    return %arg0, %arg1, %c0_i32 : i32, i32, i32
  }
  func.func @transform_2(%arg0: i32, %arg1: i32) -> (i32, i32, i32) {
    %c0_i32 = arith.constant 0 : i32
    %c0_i32_0 = arith.constant 0 : i32
    return %arg0, %arg1, %c0_i32 : i32, i32, i32
  }
  func.func @transform_3(%arg0: i32, %arg1: i32) -> (i32, i32, i32) {
    %c0_i32 = arith.constant 0 : i32
    %c0_i32_0 = arith.constant 0 : i32
    %c0_i32_1 = arith.constant 0 : i32
    return %arg0, %c0_i32, %c0_i32_0 : i32, i32, i32
  }
  func.func @transform_4(%arg0: i32, %arg1: i32) -> (i32, i32, i32) {
    %c0_i32 = arith.constant 0 : i32
    %c0_i32_0 = arith.constant 0 : i32
    %c0_i32_1 = arith.constant 0 : i32
    return %arg0, %c0_i32, %c0_i32_0 : i32, i32, i32
  }
  func.func @transform_5(%arg0: i32, %arg1: i32) -> (i32, i32, i32) {
    %c0_i32 = arith.constant 0 : i32
    %c0_i32_0 = arith.constant 0 : i32
    return %arg0, %arg1, %c0_i32 : i32, i32, i32
  }
  func.func @transform_6(%arg0: i32, %arg1: i32) -> (i32, i32, i32) {
    %c0_i32 = arith.constant 0 : i32
    %c0_i32_0 = arith.constant 0 : i32
    return %arg0, %arg1, %c0_i32 : i32, i32, i32
  }
}

module attributes {stable_mosaic.version = 14 : i64} {
  func.func @_dense_kernel_body(%arg0: i32, %arg1: i32, %arg2: memref<1x400x128xf32, #tpu.memory_space<vmem>>, %arg3: memref<1x128x384xf32, #tpu.memory_space<vmem>>, %arg4: memref<1x1x384xf32, #tpu.memory_space<vmem>>, %arg5: memref<1x400x256xf32, #tpu.memory_space<vmem>>, %arg6: memref<1x400x8xf32, #tpu.memory_space<vmem>>) attributes {dimension_semantics = [#tpu.dimension_semantics<arbitrary>, #tpu.dimension_semantics<arbitrary>], iteration_bounds = array<i64: 2, 25>, scalar_prefetch = 0 : i64, scratch_operands = 0 : i64, tpu.core_type = #tpu.core_type<tc>, window_params = [{transform_indices = @transform_0, window_bounds = array<i64: 1, 400, 128>}, {transform_indices = @transform_1, window_bounds = array<i64: 1, 128, 384>}, {transform_indices = @transform_2, window_bounds = array<i64: 1, 1, 384>}, {transform_indices = @transform_3, window_bounds = array<i64: 1, 400, 256>}, {transform_indices = @transform_4, window_bounds = array<i64: 1, 400, 8>}]} {
    %get3A = arith.constant 0 : index
    %get3A_0 = arith.constant 0 : index
    %get3A_1 = arith.constant 0 : index
    %get3A_2 = vector.load %arg2[%get3A, %get3A_0, %get3A_1] : memref<1x400x128xf32, #tpu.memory_space<vmem>>, vector<1x400x128xf32>
    %get3A_3 = vector.shape_cast %get3A_2 : vector<1x400x128xf32> to vector<400x128xf32>
    %max3A = arith.constant 0.000000e+00 : f32
    %max3A_4 = vector.broadcast %max3A : f32 to vector<400x128xf32>
    %max3A_5 = arith.maximumf %get3A_3, %max3A_4 : vector<400x128xf32>
    %get3A_6 = arith.constant 0 : index
    %get3A_7 = arith.constant 0 : index
    %get3A_8 = arith.constant 0 : index
    %get3A_9 = vector.load %arg3[%get3A_6, %get3A_7, %get3A_8] : memref<1x128x384xf32, #tpu.memory_space<vmem>>, vector<1x128x384xf32>
    %get3A_10 = vector.shape_cast %get3A_9 : vector<1x128x384xf32> to vector<128x384xf32>
    %dot_general3A = arith.constant dense<0.000000e+00> : vector<400x384xf32>
    %dot_general3A_11 = tpu.matmul %max3A_5, %get3A_10, %dot_general3A {dimension_numbers = #tpu.dot_dimension_numbers<[1], [0], [0], [1], [0, 0, 1, 1], [], []>, transpose_lhs_hint = false} : vector<400x128xf32>, vector<128x384xf32>, vector<400x384xf32> -> vector<400x384xf32>
    %get3A_12 = arith.constant 0 : index
    %get3A_13 = arith.constant 0 : index
    %get3A_14 = arith.constant 0 : index
    %get3A_15 = vector.load %arg4[%get3A_12, %get3A_13, %get3A_14] : memref<1x1x384xf32, #tpu.memory_space<vmem>>, vector<1x1x384xf32>
    %get3A_16 = vector.shape_cast %get3A_15 : vector<1x1x384xf32> to vector<1x384xf32>
    %add3A = vector.broadcast %get3A_16 : vector<1x384xf32> to vector<400x384xf32>
    %add3A_17 = arith.addf %dot_general3A_11, %add3A : vector<400x384xf32>
    %slice3A = vector.extract_strided_slice %add3A_17 {offsets = [0, 0], sizes = [400, 256], strides = [1, 1]} : vector<400x384xf32> to vector<400x256xf32>
    %swap3A = arith.constant 0 : index
    %swap3A_18 = arith.constant 0 : index
    %swap3A_19 = arith.constant 0 : index
    %swap3A_20 = vector.load %arg5[%swap3A, %swap3A_18, %swap3A_19] : memref<1x400x256xf32, #tpu.memory_space<vmem>>, vector<1x400x256xf32>
    %swap3A_21 = vector.shape_cast %swap3A_20 : vector<1x400x256xf32> to vector<400x256xf32>
    %swap3A_22 = vector.shape_cast %slice3A : vector<400x256xf32> to vector<1x400x256xf32>
    tpu.vector_store %arg5[%swap3A, %swap3A_18, %swap3A_19], %swap3A_22 {strides = array<i32>} : memref<1x400x256xf32, #tpu.memory_space<vmem>>, vector<1x400x256xf32>,
    %slice3A_23 = vector.extract_strided_slice %add3A_17 {offsets = [0, 256], sizes = [400, 8], strides = [1, 1]} : vector<400x384xf32> to vector<400x8xf32>
    %swap3A_24 = arith.constant 0 : index
    %swap3A_25 = arith.constant 0 : index
    %swap3A_26 = arith.constant 0 : index
    %swap3A_27 = vector.load %arg6[%swap3A_24, %swap3A_25, %swap3A_26] : memref<1x400x8xf32, #tpu.memory_space<vmem>>, vector<1x400x8xf32>
    %swap3A_28 = vector.shape_cast %swap3A_27 : vector<1x400x8xf32> to vector<400x8xf32>
    %swap3A_29 = vector.shape_cast %slice3A_23 : vector<400x8xf32> to vector<1x400x8xf32>
    tpu.vector_store %arg6[%swap3A_24, %swap3A_25, %swap3A_26], %swap3A_29 {strides = array<i32>} : memref<1x400x8xf32, #tpu.memory_space<vmem>>, vector<1x400x8xf32>,
    return
  }
  func.func @transform_0(%arg0: i32, %arg1: i32) -> (i32, i32, i32) {
    %c0_i32 = arith.constant 0 : i32
    %c0_i32_0 = arith.constant 0 : i32
    return %arg0, %arg1, %c0_i32 : i32, i32, i32
  }
  func.func @transform_1(%arg0: i32, %arg1: i32) -> (i32, i32, i32) {
    %c0_i32 = arith.constant 0 : i32
    %c0_i32_0 = arith.constant 0 : i32
    %c0_i32_1 = arith.constant 0 : i32
    return %arg0, %c0_i32, %c0_i32_0 : i32, i32, i32
  }
  func.func @transform_2(%arg0: i32, %arg1: i32) -> (i32, i32, i32) {
    %c0_i32 = arith.constant 0 : i32
    %c0_i32_0 = arith.constant 0 : i32
    %c0_i32_1 = arith.constant 0 : i32
    return %arg0, %c0_i32, %c0_i32_0 : i32, i32, i32
  }
  func.func @transform_3(%arg0: i32, %arg1: i32) -> (i32, i32, i32) {
    %c0_i32 = arith.constant 0 : i32
    %c0_i32_0 = arith.constant 0 : i32
    return %arg0, %arg1, %c0_i32 : i32, i32, i32
  }
  func.func @transform_4(%arg0: i32, %arg1: i32) -> (i32, i32, i32) {
    %c0_i32 = arith.constant 0 : i32
    %c0_i32_0 = arith.constant 0 : i32
    return %arg0, %arg1, %c0_i32 : i32, i32, i32
  }
}

module attributes {stable_mosaic.version = 14 : i64} {
  func.func @_glue_kernel_body(%arg0: i32, %arg1: i32, %arg2: memref<1x2000x256xf32, #tpu.memory_space<vmem>>, %arg3: memref<1x2000x8xf32, #tpu.memory_space<vmem>>, %arg4: memref<1x2000x8xf32, #tpu.memory_space<vmem>>, %arg5: memref<1x1x8xf32, #tpu.memory_space<vmem>>, %arg6: memref<1x1x128xf32, #tpu.memory_space<vmem>>, %arg7: memref<1x2000x128xf32, #tpu.memory_space<vmem>>, %arg8: memref<1x2000x128xf32, #tpu.memory_space<vmem>>) attributes {dimension_semantics = [#tpu.dimension_semantics<arbitrary>, #tpu.dimension_semantics<arbitrary>], iteration_bounds = array<i64: 2, 5>, scalar_prefetch = 0 : i64, scratch_operands = 0 : i64, tpu.core_type = #tpu.core_type<tc>, window_params = [{transform_indices = @transform_0, window_bounds = array<i64: 1, 2000, 256>}, {transform_indices = @transform_1, window_bounds = array<i64: 1, 2000, 8>}, {transform_indices = @transform_2, window_bounds = array<i64: 1, 2000, 8>}, {transform_indices = @transform_3, window_bounds = array<i64: 1, 1, 8>}, {transform_indices = @transform_4, window_bounds = array<i64: 1, 1, 128>}, {transform_indices = @transform_5, window_bounds = array<i64: 1, 2000, 128>}, {transform_indices = @transform_6, window_bounds = array<i64: 1, 2000, 128>}]} {
    %get3A = arith.constant 0 : index
    %get3A_0 = arith.constant 0 : index
    %get3A_1 = arith.constant 0 : index
    %get3A_2 = vector.load %arg3[%get3A, %get3A_0, %get3A_1] : memref<1x2000x8xf32, #tpu.memory_space<vmem>>, vector<1x2000x8xf32>
    %get3A_3 = vector.shape_cast %get3A_2 : vector<1x2000x8xf32> to vector<2000x8xf32>
    %slice3A = vector.extract_strided_slice %get3A_3 {offsets = [0, 0], sizes = [2000, 3], strides = [1, 1]} : vector<2000x8xf32> to vector<2000x3xf32>
    %ge3A = arith.constant 0.000000e+00 : f32
    %ge3A_4 = vector.broadcast %ge3A : f32 to vector<2000x3xf32>
    %ge3A_5 = arith.cmpf oge, %slice3A, %ge3A_4 : vector<2000x3xf32>
    %mul3A = arith.constant 2.000000e-01 : f32
    %mul3A_6 = vector.broadcast %mul3A : f32 to vector<2000x3xf32>
    %mul3A_7 = arith.mulf %mul3A_6, %slice3A : vector<2000x3xf32>
    %select_n3A = arith.select %ge3A_5, %slice3A, %mul3A_7 : vector<2000x3xi1>, vector<2000x3xf32>
    %get3A_8 = arith.constant 0 : index
    %get3A_9 = arith.constant 0 : index
    %get3A_10 = arith.constant 0 : index
    %get3A_11 = vector.load %arg5[%get3A_8, %get3A_9, %get3A_10] : memref<1x1x8xf32, #tpu.memory_space<vmem>>, vector<1x1x8xf32>
    %get3A_12 = vector.shape_cast %get3A_11 : vector<1x1x8xf32> to vector<1x8xf32>
    %slice3A_13 = vector.extract_strided_slice %get3A_12 {offsets = [0, 0], sizes = [1, 3], strides = [1, 1]} : vector<1x8xf32> to vector<1x3xf32>
    %slice3A_14 = vector.extract_strided_slice %get3A_12 {offsets = [0, 3], sizes = [1, 3], strides = [1, 1]} : vector<1x8xf32> to vector<1x3xf32>
    %sub3A = vector.broadcast %slice3A_13 : vector<1x3xf32> to vector<2000x3xf32>
    %sub3A_15 = arith.subf %select_n3A, %sub3A : vector<2000x3xf32>
    %exp3A = math.exp %sub3A_15 : vector<2000x3xf32>
    %div3A = vector.broadcast %slice3A_14 : vector<1x3xf32> to vector<2000x3xf32>
    %div3A_16 = arith.divf %exp3A, %div3A : vector<2000x3xf32>
    %reduce_sum3A = arith.constant dense<0.000000e+00> : vector<2000xf32>
    %reduce_sum3A_17 = vector.multi_reduction <add>, %div3A_16, %reduce_sum3A [1] : vector<2000x3xf32> to vector<2000xf32>
    %broadcast_in_dim3A = vector.shape_cast %reduce_sum3A_17 : vector<2000xf32> to vector<2000x1xf32>
    %mul3A_18 = arith.constant 0.333333343 : f32
    %mul3A_19 = vector.broadcast %mul3A_18 : f32 to vector<2000x1xf32>
    %mul3A_20 = arith.mulf %broadcast_in_dim3A, %mul3A_19 : vector<2000x1xf32>
    %get3A_21 = arith.constant 0 : index
    %get3A_22 = arith.constant 0 : index
    %get3A_23 = arith.constant 0 : index
    %get3A_24 = vector.load %arg2[%get3A_21, %get3A_22, %get3A_23] : memref<1x2000x256xf32, #tpu.memory_space<vmem>>, vector<1x2000x256xf32>
    %get3A_25 = vector.shape_cast %get3A_24 : vector<1x2000x256xf32> to vector<2000x256xf32>
    %slice3A_26 = vector.extract_strided_slice %get3A_25 {offsets = [0, 128], sizes = [2000, 128], strides = [1, 1]} : vector<2000x256xf32> to vector<2000x128xf32>
    %mul3A_27 = vector.broadcast %mul3A_20 : vector<2000x1xf32> to vector<2000x128xf32>
    %mul3A_28 = arith.mulf %slice3A_26, %mul3A_27 : vector<2000x128xf32>
    %get3A_29 = arith.constant 0 : index
    %get3A_30 = arith.constant 0 : index
    %get3A_31 = arith.constant 0 : index
    %get3A_32 = vector.load %arg4[%get3A_29, %get3A_30, %get3A_31] : memref<1x2000x8xf32, #tpu.memory_space<vmem>>, vector<1x2000x8xf32>
    %get3A_33 = vector.shape_cast %get3A_32 : vector<1x2000x8xf32> to vector<2000x8xf32>
    %slice3A_34 = vector.extract_strided_slice %get3A_33 {offsets = [0, 2], sizes = [2000, 1], strides = [1, 1]} : vector<2000x8xf32> to vector<2000x1xf32>
    %slice3A_35 = vector.extract_strided_slice %get3A_25 {offsets = [0, 0], sizes = [2000, 128], strides = [1, 1]} : vector<2000x256xf32> to vector<2000x128xf32>
    %add3A = arith.addf %slice3A_35, %mul3A_28 : vector<2000x128xf32>
    %get3A_36 = arith.constant 0 : index
    %get3A_37 = arith.constant 0 : index
    %get3A_38 = arith.constant 0 : index
    %get3A_39 = vector.load %arg6[%get3A_36, %get3A_37, %get3A_38] : memref<1x1x128xf32, #tpu.memory_space<vmem>>, vector<1x1x128xf32>
    %get3A_40 = vector.shape_cast %get3A_39 : vector<1x1x128xf32> to vector<1x128xf32>
    %add3A_41 = vector.broadcast %get3A_40 : vector<1x128xf32> to vector<2000x128xf32>
    %add3A_42 = arith.addf %add3A, %add3A_41 : vector<2000x128xf32>
    %mul3A_43 = arith.constant 5.000000e-02 : f32
    %mul3A_44 = vector.broadcast %mul3A_43 : f32 to vector<2000x1xf32>
    %mul3A_45 = arith.mulf %slice3A_34, %mul3A_44 : vector<2000x1xf32>
    %add3A_46 = vector.broadcast %mul3A_45 : vector<2000x1xf32> to vector<2000x128xf32>
    %add3A_47 = arith.addf %add3A_42, %add3A_46 : vector<2000x128xf32>
    %swap3A = arith.constant 0 : index
    %swap3A_48 = arith.constant 0 : index
    %swap3A_49 = arith.constant 0 : index
    %swap3A_50 = vector.load %arg7[%swap3A, %swap3A_48, %swap3A_49] : memref<1x2000x128xf32, #tpu.memory_space<vmem>>, vector<1x2000x128xf32>
    %swap3A_51 = vector.shape_cast %swap3A_50 : vector<1x2000x128xf32> to vector<2000x128xf32>
    %swap3A_52 = vector.shape_cast %mul3A_28 : vector<2000x128xf32> to vector<1x2000x128xf32>
    tpu.vector_store %arg7[%swap3A, %swap3A_48, %swap3A_49], %swap3A_52 {strides = array<i32>} : memref<1x2000x128xf32, #tpu.memory_space<vmem>>, vector<1x2000x128xf32>,
    %swap3A_53 = arith.constant 0 : index
    %swap3A_54 = arith.constant 0 : index
    %swap3A_55 = arith.constant 0 : index
    %swap3A_56 = vector.load %arg8[%swap3A_53, %swap3A_54, %swap3A_55] : memref<1x2000x128xf32, #tpu.memory_space<vmem>>, vector<1x2000x128xf32>
    %swap3A_57 = vector.shape_cast %swap3A_56 : vector<1x2000x128xf32> to vector<2000x128xf32>
    %swap3A_58 = vector.shape_cast %add3A_47 : vector<2000x128xf32> to vector<1x2000x128xf32>
    tpu.vector_store %arg8[%swap3A_53, %swap3A_54, %swap3A_55], %swap3A_58 {strides = array<i32>} : memref<1x2000x128xf32, #tpu.memory_space<vmem>>, vector<1x2000x128xf32>,
    return
  }
  func.func @transform_0(%arg0: i32, %arg1: i32) -> (i32, i32, i32) {
    %c0_i32 = arith.constant 0 : i32
    %c0_i32_0 = arith.constant 0 : i32
    return %arg0, %arg1, %c0_i32 : i32, i32, i32
  }
  func.func @transform_1(%arg0: i32, %arg1: i32) -> (i32, i32, i32) {
    %c0_i32 = arith.constant 0 : i32
    %c0_i32_0 = arith.constant 0 : i32
    return %arg0, %arg1, %c0_i32 : i32, i32, i32
  }
  func.func @transform_2(%arg0: i32, %arg1: i32) -> (i32, i32, i32) {
    %c0_i32 = arith.constant 0 : i32
    %c0_i32_0 = arith.constant 0 : i32
    return %arg0, %arg1, %c0_i32 : i32, i32, i32
  }
  func.func @transform_3(%arg0: i32, %arg1: i32) -> (i32, i32, i32) {
    %c0_i32 = arith.constant 0 : i32
    %c0_i32_0 = arith.constant 0 : i32
    %c0_i32_1 = arith.constant 0 : i32
    return %arg0, %c0_i32, %c0_i32_0 : i32, i32, i32
  }
  func.func @transform_4(%arg0: i32, %arg1: i32) -> (i32, i32, i32) {
    %c0_i32 = arith.constant 0 : i32
    %c0_i32_0 = arith.constant 0 : i32
    %c0_i32_1 = arith.constant 0 : i32
    return %arg0, %c0_i32, %c0_i32_0 : i32, i32, i32
  }
  func.func @transform_5(%arg0: i32, %arg1: i32) -> (i32, i32, i32) {
    %c0_i32 = arith.constant 0 : i32
    %c0_i32_0 = arith.constant 0 : i32
    return %arg0, %arg1, %c0_i32 : i32, i32, i32
  }
  func.func @transform_6(%arg0: i32, %arg1: i32) -> (i32, i32, i32) {
    %c0_i32 = arith.constant 0 : i32
    %c0_i32_0 = arith.constant 0 : i32
    return %arg0, %arg1, %c0_i32 : i32, i32, i32
  }
}

module attributes {stable_mosaic.version = 14 : i64} {
  func.func @_fc_kernel_body(%arg0: memref<1024x256xf32, #tpu.memory_space<vmem>>, %arg1: memref<256x128xf32, #tpu.memory_space<vmem>>, %arg2: memref<1x128xf32, #tpu.memory_space<vmem>>, %arg3: memref<128x64xf32, #tpu.memory_space<vmem>>, %arg4: memref<1x64xf32, #tpu.memory_space<vmem>>, %arg5: memref<1024x64xf32, #tpu.memory_space<vmem>>) attributes {dimension_semantics = [], scalar_prefetch = 0 : i64, scratch_operands = 0 : i64, tpu.core_type = #tpu.core_type<tc>} {
    %get3A = arith.constant 0 : index
    %get3A_0 = arith.constant 0 : index
    %get3A_1 = vector.load %arg0[%get3A, %get3A_0] : memref<1024x256xf32, #tpu.memory_space<vmem>>, vector<1024x256xf32>
    %get3A_2 = arith.constant 0 : index
    %get3A_3 = arith.constant 0 : index
    %get3A_4 = vector.load %arg1[%get3A_2, %get3A_3] : memref<256x128xf32, #tpu.memory_space<vmem>>, vector<256x128xf32>
    %dot_general3A = arith.constant dense<0.000000e+00> : vector<1024x128xf32>
    %dot_general3A_5 = tpu.matmul %get3A_1, %get3A_4, %dot_general3A {dimension_numbers = #tpu.dot_dimension_numbers<[1], [0], [0], [1], [0, 0, 1, 1], [], []>, transpose_lhs_hint = false} : vector<1024x256xf32>, vector<256x128xf32>, vector<1024x128xf32> -> vector<1024x128xf32>
    %get3A_6 = arith.constant 0 : index
    %get3A_7 = arith.constant 0 : index
    %get3A_8 = vector.load %arg2[%get3A_6, %get3A_7] : memref<1x128xf32, #tpu.memory_space<vmem>>, vector<1x128xf32>
    %add3A = vector.broadcast %get3A_8 : vector<1x128xf32> to vector<1024x128xf32>
    %add3A_9 = arith.addf %dot_general3A_5, %add3A : vector<1024x128xf32>
    %max3A = arith.constant 0.000000e+00 : f32
    %max3A_10 = vector.broadcast %max3A : f32 to vector<1024x128xf32>
    %max3A_11 = arith.maximumf %add3A_9, %max3A_10 : vector<1024x128xf32>
    %get3A_12 = arith.constant 0 : index
    %get3A_13 = arith.constant 0 : index
    %get3A_14 = vector.load %arg3[%get3A_12, %get3A_13] : memref<128x64xf32, #tpu.memory_space<vmem>>, vector<128x64xf32>
    %dot_general3A_15 = arith.constant dense<0.000000e+00> : vector<1024x64xf32>
    %dot_general3A_16 = tpu.matmul %max3A_11, %get3A_14, %dot_general3A_15 {dimension_numbers = #tpu.dot_dimension_numbers<[1], [0], [0], [1], [0, 0, 1, 1], [], []>, transpose_lhs_hint = false} : vector<1024x128xf32>, vector<128x64xf32>, vector<1024x64xf32> -> vector<1024x64xf32>
    %get3A_17 = arith.constant 0 : index
    %get3A_18 = arith.constant 0 : index
    %get3A_19 = vector.load %arg4[%get3A_17, %get3A_18] : memref<1x64xf32, #tpu.memory_space<vmem>>, vector<1x64xf32>
    %add3A_20 = vector.broadcast %get3A_19 : vector<1x64xf32> to vector<1024x64xf32>
    %add3A_21 = arith.addf %dot_general3A_16, %add3A_20 : vector<1024x64xf32>
    %swap3A = arith.constant 0 : index
    %swap3A_22 = arith.constant 0 : index
    %swap3A_23 = vector.load %arg5[%swap3A, %swap3A_22] : memref<1024x64xf32, #tpu.memory_space<vmem>>, vector<1024x64xf32>
    tpu.vector_store %arg5[%swap3A, %swap3A_22], %add3A_21 {strides = array<i32>} : memref<1024x64xf32, #tpu.memory_space<vmem>>, vector<1024x64xf32>,
    return
  }
}

</mosaic_0001>

<sc_bundles>
// kernel: kernel.15.cloned.1.call-start
scs
__scs_entry_jumppad:
0x0: {  	(pc) =	sbr.rel $0x88, $3  }
0x1: {  	(tag) =	ssettag $0x0;
	lr =	simm.s32 $0x1  }
0x2: {  	[smem:$0x3F62] =	sst lr;
	_ =	strace $0xD0000000  }
0x3: {  	_ = 	snop  }
0x4: {  	_ = 	snop  }
0x5: {  	_ = 	snop  }
0x6: {  	_ = 	snop  }
0x7: {  	_ = 	snop  }
__scs_overlays_trampoline_lowered:
0x8: {  	[smem:$0x3F71] =	sst s0  }
0x9: {  	[smem:$0x3F72] =	sst s1  }
0xa: {  	[smem:$0x3F73] =	sst s2  }
0xb: {  	[smem:$0x3F74] =	sst s3  }
0xc: {  	[smem:$0x3F75] =	sst s4  }
0xd: {  	[smem:$0x3F76] =	sst s5  }
0xe: {  	[smem:$0x3F77] =	sst s6  }
0xf: {  	[smem:$0x3F78] =	sst s7  }
0x10: {  	[smem:$0x3F79] =	sst s8  }
0x11: {  	[smem:$0x3F7A] =	sst s9;
	s0 =	simm.s32 @!p0 $0x0  }
0x12: {  	s1 =	sld [smem:$0x3F60];
	s0 =	simm.s32 @p0 $0x1  }
0x13: {  	[smem:$0x3F7B] =	sst s0;
	s0 =	simm.s32 @!p1 $0x0  }
0x14: {  	s2 =	sld [smem:$0x3F5F];
	s0 =	simm.s32 @p1 $0x1  }
0x15: {  	[smem:$0x3F7C] =	sst s0;
	s0 =	simm.s32 @!p2 $0x0  }
0x16: {  	s3 =	sld [smem:$0x3FDB];
	s0 =	simm.s32 @p2 $0x1  }
0x17: {  	s4 =	simm.s32 $0x1BF5;
	[smem:$0x3F7E] =	sst s0  }
0x18: {  	s0 =	sld [smem:$0x3F61];
	_ =	swait.ge [sflag:s4], $0x0  }
0x19: {  	s7 =	sld [smem:$0x3F62]  }
0x1a: {  	s8 =	sadd.s32 $0xFFFFE003, lr  }
0x1b: {  	s9 =	sadd.s32 $0xFFFFFEF7, lr;
	s5 =	simm.s32 $0xFFFFFFFF;
	p2 =	slt.u32 s8, $0xFFFFF086  }
0x1c: {  	p1 =	slt.u32 s9, $0xF7A;
	s5 =	simm.s32 @!p2 $0x0  }
0x1d: {  	s5 =	simm.s32 @p1 $0x1;
	p0 =	seq.s32 s7, s2  }
0x1e: {  	s7 =	smul.u32 @!p0 $0xF7A, s2;
	p2 =	seq.s32 @!p0 s5, $0x0  }
0x1f: {  	s9 =	smul.u32 $0xF7A, s1;
	s8 =	simm.s32 @!p0 $0x1BF5;
	p2 =	por !p2, p0  }
0x20: {  	[sflag:s8] =	ssyncset.s32 @!p0 $0xFFFFF086;
	s6 =	sadd.s32 @!p0 s3, s7;
	s7 =	simm.s32 @!p0 $0x108  }
0x21: {  	s3 =	sadd.s32 s3, s9;
	s6 =	sadd.s32 @!p0 $0x88, s6;
	s7 =	simm.s32 @p2 $0x1082  }
0x22: {  	[simem:s7], [sflag:s8] =	dma.local @!p0 [hbm:s6], $0xF7A  }
0x23: {  	s9 =	sor.u32 $0xD0000000, s2;
	s6 =	simm.s32 $0x108;
	_ =	swait.ge @!p0 [sflag:s8], $0x0  }
0x24: {  	s3 =	sadd.s32 $0x88, s3;
	s6 =	simm.s32 @!p1 $0x1082;
	[sflag:s4] =	ssyncset.s32 $0xFFFFF086  }
0x25: {  	[simem:s6], [sflag:s4] =	dma.local [hbm:s3], $0xF7A  }
0x26: {  	[smem:$0x3F62] =	sst s1;
	(tag) =	ssettag s2;
	_ =	strace s9  }
0x27: {  	s1 =	sld [smem:$0x3F72]  }
0x28: {  	s2 =	sld [smem:$0x3F73]  }
0x29: {  	s4 =	sld [smem:$0x3F75]  }
0x2a: {  	p0 =	seq.s32 s5, $0x0;
	s5 =	sld [smem:$0x3F76]  }
0x2b: {  	s6 =	sld [smem:$0x3F77]  }
0x2c: {  	s7 =	sld [smem:$0x3F78]  }
0x2d: {  	s3 =	simm.s32 $0x108;
	s8 =	sld [smem:$0x3F79]  }
0x2e: {  	s3 =	simm.s32 @!p0 $0x1082;
	s9 =	sld [smem:$0x3F7A]  }
0x2f: {  	lr =	sadd.s32 s0, s3;
	s0 =	sld [smem:$0x3F71]  }
0x30: {  	s3 =	sld [smem:$0x3F74]  }
0x31: {  	[smem:$0x3F7D] =	sst s10  }
0x32: {  	s10 =	sld [smem:$0x3F7B];
	_ =	sdelay $0x3  }
0x33: {  	p0 =	seq.s32 s10, $0x1;
	s10 =	sld [smem:$0x3F7D];
	_ =	sdelay $0x3  }
0x34: {  	[smem:$0x3F7D] =	sst s10  }
0x35: {  	s10 =	sld [smem:$0x3F7C];
	_ =	sdelay $0x3  }
0x36: {  	p1 =	seq.s32 s10, $0x1;
	s10 =	sld [smem:$0x3F7D];
	_ =	sdelay $0x3  }
0x37: {  	[smem:$0x3F7D] =	sst s10  }
0x38: {  	s10 =	sld [smem:$0x3F7E]  }
0x39: {  	_ = 	snop;
	(pc) =	sbr.ind lr, $3  }
0x3a: {  	_ = 	snop  }
0x3b: {  	_ = 	snop  }
0x3c: {  	p2 =	seq.s32 s10, $0x1;
	s10 =	sld [smem:$0x3F7D]  }
0x3d: {  	_ =	shalt  }
0x3e: {  	_ =	shalt  }
0x3f: {  	_ =	shalt  }
0x40: {  	_ =	shalt  }
0x41: {  	_ =	shalt  }
0x42: {  	_ =	shalt  }
0x43: {  	_ =	shalt  }
0x44: {  	_ =	shalt  }
0x45: {  	_ =	shalt  }
0x46: {  	_ =	shalt  }
0x47: {  	_ =	shalt  }
0x48: {  	_ =	shalt  }
0x49: {  	_ =	shalt  }
0x4a: {  	_ =	shalt  }
0x4b: {  	_ =	shalt  }
0x4c: {  	_ =	shalt  }
0x4d: {  	_ =	shalt  }
0x4e: {  	_ =	shalt  }
0x4f: {  	_ =	shalt  }
0x50: {  	_ =	shalt  }
0x51: {  	_ =	shalt  }
0x52: {  	_ =	shalt  }
0x53: {  	_ =	shalt  }
0x54: {  	_ =	shalt  }
0x55: {  	_ =	shalt  }
0x56: {  	_ =	shalt  }
0x57: {  	_ =	shalt  }
0x58: {  	_ =	shalt  }
0x59: {  	_ =	shalt  }
0x5a: {  	_ =	shalt  }
0x5b: {  	_ =	shalt  }
0x5c: {  	_ =	shalt  }
0x5d: {  	_ =	shalt  }
0x5e: {  	_ =	shalt  }
0x5f: {  	_ =	shalt  }
0x60: {  	_ =	shalt  }
0x61: {  	_ =	shalt  }
0x62: {  	_ =	shalt  }
0x63: {  	_ =	shalt  }
0x64: {  	_ =	shalt  }
0x65: {  	_ =	shalt  }
0x66: {  	_ =	shalt  }
0x67: {  	_ =	shalt  }
0x68: {  	_ =	shalt  }
0x69: {  	_ =	shalt  }
0x6a: {  	_ =	shalt  }
0x6b: {  	_ =	shalt  }
0x6c: {  	_ =	shalt  }
0x6d: {  	_ =	shalt  }
0x6e: {  	_ =	shalt  }
0x6f: {  	_ =	shalt  }
0x70: {  	_ =	shalt  }
0x71: {  	_ =	shalt  }
0x72: {  	_ =	shalt  }
0x73: {  	_ =	shalt  }
0x74: {  	_ =	shalt  }
0x75: {  	_ =	shalt  }
0x76: {  	_ =	shalt  }
0x77: {  	_ =	shalt  }
0x78: {  	_ =	shalt  }
0x79: {  	_ =	shalt  }
0x7a: {  	_ =	shalt  }
0x7b: {  	_ =	shalt  }
0x7c: {  	_ =	shalt  }
0x7d: {  	_ =	shalt  }
0x7e: {  	_ =	shalt  }
0x7f: {  	_ =	shalt  }
0x80: {  	_ =	shalt  }
0x81: {  	_ =	shalt  }
0x82: {  	_ =	shalt  }
0x83: {  	_ =	shalt  }
0x84: {  	_ =	shalt  }
0x85: {  	_ =	shalt  }
0x86: {  	_ =	shalt  }
0x87: {  	_ =	shalt  }
.Lfunc_end0:
.L_simem_size_0:
called_computation_lowered:
.L_overlay_start_0:
0x88: {  	s2 =	sld [smem:$0x3FD9]  }
0x89: {  	s3 =	sld [smem:$0x3FFE];
	_ =	sdelay $0x1  }
0x8a: {  	s1 =	srdreg.scid  }
0x8b: {  	s0 =	sand.u32 $0x1, s1  }
0x8c: {  	s17 =	sshll.u32 s0, $0xA;
	s2 =	sadd.s32 s3, s2  }
0x8d: {  	s2 =	sadd.s32 s2, s17  }
0x8e: {  	[smem:$0x3F89] =	sst s2  }
0x8f: {  	_ = 	snop  }
0x90: {  	s2 =	sld [smem:$0x3FD0];
	(tm) =	ssettm $0x1  }
0x91: {  	s18 =	sld [smem:$0x3FFB];
	_ =	sdelay $0x3  }
0x92: {  	_ =	strace s18  }
0x93: {  	s3 =	sld [smem:$0x3FFC];
	_ =	sdelay $0x3  }
0x94: {  	_ =	strace s3  }
0x95: {  	s3 =	sld [smem:$0x3FFD];
	_ =	sdelay $0x3  }
0x96: {  	_ =	strace s3  }
0x97: {  	_ =	strace $0x8FFFFFFF  }
0x98: {  	s19 =	sld [smem:$0x3FDB];
	_ =	sdelay $0x1  }
0x99: {  	s4 =	simm.s32 $_scs_section_size  }
0x9a: {  	s5 =	simm.s32 $_size__tile_overlayer_lowered;
	s6 =	simm.s32 $_tile_overlayer_lowered  }
0x9b: {  	s22 =	simm.s32 $0x1BFF;
	s21 =	sshll.u32 s6, $0x1;
	s3 =	sadd.s32 s4, s19  }
0x9c: {  	s7 =	simm.s32 $0x0;
	s20 =	sshll.u32 s5, $0x1;
	s5 =	sadd.s32 s21, s3  }
0x9d: {  	[timem:s7], [sflag:s22] =	dma.local [hbm:s5], s20  }
0x9e: {  	_ =	swait.ge [sflag:s22], s20  }
0x9f: {  	s4 =	ssub.s32 $0x0, s20;
	[sflag:s22] =	ssyncset.done $0x0  }
0xa0: {  	[sflag:s22] =	ssyncadd.s32 s4;
	_ =	sdelay $0x1  }
0xa1: {  	s23 =	simm.s32 $0x1B8B  }
0xa2: {  	_ =	swait.ge [sflag:s23], $0x1  }
0xa3: {  	[sflag:s23] =	ssyncset.done $0x0  }
0xa4: {  	s25 =	simm.s32 $0x1B8E;
	s24 =	sld [smem:$0x3FFE];
	[sflag:s23] =	ssyncadd.s32 $0xFFFFFFFF  }
0xa5: {  	s26 =	simm.s32 $execute0_lowered;
	[smem:$0x3FD2] =	sst s25  }
0xa6: {  	s5 =	sshll.u32 s26, $0x1;
	_ =	strace $0x80000046;
	[dreg:$0x1] =	wrdreg $0xFFFFFFFF  }
0xa7: {  	s28 =	simm.s32 $_size_execute0_lowered;
	s3 =	sadd.s32 s3, s5;
	[dreg:$0x0] =	wrdreg $0x0  }
0xa8: {  	s5 =	sshll.u32 s28, $0x1;
	[dreg:$0x2] =	wrdreg s3  }
0xa9: {  	[dreg:$0x3] =	wrdreg s5  }
0xaa: {  	[dreg:$0x4] =	wrdreg $0xC0  }
0xab: {  	_ =	task [dreg:s7], $0x5FFFF  }
0xac: {  	[dreg:$0x1] =	wrdreg $0xFFFFFFFF  }
0xad: {  	[dreg:$0x0] =	wrdreg $0x60  }
0xae: {  	[dreg:$0x2] =	wrdreg s24  }
0xaf: {  	[dreg:$0x3] =	wrdreg s2  }
0xb0: {  	[dreg:$0x4] =	wrdreg $0x7A000  }
0xb1: {  	[dreg:$0x5] =	wrdreg $0x9  }
0xb2: {  	_ =	task.clear_ibuf [dreg:s7], $0x6FFFF;
	_ =	strace $0x90000046  }
0xb3: {  	s29 =	simm.s32 $0x9;
	_ =	strace $0x80000048  }
0xb4: {  	_ =	swait.ge [sflag:s29], $0x1  }
0xb5: {  	[sflag:s29] =	ssyncadd.s32 $0xFFFFFFFF  }
0xb6: {  	_ =	strace $0x90000048  }
0xb7: {  	_ =	sfence  }
0xb8: {  	s30 =	sld [smem:$0x0];
	_ =	sdelay $0x2  }
0xb9: {  	s31 =	sshll.u32 s1, $0xD;
	s1 =	sshrl.u32 s1, $0x2  }
0xba: {  	s3 =	sand.u32 $0x4000, s31;
	s1 =	sadd.s32 s1, s30  }
0xbb: {  	s0 =	sor.u32 s3, s0;
	s1 =	sshll.u32 s1, $0x11  }
0xbc: {  	s0 =	sor.u32 s1, s0  }
0xbd: {  	s0 =	sadd.s32 $0x8F2B, s0  }
0xbe: {  	[sflag:s0] =	ssyncadd.remote.s32 $0x1  }
0xbf: {  	_ =	sfence.sel $0xFFFF  }
0xc0: {  	[dreg:$0x0] =	wrdreg $0xFFFFFFFF;
	(pc) =	sbr.abs _section_cstart, $3  }
0xc1: {  	[dreg:$0x1] =	wrdreg $0xFFFFFFFF  }
0xc2: {  	_ =	task.clear_ibuf [dreg:s7], $0x2FFFF;
	_ =	strace $0x9FFFFFFF  }
0xc3: {  	(tm) =	ssettm $0x7FFFFFFF  }
tec
execute0_lowered:
.L_overlay_start_1:
0x0: {  	(tag) =	ssettag $0x1  }
0x1: {  	s5 =	rddreg [dreg:$0x0]  }
0x2: {  	s1 =	rddreg [dreg:$0x1]  }
0x3: {  	s2 =	rddreg [dreg:$0x2]  }
0x4: {  	s3 =	simm.s32 $0x0;
	s4 =	srdreg.scid;
	s13 =	stileid.u32  }
0x5: {  	s16 =	simm.s32 $0x80;
	s17 =	simm.s32 $0x100;
	s18 =	simm.s32 $0x2900  }
0x6: {  	s19 =	simm.s32 $0x2980;
	s20 =	simm.s32 $0x2A00;
	s21 =	simm.s32 $0x1  }
0x7: {  	s22 =	simm.s32 $0x50;
	s23 =	simm.s32 $0x2;
	s10 =	smul.u32 $0x271000, s13  }
0x8: {  	[smem:$0x7FF] =	sst s3;
	s6 =	sand.u32 $0x1, s4;
	s14 =	smul.u32 $0x4E20, s13  }
0x9: {  	s12 =	sadd.s32 $0x8800, s5;
	s9 =	sadd.s32 $0xEE0000, s5;
	s7 =	smul.u32 $0x27100, s6  }
0xa: {  	s4 =	sadd.s32 $0x56C00, s5;
	p0 =	sne.s32 s13, $0x0;
	s8 =	smul.u32 $0x2710000, s6  }
0xb: {  	_ =	strace $0x80000047;
	s24 =	ssub.s32 $0x2, s6;
	s11 =	smul.u32 $0x9C400, s6  }
0xc: {  	s13 =	sshrl.u32 @!p0 s2, $0x3;
	s25 =	sshrl.u32 s24, $0x1;
	s5 =	sadd.s32 s7, s5  }
0xd: {  	s8 =	sadd.s32 s10, s8;
	s6 =	ssub.s32 s24, s25;
	s28 =	sadd.s32 s14, s11  }
0xe: {  	s24 =	simm.s32 $0x0;
	s5 =	sadd.s32 $0x7DE00, s5;
	s26 =	sadd.s32 $0x2800, s8  }
0xf: {  	s6 =	smax.u32 s6, $0x1;
	s8 =	sshrl.u32 s8, $0x3;
	s11 =	sshrl.u32 s28, $0x3  }
0x10: {  	s29 =	sadd.s32 $0x4E250, s28;
	s14 =	sadd.s32 $0x4E200, s28;
	s15 =	sadd.s32 $0x50, s28  }
0x11: {  	s7 =	sshrl.u32 s26, $0x3;
	s8 =	sadd.s32 s8, s9;
	s30 =	sshrl.u32 s14, $0x3  }
0x12: {  	s31 =	sshrl.u32 s15, $0x3;
	s14 =	simm.s32 $0x5200;
	s15 =	simm.s32 $0x3  }
0x13: {  	s7 =	sadd.s32 s7, s9;
	s9 =	sadd.s32 s11, s12;
	s11 =	sshrl.u32 s29, $0x3  }
0x14: {  	s10 =	sadd.s32 s11, s12;
	s11 =	sadd.s32 s30, s12;
	s12 =	sadd.s32 s31, s12  }
.LBB2_1:
0x15: {  	s25 =	simm.s32 @!p0 $0x1C03  }
0x16: {  	[spmem:s13], [sflag:s25] =	dma.local @!p0 [hbm:s4], $0x27100  }
0x17: {  	s25 =	simm.s32 @!p0 $0x3  }
0x18: {  	_ =	swait.ge @!p0 [sflag:s25], $0x27100  }
0x19: {  	[sflag:s25] =	ssyncset.done @!p0 $0x0  }
0x1a: {  	[sflag:s25] =	ssyncadd.s32 @!p0 $0xFFFD8F00  }
0x1b: {  	[tilespmem:s14], [sflag:$0x3] =	stream.linear.gather [hbm4b:s1+s3], $0x2800, $0x38;
	[tilespmem:$0x8D88] =	vst v63  }
0x1c: {  	_ =	swait.ge [sflag:s15], $0x2800  }
0x1d: {  	[sflag:s15] =	ssyncset.done $0x0  }
0x1e: {  	[sflag:s15] =	ssyncadd.s32 $0xFFFFD800  }
0x1f: {  	s0 =	sadd.s32 $0x0, s9;
	[bflag:$0x0] =	sbarrier.arrive $0xFFFF  }
0x20: {  	[tilespmem:s3], [sflag:$0x1] =	stream.linear.gather [hbm4b:s0+s3], $0x50, $0x38;
	[tilespmem:$0x8D88] =	vst v63  }
0x21: {  	s26 =	sadd.s32 $0x0, s11  }
0x22: {  	[tilespmem:s16], [sflag:$0x1] =	stream.linear.gather [hbm4b:s26+s3], $0x50, $0x38;
	[tilespmem:$0x8D88] =	vst v63  }
0x23: {  	_ = 	snop  }
0x24: {  	[tilespmem:s17], [sflag:$0x1] =	stream.linear.gather [hbm4b:s8+s3], $0x2800, $0x38;
	[tilespmem:$0x8D88] =	vst v63  }
0x25: {  	s29 =	sadd.s32 $0x0, s12  }
0x26: {  	[tilespmem:s18], [sflag:$0x2] =	stream.linear.gather [hbm4b:s29+s3], $0x50, $0x38;
	[tilespmem:$0x8D88] =	vst v63  }
0x27: {  	s31 =	sadd.s32 $0x0, s10  }
0x28: {  	[tilespmem:s19], [sflag:$0x2] =	stream.linear.gather [hbm4b:s31+s3], $0x50, $0x38;
	[tilespmem:$0x8D88] =	vst v63  }
0x29: {  	_ = 	snop  }
0x2a: {  	[tilespmem:s20], [sflag:$0x2] =	stream.linear.gather [hbm4b:s7+s3], $0x2800, $0x38;
	[tilespmem:$0x8D88] =	vst v63  }
0x2b: {  	_ =	swait.ge [sflag:s21], $0x50  }
0x2c: {  	[sflag:s21] =	ssyncset.done $0x0  }
0x2d: {  	[sflag:s21] =	ssyncadd.s32 $0xFFFFFFB0  }
0x2e: {  	_ =	swait.ge [sflag:s21], $0x50  }
0x2f: {  	[sflag:s21] =	ssyncset.done $0x0  }
0x30: {  	[sflag:s21] =	ssyncadd.s32 $0xFFFFFFB0  }
0x31: {  	_ =	swait.ge [sflag:s21], $0x2800  }
0x32: {  	[sflag:s21] =	ssyncset.done $0x0  }
0x33: {  	[sflag:s21] =	ssyncadd.s32 $0xFFFFD800  }
0x34: {  	[spmem:s2] =	stream.indirect.scatter.add.f32 [tilespmem:s14], [sflag:$0x3], $0x8, s3, s22, $0xb8;
	[tilespmem:$0x8D88] =	vst v63  }
0x35: {  	_ =	swait.ge [sflag:s15], $0x280  }
0x36: {  	[sflag:s15] =	ssyncset.done $0x0  }
0x37: {  	[sflag:s15] =	ssyncadd.s32 $0xFFFFFD80  }
0x38: {  	[spmem:s2] =	stream.indirect.scatter.add.f32 [tilespmem:s17], [sflag:$0x3], $0x8, s16, s22, $0xb8;
	[tilespmem:$0x8D88] =	vst v63  }
0x39: {  	_ =	swait.ge [sflag:s15], $0x280  }
0x3a: {  	[sflag:s15] =	ssyncset.done $0x0  }
0x3b: {  	[sflag:s15] =	ssyncadd.s32 $0xFFFFFD80  }
0x3c: {  	_ =	swait.ge [sflag:s23], $0x50  }
0x3d: {  	[sflag:s23] =	ssyncset.done $0x0  }
0x3e: {  	[sflag:s23] =	ssyncadd.s32 $0xFFFFFFB0  }
0x3f: {  	_ =	swait.ge [sflag:s23], $0x50  }
0x40: {  	[sflag:s23] =	ssyncset.done $0x0  }
0x41: {  	[sflag:s23] =	ssyncadd.s32 $0xFFFFFFB0  }
0x42: {  	_ =	swait.ge [sflag:s23], $0x2800  }
0x43: {  	[sflag:s23] =	ssyncset.done $0x0  }
0x44: {  	[sflag:s23] =	ssyncadd.s32 $0xFFFFD800  }
0x45: {  	[spmem:s2] =	stream.indirect.scatter.add.f32 [tilespmem:s14], [sflag:$0x3], $0x8, s18, s22, $0xb8;
	[tilespmem:$0x8D88] =	vst v63  }
0x46: {  	_ =	swait.ge [sflag:s15], $0x280  }
0x47: {  	[sflag:s15] =	ssyncset.done $0x0  }
0x48: {  	[sflag:s15] =	ssyncadd.s32 $0xFFFFFD80  }
0x49: {  	[spmem:s2] =	stream.indirect.scatter.add.f32 [tilespmem:s20], [sflag:$0x3], $0x8, s19, s22, $0xb8;
	[tilespmem:$0x8D88] =	vst v63  }
0x4a: {  	s30 =	simm.s32 $0x28;
	s28 =	sadd.s32 $0xA00, s8;
	_ =	swait.ge [sflag:s15], $0x280  }
0x4b: {  	s25 =	simm.s32 $0x14;
	s26 =	sadd.s32 $0xA00, s7;
	[sflag:s15] =	ssyncset.done $0x0  }
.LBB2_2:
0x4c: {  	s31 =	sadd.s32 s25, s9  }
0x4d: {  	[sflag:s15] =	ssyncadd.s32 $0xFFFFFD80;
	s0 =	smov.u32 s30;
	s29 =	sadd.s32 $0x14, s30  }
0x4e: {  	[tilespmem:s3], [sflag:$0x1] =	stream.linear.gather [hbm4b:s31+s3], $0x50, $0x38;
	[tilespmem:$0x8D88] =	vst v63  }
0x4f: {  	p1 =	sne.s32 s30, $0x9B0;
	s30 =	sadd.s32 s25, s11  }
0x50: {  	[tilespmem:s16], [sflag:$0x1] =	stream.linear.gather [hbm4b:s30+s3], $0x50, $0x38;
	[tilespmem:$0x8D88] =	vst v63  }
0x51: {  	_ = 	snop  }
0x52: {  	[tilespmem:s17], [sflag:$0x1] =	stream.linear.gather [hbm4b:s28+s3], $0x2800, $0x38;
	[tilespmem:$0x8D88] =	vst v63  }
0x53: {  	s30 =	sadd.s32 s25, s12  }
0x54: {  	[tilespmem:s18], [sflag:$0x2] =	stream.linear.gather [hbm4b:s30+s3], $0x50, $0x38;
	[tilespmem:$0x8D88] =	vst v63  }
0x55: {  	s30 =	sadd.s32 s25, s10;
	s25 =	smov.u32 s0  }
0x56: {  	[tilespmem:s19], [sflag:$0x2] =	stream.linear.gather [hbm4b:s30+s3], $0x50, $0x38;
	[tilespmem:$0x8D88] =	vst v63  }
0x57: {  	_ = 	snop  }
0x58: {  	[tilespmem:s20], [sflag:$0x2] =	stream.linear.gather [hbm4b:s26+s3], $0x2800, $0x38;
	[tilespmem:$0x8D88] =	vst v63  }
0x59: {  	_ =	swait.ge [sflag:s21], $0x50  }
0x5a: {  	[sflag:s21] =	ssyncset.done $0x0  }
0x5b: {  	[sflag:s21] =	ssyncadd.s32 $0xFFFFFFB0  }
0x5c: {  	_ =	swait.ge [sflag:s21], $0x50  }
0x5d: {  	[sflag:s21] =	ssyncset.done $0x0  }
0x5e: {  	[sflag:s21] =	ssyncadd.s32 $0xFFFFFFB0  }
0x5f: {  	_ =	swait.ge [sflag:s21], $0x2800  }
0x60: {  	[sflag:s21] =	ssyncset.done $0x0  }
0x61: {  	[sflag:s21] =	ssyncadd.s32 $0xFFFFD800  }
0x62: {  	[spmem:s2] =	stream.indirect.scatter.add.f32 [tilespmem:s14], [sflag:$0x3], $0x8, s3, s22, $0xb8;
	[tilespmem:$0x8D88] =	vst v63  }
0x63: {  	_ =	swait.ge [sflag:s15], $0x280  }
0x64: {  	[sflag:s15] =	ssyncset.done $0x0  }
0x65: {  	[sflag:s15] =	ssyncadd.s32 $0xFFFFFD80  }
0x66: {  	[spmem:s2] =	stream.indirect.scatter.add.f32 [tilespmem:s17], [sflag:$0x3], $0x8, s16, s22, $0xb8;
	[tilespmem:$0x8D88] =	vst v63  }
0x67: {  	_ =	swait.ge [sflag:s15], $0x280  }
0x68: {  	[sflag:s15] =	ssyncset.done $0x0  }
0x69: {  	[sflag:s15] =	ssyncadd.s32 $0xFFFFFD80  }
0x6a: {  	_ =	swait.ge [sflag:s23], $0x50  }
0x6b: {  	[sflag:s23] =	ssyncset.done $0x0  }
0x6c: {  	[sflag:s23] =	ssyncadd.s32 $0xFFFFFFB0  }
0x6d: {  	_ =	swait.ge [sflag:s23], $0x50  }
0x6e: {  	[sflag:s23] =	ssyncset.done $0x0  }
0x6f: {  	[sflag:s23] =	ssyncadd.s32 $0xFFFFFFB0  }
0x70: {  	_ =	swait.ge [sflag:s23], $0x2800  }
0x71: {  	[sflag:s23] =	ssyncset.done $0x0  }
0x72: {  	[sflag:s23] =	ssyncadd.s32 $0xFFFFD800  }
0x73: {  	[spmem:s2] =	stream.indirect.scatter.add.f32 [tilespmem:s14], [sflag:$0x3], $0x8, s18, s22, $0xb8;
	[tilespmem:$0x8D88] =	vst v63  }
0x74: {  	_ =	swait.ge [sflag:s15], $0x280  }
.Ltmp0:
0x75: {  	[sflag:s15] =	ssyncset.done $0x0;
	(pc) =	sbr.rel @p1 .LBB2_2-.Ltmp0, $4  }
0x76: {  	[sflag:s15] =	ssyncadd.s32 $0xFFFFFD80  }
0x77: {  	[spmem:s2] =	stream.indirect.scatter.add.f32 [tilespmem:s20], [sflag:$0x3], $0x8, s19, s22, $0xb8;
	[tilespmem:$0x8D88] =	vst v63  }
0x78: {  	s28 =	sadd.s32 $0xA00, s28;
	_ =	swait.ge [sflag:s15], $0x280  }
0x79: {  	s30 =	smov.u32 s29;
	s26 =	sadd.s32 $0xA00, s26;
	[sflag:s15] =	ssyncset.done $0x0  }
0x7a: {  	s0 =	sadd.s32 s25, s9;
	[sflag:s15] =	ssyncadd.s32 $0xFFFFFD80  }
0x7b: {  	[tilespmem:s3], [sflag:$0x1] =	stream.linear.gather [hbm4b:s0+s3], $0x50, $0x38;
	[tilespmem:$0x8D88] =	vst v63  }
0x7c: {  	s29 =	sadd.s32 s25, s11  }
0x7d: {  	[tilespmem:s16], [sflag:$0x1] =	stream.linear.gather [hbm4b:s29+s3], $0x50, $0x38;
	[tilespmem:$0x8D88] =	vst v63  }
0x7e: {  	_ = 	snop  }
0x7f: {  	[tilespmem:s17], [sflag:$0x1] =	stream.linear.gather [hbm4b:s28+s3], $0x2800, $0x38;
	[tilespmem:$0x8D88] =	vst v63  }
0x80: {  	s30 =	sadd.s32 s25, s12  }
0x81: {  	[tilespmem:s18], [sflag:$0x2] =	stream.linear.gather [hbm4b:s30+s3], $0x50, $0x38;
	[tilespmem:$0x8D88] =	vst v63  }
0x82: {  	s31 =	sadd.s32 s25, s10  }
0x83: {  	[tilespmem:s19], [sflag:$0x2] =	stream.linear.gather [hbm4b:s31+s3], $0x50, $0x38;
	[tilespmem:$0x8D88] =	vst v63  }
0x84: {  	_ = 	snop  }
0x85: {  	[tilespmem:s20], [sflag:$0x2] =	stream.linear.gather [hbm4b:s26+s3], $0x2800, $0x38;
	[tilespmem:$0x8D88] =	vst v63  }
0x86: {  	_ =	swait.ge [sflag:s21], $0x50  }
0x87: {  	[sflag:s21] =	ssyncset.done $0x0  }
0x88: {  	[sflag:s21] =	ssyncadd.s32 $0xFFFFFFB0  }
0x89: {  	_ =	swait.ge [sflag:s21], $0x50  }
0x8a: {  	[sflag:s21] =	ssyncset.done $0x0  }
0x8b: {  	[sflag:s21] =	ssyncadd.s32 $0xFFFFFFB0  }
0x8c: {  	_ =	swait.ge [sflag:s21], $0x2800  }
0x8d: {  	[sflag:s21] =	ssyncset.done $0x0  }
0x8e: {  	[sflag:s21] =	ssyncadd.s32 $0xFFFFD800  }
0x8f: {  	[spmem:s2] =	stream.indirect.scatter.add.f32 [tilespmem:s14], [sflag:$0x3], $0x8, s3, s22, $0xb8;
	[tilespmem:$0x8D88] =	vst v63  }
0x90: {  	_ =	swait.ge [sflag:s15], $0x280  }
0x91: {  	[sflag:s15] =	ssyncset.done $0x0  }
0x92: {  	[sflag:s15] =	ssyncadd.s32 $0xFFFFFD80  }
0x93: {  	[spmem:s2] =	stream.indirect.scatter.add.f32 [tilespmem:s17], [sflag:$0x3], $0x8, s16, s22, $0xb8;
	[tilespmem:$0x8D88] =	vst v63  }
0x94: {  	_ =	swait.ge [sflag:s15], $0x280  }
0x95: {  	[sflag:s15] =	ssyncset.done $0x0  }
0x96: {  	[sflag:s15] =	ssyncadd.s32 $0xFFFFFD80  }
0x97: {  	_ =	swait.ge [sflag:s23], $0x50  }
0x98: {  	[sflag:s23] =	ssyncset.done $0x0  }
0x99: {  	[sflag:s23] =	ssyncadd.s32 $0xFFFFFFB0  }
0x9a: {  	_ =	swait.ge [sflag:s23], $0x50  }
0x9b: {  	[sflag:s23] =	ssyncset.done $0x0  }
0x9c: {  	[sflag:s23] =	ssyncadd.s32 $0xFFFFFFB0  }
0x9d: {  	_ =	swait.ge [sflag:s23], $0x2800  }
0x9e: {  	[sflag:s23] =	ssyncset.done $0x0  }
0x9f: {  	[sflag:s23] =	ssyncadd.s32 $0xFFFFD800  }
0xa0: {  	[spmem:s2] =	stream.indirect.scatter.add.f32 [tilespmem:s14], [sflag:$0x3], $0x8, s18, s22, $0xb8;
	[tilespmem:$0x8D88] =	vst v63  }
0xa1: {  	_ =	swait.ge [sflag:s15], $0x280  }
0xa2: {  	[sflag:s15] =	ssyncset.done $0x0  }
0xa3: {  	[sflag:s15] =	ssyncadd.s32 $0xFFFFFD80  }
0xa4: {  	[spmem:s2] =	stream.indirect.scatter.add.f32 [tilespmem:s20], [sflag:$0x3], $0x8, s19, s22, $0xb8;
	[tilespmem:$0x8D88] =	vst v63  }
0xa5: {  	_ =	swait.ge [sflag:s15], $0x280  }
0xa6: {  	[sflag:s15] =	ssyncset.done $0x0  }
0xa7: {  	s24 =	sadd.s32 $0x1, s24;
	[sflag:s15] =	ssyncadd.s32 $0xFFFFFD80  }
0xa8: {  	s0 =	simm.s32 @!p0 $0x1C03;
	p1 =	sne.s32 s24, s6;
	[bflag:$0x0] =	sbarrier.arrive $0xFFFF  }
0xa9: {  	[hbm:s5], [sflag:s0] =	dma.local @!p0 [spmem:s13], $0x27100  }
.Ltmp1:
0xaa: {  	_ = 	snop;
	(pc) =	sbr.rel @p1 .LBB2_1-.Ltmp1, $4  }
0xab: {  	s0 =	simm.s32 @!p0 $0x3  }
0xac: {  	_ =	swait.ge @!p0 [sflag:s0], $0x27100  }
0xad: {  	[sflag:s0] =	ssyncset.done @!p0 $0x0  }
0xae: {  	[sflag:s0] =	ssyncadd.s32 @!p0 $0xFFFD8F00  }
0xaf: {  	_ =	sfence.sel $0x180000  }
0xb0: {  	[bflag:$0x0] =	sbarrier.arrive $0xFFFF  }
0xb1: {  	_ =	strace $0x90000047  }
0xb2: {  	[bflag:$0x2] =	sbarrier.arrive $0xFFFF  }
0xb3: {  	s0 =	rddreg [dreg:$0x3]  }
0xb4: {  	s0 =	sadd.s32 @!p0 $0x100000, s0  }
0xb5: {  	[sflag:s0] =	ssyncadd.tile.s32 @!p0 $0x1;
	_ =	shalt  }
.Lfunc_end2:
_tile_overlayer_lowered:
.L_overlay_start_2:
0xb6: {  	(tag) =	ssettag $0x2  }
0xb7: {  	s0 =	rddreg [dreg:$0x0];
	s2 =	stileid.u32  }
0xb8: {  	s1 =	rddreg [dreg:$0x1];
	p0 =	sne.s32 s2, $0x0  }
0xb9: {  	s3 =	rddreg [dreg:$0x2];
	[bflag:$0x3] =	sbarrier.arrive $0xFFFF;
	s2 =	simm.s32 @!p0 $0x1C03  }
0xba: {  	[timem:s3], [sflag:s2] =	dma.local @!p0 [hbm:s0], s1  }
0xbb: {  	s0 =	simm.s32 @!p0 $0x3  }
0xbc: {  	_ =	swait.ge @!p0 [sflag:s0], s1  }
0xbd: {  	s1 =	ssub.s32 @!p0 $0x0, s1;
	[sflag:s0] =	ssyncset.done @!p0 $0x0  }
0xbe: {  	[sflag:s0] =	ssyncadd.s32 @!p0 s1  }
0xbf: {  	[bflag:$0x3] =	sbarrier.arrive $0xFFFF  }
0xc0: {  	_ =	shalt  }

// kernel: kernel.18.cloned.1.call-start
scs
__scs_entry_jumppad:
0x0: {  	(pc) =	sbr.rel $0x88, $3  }
0x1: {  	(tag) =	ssettag $0x0;
	lr =	simm.s32 $0x1  }
0x2: {  	[smem:$0x3F62] =	sst lr;
	_ =	strace $0xD0000000  }
0x3: {  	_ = 	snop  }
0x4: {  	_ = 	snop  }
0x5: {  	_ = 	snop  }
0x6: {  	_ = 	snop  }
0x7: {  	_ = 	snop  }
__scs_overlays_trampoline_lowered:
0x8: {  	[smem:$0x3F71] =	sst s0  }
0x9: {  	[smem:$0x3F72] =	sst s1  }
0xa: {  	[smem:$0x3F73] =	sst s2  }
0xb: {  	[smem:$0x3F74] =	sst s3  }
0xc: {  	[smem:$0x3F75] =	sst s4  }
0xd: {  	[smem:$0x3F76] =	sst s5  }
0xe: {  	[smem:$0x3F77] =	sst s6  }
0xf: {  	[smem:$0x3F78] =	sst s7  }
0x10: {  	[smem:$0x3F79] =	sst s8  }
0x11: {  	[smem:$0x3F7A] =	sst s9;
	s0 =	simm.s32 @!p0 $0x0  }
0x12: {  	s1 =	sld [smem:$0x3F60];
	s0 =	simm.s32 @p0 $0x1  }
0x13: {  	[smem:$0x3F7B] =	sst s0;
	s0 =	simm.s32 @!p1 $0x0  }
0x14: {  	s2 =	sld [smem:$0x3F5F];
	s0 =	simm.s32 @p1 $0x1  }
0x15: {  	[smem:$0x3F7C] =	sst s0;
	s0 =	simm.s32 @!p2 $0x0  }
0x16: {  	s3 =	sld [smem:$0x3FDB];
	s0 =	simm.s32 @p2 $0x1  }
0x17: {  	s4 =	simm.s32 $0x1BF5;
	[smem:$0x3F7E] =	sst s0  }
0x18: {  	s0 =	sld [smem:$0x3F61];
	_ =	swait.ge [sflag:s4], $0x0  }
0x19: {  	s7 =	sld [smem:$0x3F62]  }
0x1a: {  	s8 =	sadd.s32 $0xFFFFE003, lr  }
0x1b: {  	s9 =	sadd.s32 $0xFFFFFEF7, lr;
	s5 =	simm.s32 $0xFFFFFFFF;
	p2 =	slt.u32 s8, $0xFFFFF086  }
0x1c: {  	p1 =	slt.u32 s9, $0xF7A;
	s5 =	simm.s32 @!p2 $0x0  }
0x1d: {  	s5 =	simm.s32 @p1 $0x1;
	p0 =	seq.s32 s7, s2  }
0x1e: {  	s7 =	smul.u32 @!p0 $0xF7A, s2;
	p2 =	seq.s32 @!p0 s5, $0x0  }
0x1f: {  	s9 =	smul.u32 $0xF7A, s1;
	s8 =	simm.s32 @!p0 $0x1BF5;
	p2 =	por !p2, p0  }
0x20: {  	[sflag:s8] =	ssyncset.s32 @!p0 $0xFFFFF086;
	s6 =	sadd.s32 @!p0 s3, s7;
	s7 =	simm.s32 @!p0 $0x108  }
0x21: {  	s3 =	sadd.s32 s3, s9;
	s6 =	sadd.s32 @!p0 $0x88, s6;
	s7 =	simm.s32 @p2 $0x1082  }
0x22: {  	[simem:s7], [sflag:s8] =	dma.local @!p0 [hbm:s6], $0xF7A  }
0x23: {  	s9 =	sor.u32 $0xD0000000, s2;
	s6 =	simm.s32 $0x108;
	_ =	swait.ge @!p0 [sflag:s8], $0x0  }
0x24: {  	s3 =	sadd.s32 $0x88, s3;
	s6 =	simm.s32 @!p1 $0x1082;
	[sflag:s4] =	ssyncset.s32 $0xFFFFF086  }
0x25: {  	[simem:s6], [sflag:s4] =	dma.local [hbm:s3], $0xF7A  }
0x26: {  	[smem:$0x3F62] =	sst s1;
	(tag) =	ssettag s2;
	_ =	strace s9  }
0x27: {  	s1 =	sld [smem:$0x3F72]  }
0x28: {  	s2 =	sld [smem:$0x3F73]  }
0x29: {  	s4 =	sld [smem:$0x3F75]  }
0x2a: {  	p0 =	seq.s32 s5, $0x0;
	s5 =	sld [smem:$0x3F76]  }
0x2b: {  	s6 =	sld [smem:$0x3F77]  }
0x2c: {  	s7 =	sld [smem:$0x3F78]  }
0x2d: {  	s3 =	simm.s32 $0x108;
	s8 =	sld [smem:$0x3F79]  }
0x2e: {  	s3 =	simm.s32 @!p0 $0x1082;
	s9 =	sld [smem:$0x3F7A]  }
0x2f: {  	lr =	sadd.s32 s0, s3;
	s0 =	sld [smem:$0x3F71]  }
0x30: {  	s3 =	sld [smem:$0x3F74]  }
0x31: {  	[smem:$0x3F7D] =	sst s10  }
0x32: {  	s10 =	sld [smem:$0x3F7B];
	_ =	sdelay $0x3  }
0x33: {  	p0 =	seq.s32 s10, $0x1;
	s10 =	sld [smem:$0x3F7D];
	_ =	sdelay $0x3  }
0x34: {  	[smem:$0x3F7D] =	sst s10  }
0x35: {  	s10 =	sld [smem:$0x3F7C];
	_ =	sdelay $0x3  }
0x36: {  	p1 =	seq.s32 s10, $0x1;
	s10 =	sld [smem:$0x3F7D];
	_ =	sdelay $0x3  }
0x37: {  	[smem:$0x3F7D] =	sst s10  }
0x38: {  	s10 =	sld [smem:$0x3F7E]  }
0x39: {  	_ = 	snop;
	(pc) =	sbr.ind lr, $3  }
0x3a: {  	_ = 	snop  }
0x3b: {  	_ = 	snop  }
0x3c: {  	p2 =	seq.s32 s10, $0x1;
	s10 =	sld [smem:$0x3F7D]  }
0x3d: {  	_ =	shalt  }
0x3e: {  	_ =	shalt  }
0x3f: {  	_ =	shalt  }
0x40: {  	_ =	shalt  }
0x41: {  	_ =	shalt  }
0x42: {  	_ =	shalt  }
0x43: {  	_ =	shalt  }
0x44: {  	_ =	shalt  }
0x45: {  	_ =	shalt  }
0x46: {  	_ =	shalt  }
0x47: {  	_ =	shalt  }
0x48: {  	_ =	shalt  }
0x49: {  	_ =	shalt  }
0x4a: {  	_ =	shalt  }
0x4b: {  	_ =	shalt  }
0x4c: {  	_ =	shalt  }
0x4d: {  	_ =	shalt  }
0x4e: {  	_ =	shalt  }
0x4f: {  	_ =	shalt  }
0x50: {  	_ =	shalt  }
0x51: {  	_ =	shalt  }
0x52: {  	_ =	shalt  }
0x53: {  	_ =	shalt  }
0x54: {  	_ =	shalt  }
0x55: {  	_ =	shalt  }
0x56: {  	_ =	shalt  }
0x57: {  	_ =	shalt  }
0x58: {  	_ =	shalt  }
0x59: {  	_ =	shalt  }
0x5a: {  	_ =	shalt  }
0x5b: {  	_ =	shalt  }
0x5c: {  	_ =	shalt  }
0x5d: {  	_ =	shalt  }
0x5e: {  	_ =	shalt  }
0x5f: {  	_ =	shalt  }
0x60: {  	_ =	shalt  }
0x61: {  	_ =	shalt  }
0x62: {  	_ =	shalt  }
0x63: {  	_ =	shalt  }
0x64: {  	_ =	shalt  }
0x65: {  	_ =	shalt  }
0x66: {  	_ =	shalt  }
0x67: {  	_ =	shalt  }
0x68: {  	_ =	shalt  }
0x69: {  	_ =	shalt  }
0x6a: {  	_ =	shalt  }
0x6b: {  	_ =	shalt  }
0x6c: {  	_ =	shalt  }
0x6d: {  	_ =	shalt  }
0x6e: {  	_ =	shalt  }
0x6f: {  	_ =	shalt  }
0x70: {  	_ =	shalt  }
0x71: {  	_ =	shalt  }
0x72: {  	_ =	shalt  }
0x73: {  	_ =	shalt  }
0x74: {  	_ =	shalt  }
0x75: {  	_ =	shalt  }
0x76: {  	_ =	shalt  }
0x77: {  	_ =	shalt  }
0x78: {  	_ =	shalt  }
0x79: {  	_ =	shalt  }
0x7a: {  	_ =	shalt  }
0x7b: {  	_ =	shalt  }
0x7c: {  	_ =	shalt  }
0x7d: {  	_ =	shalt  }
0x7e: {  	_ =	shalt  }
0x7f: {  	_ =	shalt  }
0x80: {  	_ =	shalt  }
0x81: {  	_ =	shalt  }
0x82: {  	_ =	shalt  }
0x83: {  	_ =	shalt  }
0x84: {  	_ =	shalt  }
0x85: {  	_ =	shalt  }
0x86: {  	_ =	shalt  }
0x87: {  	_ =	shalt  }
.Lfunc_end0:
.L_simem_size_0:
called_computation.1_lowered:
.L_overlay_start_0:
0x88: {  	s2 =	sld [smem:$0x3FD9]  }
0x89: {  	s3 =	sld [smem:$0x3FFE];
	_ =	sdelay $0x1  }
0x8a: {  	s1 =	srdreg.scid  }
0x8b: {  	s0 =	sand.u32 $0x1, s1  }
0x8c: {  	s16 =	sshll.u32 s0, $0xA;
	s2 =	sadd.s32 s3, s2  }
0x8d: {  	s2 =	sadd.s32 s2, s16  }
0x8e: {  	[smem:$0x3F89] =	sst s2  }
0x8f: {  	_ = 	snop  }
0x90: {  	(tm) =	ssettm $0x1  }
0x91: {  	s17 =	sld [smem:$0x3FFB];
	_ =	sdelay $0x3  }
0x92: {  	_ =	strace s17  }
0x93: {  	s2 =	sld [smem:$0x3FFC];
	_ =	sdelay $0x3  }
0x94: {  	_ =	strace s2  }
0x95: {  	s2 =	sld [smem:$0x3FFD];
	_ =	sdelay $0x3  }
0x96: {  	_ =	strace s2  }
0x97: {  	_ =	strace $0x8FFFFFFF  }
0x98: {  	s18 =	sld [smem:$0x3FDB];
	_ =	sdelay $0x1  }
0x99: {  	s19 =	simm.s32 $_scs_section_size  }
0x9a: {  	s4 =	simm.s32 $_size__tile_overlayer_lowered;
	s5 =	simm.s32 $_tile_overlayer_lowered  }
0x9b: {  	s22 =	simm.s32 $0x1BFF;
	s21 =	sshll.u32 s5, $0x1;
	s2 =	sadd.s32 s19, s18  }
0x9c: {  	s6 =	simm.s32 $0x0;
	s20 =	sshll.u32 s4, $0x1;
	s4 =	sadd.s32 s21, s2  }
0x9d: {  	[timem:s6], [sflag:s22] =	dma.local [hbm:s4], s20  }
0x9e: {  	_ =	swait.ge [sflag:s22], s20  }
0x9f: {  	s3 =	ssub.s32 $0x0, s20;
	[sflag:s22] =	ssyncset.done $0x0  }
0xa0: {  	[sflag:s22] =	ssyncadd.s32 s3;
	_ =	sdelay $0x1  }
0xa1: {  	s23 =	simm.s32 $0x1B8B  }
0xa2: {  	_ =	swait.ge [sflag:s23], $0x1  }
0xa3: {  	[sflag:s23] =	ssyncset.done $0x0  }
0xa4: {  	s25 =	simm.s32 $0x1B8E;
	s24 =	sld [smem:$0x3FFE];
	[sflag:s23] =	ssyncadd.s32 $0xFFFFFFFF  }
0xa5: {  	s26 =	simm.s32 $execute0_lowered;
	[smem:$0x3FD2] =	sst s25  }
0xa6: {  	s4 =	sshll.u32 s26, $0x1;
	_ =	strace $0x80000049;
	[dreg:$0x1] =	wrdreg $0xFFFFFFFF  }
0xa7: {  	s28 =	simm.s32 $_size_execute0_lowered;
	s2 =	sadd.s32 s2, s4;
	[dreg:$0x0] =	wrdreg $0x0  }
0xa8: {  	s4 =	sshll.u32 s28, $0x1;
	[dreg:$0x2] =	wrdreg s2  }
0xa9: {  	[dreg:$0x3] =	wrdreg s4  }
0xaa: {  	[dreg:$0x4] =	wrdreg $0xC0  }
0xab: {  	_ =	task [dreg:s6], $0x5FFFF  }
0xac: {  	[dreg:$0x1] =	wrdreg $0xFFFFFFFF  }
0xad: {  	[dreg:$0x0] =	wrdreg $0x60  }
0xae: {  	[dreg:$0x2] =	wrdreg s24  }
0xaf: {  	[dreg:$0x3] =	wrdreg $0xA4000  }
0xb0: {  	[dreg:$0x4] =	wrdreg $0x9  }
0xb1: {  	_ =	task.clear_ibuf [dreg:s6], $0x5FFFF;
	_ =	strace $0x90000049  }
0xb2: {  	s29 =	simm.s32 $0x9;
	_ =	strace $0x8000004B  }
0xb3: {  	_ =	swait.ge [sflag:s29], $0x1  }
0xb4: {  	[sflag:s29] =	ssyncadd.s32 $0xFFFFFFFF  }
0xb5: {  	_ =	strace $0x9000004B  }
0xb6: {  	_ =	sfence  }
0xb7: {  	s30 =	sld [smem:$0x0];
	_ =	sdelay $0x2  }
0xb8: {  	s31 =	sshll.u32 s1, $0xD;
	s1 =	sshrl.u32 s1, $0x2  }
0xb9: {  	s3 =	sand.u32 $0x4000, s31;
	s1 =	sadd.s32 s1, s30  }
0xba: {  	s0 =	sor.u32 s3, s0;
	s1 =	sshll.u32 s1, $0x11  }
0xbb: {  	s0 =	sor.u32 s1, s0  }
0xbc: {  	s0 =	sadd.s32 $0x8F2B, s0  }
0xbd: {  	[sflag:s0] =	ssyncadd.remote.s32 $0x1  }
0xbe: {  	_ =	sfence.sel $0xFFFF  }
0xbf: {  	[dreg:$0x0] =	wrdreg $0xFFFFFFFF;
	(pc) =	sbr.abs _section_cstart, $3  }
0xc0: {  	[dreg:$0x1] =	wrdreg $0xFFFFFFFF  }
0xc1: {  	_ =	task.clear_ibuf [dreg:s6], $0x2FFFF;
	_ =	strace $0x9FFFFFFF  }
0xc2: {  	(tm) =	ssettm $0x7FFFFFFF  }
0xc3: {  	_ =	shalt  }
tec
execute0_lowered:
.L_overlay_start_1:
0x0: {  	(tag) =	ssettag $0x1  }
0x1: {  	s0 =	rddreg [dreg:$0x0]  }
0x2: {  	s1 =	rddreg [dreg:$0x1]  }
0x3: {  	s2 =	srdreg.scid;
	s6 =	stileid.u32;
	s28 =	simm.s32 $0x4  }
0x4: {  	s29 =	simm.s32 $0x7C00;
	s30 =	simm.s32 $0x5;
	s31 =	simm.s32 $0x6  }
0x5: {  	s4 =	sand.u32 $0x1, s2;
	s2 =	simm.s32 $0x0;
	s7 =	smul.u32 $0x4E20, s6  }
0x6: {  	s3 =	sadd.s32 $0xCC000, s0;
	s9 =	sadd.s32 $0x2FA00, s0;
	s5 =	smul.u32 $0x9C400, s4  }
0x7: {  	[smem:$0x7FF] =	sst s2;
	s8 =	smul.u32 $0x27100, s4;
	s4 =	ssub.s32 $0x2, s4  }
0x8: {  	p0 =	sne.s32 s6, $0x0;
	_ =	strace $0x8000004A;
	s25 =	sshrl.u32 s4, $0x1  }
0x9: {  	s7 =	sadd.s32 s7, s5;
	s0 =	sadd.s32 s8, s0;
	s4 =	ssub.s32 s4, s25  }
0xa: {  	s26 =	sshrl.u32 s7, $0x3;
	s10 =	sadd.s32 $0x11A200, s0;
	s12 =	sadd.s32 $0x4E2F0, s7  }
0xb: {  	s0 =	sadd.s32 $0x168400, s0;
	s15 =	sadd.s32 $0xF0, s7;
	s17 =	sadd.s32 $0x4E2A0, s7  }
0xc: {  	s18 =	sadd.s32 $0xA0, s7;
	s22 =	sadd.s32 $0x4E250, s7;
	s24 =	sadd.s32 $0x50, s7  }
0xd: {  	s7 =	sadd.s32 $0x4E200, s7;
	s4 =	smax.u32 s4, $0x1;
	[dreg:$0xa] =	wrdreg s10  }
0xe: {  	s5 =	sadd.s32 s26, s9;
	[dreg:$0xf] =	wrdreg s0;
	s16 =	sshrl.u32 s15, $0x3  }
0xf: {  	s20 =	sshrl.u32 s18, $0x3;
	s23 =	sshrl.u32 s22, $0x3;
	s7 =	sshrl.u32 s7, $0x3  }
0x10: {  	[dreg:$0x10] =	wrdreg s4;
	s15 =	simm.s32 $0x180;
	s8 =	sadd.s32 $0x9B0, s5  }
0x11: {  	s18 =	simm.s32 $0x300;
	s11 =	sadd.s32 $0xA5F0, s5;
	[dreg:$0xb] =	wrdreg s8  }
0x12: {  	s22 =	simm.s32 $0x400;
	s10 =	sadd.s32 $0x9BA, s5;
	[dreg:$0xc] =	wrdreg s11  }
0x13: {  	s4 =	simm.s32 $0x8;
	s13 =	sadd.s32 $0xA5FA, s5;
	[dreg:$0xd] =	wrdreg s10  }
0x14: {  	s0 =	sadd.s32 s16, s9;
	s21 =	sadd.s32 s20, s9;
	[dreg:$0xe] =	wrdreg s13  }
0x15: {  	s26 =	sadd.s32 s7, s9;
	s16 =	simm.s32 $0x200;
	[dreg:$0x4] =	wrdreg s0  }
0x16: {  	s20 =	simm.s32 $0x1;
	s8 =	sshrl.u32 s12, $0x3;
	[dreg:$0x6] =	wrdreg s21  }
0x17: {  	s0 =	sadd.s32 s23, s9;
	[dreg:$0x9] =	wrdreg s26;
	s13 =	simm.s32 $0x80  }
0x18: {  	s21 =	simm.s32 $0x50;
	s23 =	simm.s32 $0x2;
	s26 =	simm.s32 $0x5400  }
0x19: {  	s14 =	sadd.s32 s8, s9;
	s8 =	sshrl.u32 s17, $0x3;
	[dreg:$0x7] =	wrdreg s0  }
0x1a: {  	s17 =	simm.s32 $0x280;
	s0 =	simm.s32 $0x7;
	[dreg:$0x3] =	wrdreg s14  }
0x1b: {  	s19 =	sadd.s32 s8, s9;
	s8 =	sshrl.u32 s24, $0x3;
	s14 =	simm.s32 $0x100  }
0x1c: {  	s24 =	simm.s32 $0x2C00;
	[dreg:$0x5] =	wrdreg s19;
	s25 =	sadd.s32 s8, s9  }
0x1d: {  	s8 =	sshrl.u32 @!p0 s1, $0x3;
	s19 =	simm.s32 $0x380;
	[dreg:$0x8] =	wrdreg s25  }
0x1e: {  	s9 =	simm.s32 $0x0;
	s25 =	simm.s32 $0x3;
	[dreg:$0x11] =	wrdreg s8  }
.LBB2_1:
0x1f: {  	[dreg:$0x12] =	wrdreg s9  }
0x20: {  	s7 =	simm.s32 @!p0 $0x1C09;
	s6 =	rddreg [dreg:$0xa]  }
0x21: {  	[spmem:s8], [sflag:s7] =	dma.local @!p0 [hbm:s6], $0x27100  }
0x22: {  	s7 =	simm.s32 @!p0 $0x9  }
0x23: {  	_ =	swait.ge @!p0 [sflag:s7], $0x27100  }
0x24: {  	[sflag:s7] =	ssyncset.done @!p0 $0x0  }
0x25: {  	[sflag:s7] =	ssyncadd.s32 @!p0 $0xFFFD8F00  }
0x26: {  	[bflag:$0x0] =	sbarrier.arrive $0xFFFF  }
0x27: {  	s9 =	sadd.s32 $0x0, s5;
	s6 =	rddreg [dreg:$0x9]  }
0x28: {  	[tilespmem:s2], [sflag:$0x1] =	stream.linear.gather [hbm4b:s9+s2], $0x50, $0x38;
	[tilespmem:$0x1DC80] =	vst v63  }
0x29: {  	s10 =	rddreg [dreg:$0x8];
	s7 =	sadd.s32 $0x0, s6  }
0x2a: {  	[tilespmem:s13], [sflag:$0x1] =	stream.linear.gather [hbm4b:s7+s2], $0x50, $0x38;
	[tilespmem:$0x1DC80] =	vst v63  }
0x2b: {  	s11 =	rddreg [dreg:$0x7];
	s12 =	sadd.s32 $0x0, s10  }
0x2c: {  	[tilespmem:s14], [sflag:$0x2] =	stream.linear.gather [hbm4b:s12+s2], $0x50, $0x38;
	[tilespmem:$0x1DC80] =	vst v63  }
0x2d: {  	s6 =	rddreg [dreg:$0x6];
	s10 =	sadd.s32 $0x0, s11  }
0x2e: {  	[tilespmem:s15], [sflag:$0x2] =	stream.linear.gather [hbm4b:s10+s2], $0x50, $0x38;
	[tilespmem:$0x1DC80] =	vst v63  }
0x2f: {  	s11 =	rddreg [dreg:$0x5];
	s12 =	sadd.s32 $0x0, s6  }
0x30: {  	[tilespmem:s16], [sflag:$0x3] =	stream.linear.gather [hbm4b:s12+s2], $0x50, $0x38;
	[tilespmem:$0x1DC80] =	vst v63  }
0x31: {  	s8 =	sadd.s32 $0x0, s11;
	s6 =	rddreg [dreg:$0x4]  }
0x32: {  	[tilespmem:s17], [sflag:$0x3] =	stream.linear.gather [hbm4b:s8+s2], $0x50, $0x38;
	[tilespmem:$0x1DC80] =	vst v63  }
0x33: {  	s11 =	sadd.s32 $0x0, s6;
	s10 =	rddreg [dreg:$0x3]  }
0x34: {  	[tilespmem:s18], [sflag:$0x4] =	stream.linear.gather [hbm4b:s11+s2], $0x50, $0x38;
	[tilespmem:$0x1DC80] =	vst v63  }
0x35: {  	s12 =	sadd.s32 $0x0, s10  }
0x36: {  	[tilespmem:s19], [sflag:$0x4] =	stream.linear.gather [hbm4b:s12+s2], $0x50, $0x38;
	[tilespmem:$0x1DC80] =	vst v63  }
0x37: {  	_ =	swait.ge [sflag:s20], $0x50  }
0x38: {  	[sflag:s20] =	ssyncset.done $0x0  }
0x39: {  	[sflag:s20] =	ssyncadd.s32 $0xFFFFFFB0  }
0x3a: {  	_ =	swait.ge [sflag:s20], $0x50  }
0x3b: {  	[sflag:s20] =	ssyncset.done $0x0  }
0x3c: {  	[sflag:s20] =	ssyncadd.s32 $0xFFFFFFB0  }
0x3d: {  	[tilespmem:s22], [sflag:$0x5] =	stream.indirect.gather [hbm4b:s3+s21], $0x80, s2, s21, $0xb8;
	[tilespmem:$0x1DC80] =	vst v63  }
0x3e: {  	_ =	swait.ge [sflag:s23], $0x50  }
0x3f: {  	[sflag:s23] =	ssyncset.done $0x0  }
0x40: {  	[sflag:s23] =	ssyncadd.s32 $0xFFFFFFB0  }
0x41: {  	_ =	swait.ge [sflag:s23], $0x50  }
0x42: {  	[sflag:s23] =	ssyncset.done $0x0  }
0x43: {  	[sflag:s23] =	ssyncadd.s32 $0xFFFFFFB0  }
0x44: {  	[tilespmem:s24], [sflag:$0x6] =	stream.indirect.gather [hbm4b:s3+s21], $0x80, s14, s21, $0xb8;
	[tilespmem:$0x1DC80] =	vst v63  }
0x45: {  	_ =	swait.ge [sflag:s25], $0x50  }
0x46: {  	[sflag:s25] =	ssyncset.done $0x0  }
0x47: {  	[sflag:s25] =	ssyncadd.s32 $0xFFFFFFB0  }
0x48: {  	_ =	swait.ge [sflag:s25], $0x50  }
0x49: {  	[sflag:s25] =	ssyncset.done $0x0  }
0x4a: {  	[sflag:s25] =	ssyncadd.s32 $0xFFFFFFB0  }
0x4b: {  	[tilespmem:s26], [sflag:$0x7] =	stream.indirect.gather [hbm4b:s3+s21], $0x80, s16, s21, $0xb8;
	[tilespmem:$0x1DC80] =	vst v63  }
0x4c: {  	_ =	swait.ge [sflag:s28], $0x50  }
0x4d: {  	[sflag:s28] =	ssyncset.done $0x0  }
0x4e: {  	[sflag:s28] =	ssyncadd.s32 $0xFFFFFFB0  }
0x4f: {  	_ =	swait.ge [sflag:s28], $0x50  }
0x50: {  	[sflag:s28] =	ssyncset.done $0x0  }
0x51: {  	[sflag:s28] =	ssyncadd.s32 $0xFFFFFFB0  }
0x52: {  	[tilespmem:s29], [sflag:$0x8] =	stream.indirect.gather [hbm4b:s3+s21], $0x80, s18, s21, $0xb8;
	[tilespmem:$0x1DC80] =	vst v63  }
0x53: {  	_ =	swait.ge [sflag:s30], $0x2800  }
0x54: {  	[sflag:s30] =	ssyncset.done $0x0  }
0x55: {  	[sflag:s30] =	ssyncadd.s32 $0xFFFFD800  }
0x56: {  	[spmem:s1] =	stream.indirect.scatter.add.f32 [tilespmem:s22], [sflag:$0x5], $0x80, s13, s21, $0xb8;
	[tilespmem:$0x1DC80] =	vst v63  }
0x57: {  	_ =	swait.ge [sflag:s31], $0x2800  }
0x58: {  	[sflag:s31] =	ssyncset.done $0x0  }
0x59: {  	[sflag:s31] =	ssyncadd.s32 $0xFFFFD800  }
0x5a: {  	[spmem:s1] =	stream.indirect.scatter.add.f32 [tilespmem:s24], [sflag:$0x6], $0x80, s15, s21, $0xb8;
	[tilespmem:$0x1DC80] =	vst v63  }
0x5b: {  	_ =	swait.ge [sflag:s0], $0x2800  }
0x5c: {  	[sflag:s0] =	ssyncset.done $0x0  }
0x5d: {  	[sflag:s0] =	ssyncadd.s32 $0xFFFFD800  }
0x5e: {  	[spmem:s1] =	stream.indirect.scatter.add.f32 [tilespmem:s26], [sflag:$0x7], $0x80, s17, s21, $0xb8;
	[tilespmem:$0x1DC80] =	vst v63  }
0x5f: {  	_ =	swait.ge [sflag:s4], $0x2800  }
0x60: {  	[sflag:s4] =	ssyncset.done $0x0  }
0x61: {  	[sflag:s4] =	ssyncadd.s32 $0xFFFFD800  }
0x62: {  	[spmem:s1] =	stream.indirect.scatter.add.f32 [tilespmem:s29], [sflag:$0x8], $0x80, s19, s21, $0xb8;
	[tilespmem:$0x1DC80] =	vst v63  }
0x63: {  	_ =	swait.ge [sflag:s30], $0x2800  }
0x64: {  	[sflag:s30] =	ssyncset.done $0x0  }
0x65: {  	[sflag:s30] =	ssyncadd.s32 $0xFFFFD800  }
0x66: {  	_ =	swait.ge [sflag:s31], $0x2800  }
0x67: {  	[sflag:s31] =	ssyncset.done $0x0  }
0x68: {  	[sflag:s31] =	ssyncadd.s32 $0xFFFFD800  }
0x69: {  	_ =	swait.ge [sflag:s0], $0x2800  }
0x6a: {  	[sflag:s0] =	ssyncset.done $0x0  }
0x6b: {  	[sflag:s0] =	ssyncadd.s32 $0xFFFFD800  }
0x6c: {  	s7 =	simm.s32 $0x28;
	_ =	swait.ge [sflag:s4], $0x2800  }
0x6d: {  	s8 =	simm.s32 $0x50;
	s9 =	rddreg [dreg:$0x9];
	[sflag:s4] =	ssyncset.done $0x0  }
.LBB2_2:
0x6e: {  	s10 =	sadd.s32 s7, s5;
	[sflag:s4] =	ssyncadd.s32 $0xFFFFD800  }
0x6f: {  	[tilespmem:s2], [sflag:$0x1] =	stream.linear.gather [hbm4b:s10+s2], $0x50, $0x38;
	[tilespmem:$0x1DC80] =	vst v63  }
0x70: {  	s11 =	rddreg [dreg:$0x8];
	s9 =	sadd.s32 s7, s9  }
0x71: {  	[tilespmem:s13], [sflag:$0x1] =	stream.linear.gather [hbm4b:s9+s2], $0x50, $0x38;
	[tilespmem:$0x1DC80] =	vst v63  }
0x72: {  	s12 =	smov.u32 s8;
	s6 =	rddreg [dreg:$0x7];
	s9 =	sadd.s32 s7, s11  }
0x73: {  	[tilespmem:s14], [sflag:$0x2] =	stream.linear.gather [hbm4b:s9+s2], $0x50, $0x38;
	[tilespmem:$0x1DC80] =	vst v63  }
0x74: {  	p1 =	sne.s32 s8, $0x988;
	s6 =	sadd.s32 s7, s6;
	s11 =	rddreg [dreg:$0x6]  }
0x75: {  	[tilespmem:s15], [sflag:$0x2] =	stream.linear.gather [hbm4b:s6+s2], $0x50, $0x38;
	[tilespmem:$0x1DC80] =	vst v63  }
0x76: {  	s10 =	sadd.s32 $0x28, s8;
	s8 =	rddreg [dreg:$0x5];
	s11 =	sadd.s32 s7, s11  }
0x77: {  	[tilespmem:s16], [sflag:$0x3] =	stream.linear.gather [hbm4b:s11+s2], $0x50, $0x38;
	[tilespmem:$0x1DC80] =	vst v63  }
0x78: {  	s8 =	sadd.s32 s7, s8;
	s9 =	rddreg [dreg:$0x4]  }
0x79: {  	[tilespmem:s17], [sflag:$0x3] =	stream.linear.gather [hbm4b:s8+s2], $0x50, $0x38;
	[tilespmem:$0x1DC80] =	vst v63  }
0x7a: {  	s9 =	sadd.s32 s7, s9;
	s11 =	rddreg [dreg:$0x3]  }
0x7b: {  	[tilespmem:s18], [sflag:$0x4] =	stream.linear.gather [hbm4b:s9+s2], $0x50, $0x38;
	[tilespmem:$0x1DC80] =	vst v63  }
0x7c: {  	s11 =	sadd.s32 s7, s11  }
0x7d: {  	[tilespmem:s19], [sflag:$0x4] =	stream.linear.gather [hbm4b:s11+s2], $0x50, $0x38;
	[tilespmem:$0x1DC80] =	vst v63  }
0x7e: {  	_ =	swait.ge [sflag:s20], $0x50  }
0x7f: {  	[sflag:s20] =	ssyncset.done $0x0  }
0x80: {  	[sflag:s20] =	ssyncadd.s32 $0xFFFFFFB0  }
0x81: {  	_ =	swait.ge [sflag:s20], $0x50  }
0x82: {  	[sflag:s20] =	ssyncset.done $0x0  }
0x83: {  	[sflag:s20] =	ssyncadd.s32 $0xFFFFFFB0  }
0x84: {  	[tilespmem:s22], [sflag:$0x5] =	stream.indirect.gather [hbm4b:s3+s21], $0x80, s2, s21, $0xb8;
	[tilespmem:$0x1DC80] =	vst v63  }
0x85: {  	_ =	swait.ge [sflag:s23], $0x50  }
0x86: {  	[sflag:s23] =	ssyncset.done $0x0  }
0x87: {  	[sflag:s23] =	ssyncadd.s32 $0xFFFFFFB0  }
0x88: {  	_ =	swait.ge [sflag:s23], $0x50  }
0x89: {  	[sflag:s23] =	ssyncset.done $0x0  }
0x8a: {  	[sflag:s23] =	ssyncadd.s32 $0xFFFFFFB0  }
0x8b: {  	[tilespmem:s24], [sflag:$0x6] =	stream.indirect.gather [hbm4b:s3+s21], $0x80, s14, s21, $0xb8;
	[tilespmem:$0x1DC80] =	vst v63  }
0x8c: {  	_ =	swait.ge [sflag:s25], $0x50  }
0x8d: {  	[sflag:s25] =	ssyncset.done $0x0  }
0x8e: {  	[sflag:s25] =	ssyncadd.s32 $0xFFFFFFB0  }
0x8f: {  	_ =	swait.ge [sflag:s25], $0x50  }
0x90: {  	[sflag:s25] =	ssyncset.done $0x0  }
0x91: {  	[sflag:s25] =	ssyncadd.s32 $0xFFFFFFB0  }
0x92: {  	[tilespmem:s26], [sflag:$0x7] =	stream.indirect.gather [hbm4b:s3+s21], $0x80, s16, s21, $0xb8;
	[tilespmem:$0x1DC80] =	vst v63  }
0x93: {  	_ =	swait.ge [sflag:s28], $0x50  }
0x94: {  	[sflag:s28] =	ssyncset.done $0x0  }
0x95: {  	[sflag:s28] =	ssyncadd.s32 $0xFFFFFFB0  }
0x96: {  	_ =	swait.ge [sflag:s28], $0x50  }
0x97: {  	[sflag:s28] =	ssyncset.done $0x0  }
0x98: {  	[sflag:s28] =	ssyncadd.s32 $0xFFFFFFB0  }
0x99: {  	[tilespmem:s29], [sflag:$0x8] =	stream.indirect.gather [hbm4b:s3+s21], $0x80, s18, s21, $0xb8;
	[tilespmem:$0x1DC80] =	vst v63  }
0x9a: {  	_ =	swait.ge [sflag:s30], $0x2800  }
0x9b: {  	[sflag:s30] =	ssyncset.done $0x0  }
0x9c: {  	[sflag:s30] =	ssyncadd.s32 $0xFFFFD800  }
0x9d: {  	[spmem:s1] =	stream.indirect.scatter.add.f32 [tilespmem:s22], [sflag:$0x5], $0x80, s13, s21, $0xb8;
	[tilespmem:$0x1DC80] =	vst v63  }
0x9e: {  	_ =	swait.ge [sflag:s31], $0x2800  }
0x9f: {  	[sflag:s31] =	ssyncset.done $0x0  }
0xa0: {  	[sflag:s31] =	ssyncadd.s32 $0xFFFFD800  }
0xa1: {  	[spmem:s1] =	stream.indirect.scatter.add.f32 [tilespmem:s24], [sflag:$0x6], $0x80, s15, s21, $0xb8;
	[tilespmem:$0x1DC80] =	vst v63  }
0xa2: {  	_ =	swait.ge [sflag:s0], $0x2800  }
0xa3: {  	[sflag:s0] =	ssyncset.done $0x0  }
0xa4: {  	[sflag:s0] =	ssyncadd.s32 $0xFFFFD800  }
0xa5: {  	[spmem:s1] =	stream.indirect.scatter.add.f32 [tilespmem:s26], [sflag:$0x7], $0x80, s17, s21, $0xb8;
	[tilespmem:$0x1DC80] =	vst v63  }
0xa6: {  	_ =	swait.ge [sflag:s4], $0x2800  }
0xa7: {  	[sflag:s4] =	ssyncset.done $0x0  }
0xa8: {  	[sflag:s4] =	ssyncadd.s32 $0xFFFFD800  }
0xa9: {  	[spmem:s1] =	stream.indirect.scatter.add.f32 [tilespmem:s29], [sflag:$0x8], $0x80, s19, s21, $0xb8;
	[tilespmem:$0x1DC80] =	vst v63  }
0xaa: {  	_ =	swait.ge [sflag:s30], $0x2800  }
0xab: {  	[sflag:s30] =	ssyncset.done $0x0  }
0xac: {  	[sflag:s30] =	ssyncadd.s32 $0xFFFFD800  }
0xad: {  	_ =	swait.ge [sflag:s31], $0x2800  }
0xae: {  	[sflag:s31] =	ssyncset.done $0x0  }
0xaf: {  	[sflag:s31] =	ssyncadd.s32 $0xFFFFD800  }
.Ltmp0:
0xb0: {  	_ =	swait.ge [sflag:s0], $0x2800;
	(pc) =	sbr.rel @p1 .LBB2_2-.Ltmp0, $4  }
0xb1: {  	[sflag:s0] =	ssyncset.done $0x0  }
0xb2: {  	[sflag:s0] =	ssyncadd.s32 $0xFFFFD800  }
0xb3: {  	s7 =	smov.u32 s12;
	_ =	swait.ge [sflag:s4], $0x2800  }
0xb4: {  	s8 =	smov.u32 s10;
	s9 =	rddreg [dreg:$0x9];
	[sflag:s4] =	ssyncset.done $0x0  }
0xb5: {  	s6 =	sadd.s32 s7, s5;
	[sflag:s4] =	ssyncadd.s32 $0xFFFFD800  }
0xb6: {  	[tilespmem:s2], [sflag:$0x1] =	stream.linear.gather [hbm4b:s6+s2], $0x50, $0x38;
	[tilespmem:$0x1DC80] =	vst v63  }
0xb7: {  	s10 =	rddreg [dreg:$0x8];
	s8 =	sadd.s32 s7, s9  }
0xb8: {  	[tilespmem:s13], [sflag:$0x1] =	stream.linear.gather [hbm4b:s8+s2], $0x50, $0x38;
	[tilespmem:$0x1DC80] =	vst v63  }
0xb9: {  	s11 =	rddreg [dreg:$0x7];
	s6 =	sadd.s32 s7, s10  }
0xba: {  	[tilespmem:s14], [sflag:$0x2] =	stream.linear.gather [hbm4b:s6+s2], $0x50, $0x38;
	[tilespmem:$0x1DC80] =	vst v63  }
0xbb: {  	s12 =	rddreg [dreg:$0x6];
	s8 =	sadd.s32 s7, s11  }
0xbc: {  	[tilespmem:s15], [sflag:$0x2] =	stream.linear.gather [hbm4b:s8+s2], $0x50, $0x38;
	[tilespmem:$0x1DC80] =	vst v63  }
0xbd: {  	s9 =	rddreg [dreg:$0x5];
	s6 =	sadd.s32 s7, s12  }
0xbe: {  	[tilespmem:s16], [sflag:$0x3] =	stream.linear.gather [hbm4b:s6+s2], $0x50, $0x38;
	[tilespmem:$0x1DC80] =	vst v63  }
0xbf: {  	s10 =	rddreg [dreg:$0x4];
	s8 =	sadd.s32 s7, s9  }
0xc0: {  	[tilespmem:s17], [sflag:$0x3] =	stream.linear.gather [hbm4b:s8+s2], $0x50, $0x38;
	[tilespmem:$0x1DC80] =	vst v63  }
0xc1: {  	s11 =	rddreg [dreg:$0x3];
	s6 =	sadd.s32 s7, s10  }
0xc2: {  	[tilespmem:s18], [sflag:$0x4] =	stream.linear.gather [hbm4b:s6+s2], $0x50, $0x38;
	[tilespmem:$0x1DC80] =	vst v63  }
0xc3: {  	s12 =	sadd.s32 s7, s11  }
0xc4: {  	[tilespmem:s19], [sflag:$0x4] =	stream.linear.gather [hbm4b:s12+s2], $0x50, $0x38;
	[tilespmem:$0x1DC80] =	vst v63  }
0xc5: {  	_ =	swait.ge [sflag:s20], $0x50  }
0xc6: {  	[sflag:s20] =	ssyncset.done $0x0  }
0xc7: {  	[sflag:s20] =	ssyncadd.s32 $0xFFFFFFB0  }
0xc8: {  	_ =	swait.ge [sflag:s20], $0x50  }
0xc9: {  	[sflag:s20] =	ssyncset.done $0x0  }
0xca: {  	[sflag:s20] =	ssyncadd.s32 $0xFFFFFFB0  }
0xcb: {  	[tilespmem:s22], [sflag:$0x5] =	stream.indirect.gather [hbm4b:s3+s21], $0x80, s2, s21, $0xb8;
	[tilespmem:$0x1DC80] =	vst v63  }
0xcc: {  	_ =	swait.ge [sflag:s23], $0x50  }
0xcd: {  	[sflag:s23] =	ssyncset.done $0x0  }
0xce: {  	[sflag:s23] =	ssyncadd.s32 $0xFFFFFFB0  }
0xcf: {  	_ =	swait.ge [sflag:s23], $0x50  }
0xd0: {  	[sflag:s23] =	ssyncset.done $0x0  }
0xd1: {  	[sflag:s23] =	ssyncadd.s32 $0xFFFFFFB0  }
0xd2: {  	[tilespmem:s24], [sflag:$0x6] =	stream.indirect.gather [hbm4b:s3+s21], $0x80, s14, s21, $0xb8;
	[tilespmem:$0x1DC80] =	vst v63  }
0xd3: {  	_ =	swait.ge [sflag:s25], $0x50  }
0xd4: {  	[sflag:s25] =	ssyncset.done $0x0  }
0xd5: {  	[sflag:s25] =	ssyncadd.s32 $0xFFFFFFB0  }
0xd6: {  	_ =	swait.ge [sflag:s25], $0x50  }
0xd7: {  	[sflag:s25] =	ssyncset.done $0x0  }
0xd8: {  	[sflag:s25] =	ssyncadd.s32 $0xFFFFFFB0  }
0xd9: {  	[tilespmem:s26], [sflag:$0x7] =	stream.indirect.gather [hbm4b:s3+s21], $0x80, s16, s21, $0xb8;
	[tilespmem:$0x1DC80] =	vst v63  }
0xda: {  	_ =	swait.ge [sflag:s28], $0x50  }
0xdb: {  	[sflag:s28] =	ssyncset.done $0x0  }
0xdc: {  	[sflag:s28] =	ssyncadd.s32 $0xFFFFFFB0  }
0xdd: {  	_ =	swait.ge [sflag:s28], $0x50  }
0xde: {  	[sflag:s28] =	ssyncset.done $0x0  }
0xdf: {  	[sflag:s28] =	ssyncadd.s32 $0xFFFFFFB0  }
0xe0: {  	[tilespmem:s29], [sflag:$0x8] =	stream.indirect.gather [hbm4b:s3+s21], $0x80, s18, s21, $0xb8;
	[tilespmem:$0x1DC80] =	vst v63  }
0xe1: {  	_ =	swait.ge [sflag:s30], $0x2800  }
0xe2: {  	[sflag:s30] =	ssyncset.done $0x0  }
0xe3: {  	[sflag:s30] =	ssyncadd.s32 $0xFFFFD800  }
0xe4: {  	[spmem:s1] =	stream.indirect.scatter.add.f32 [tilespmem:s22], [sflag:$0x5], $0x80, s13, s21, $0xb8;
	[tilespmem:$0x1DC80] =	vst v63  }
0xe5: {  	_ =	swait.ge [sflag:s31], $0x2800  }
0xe6: {  	[sflag:s31] =	ssyncset.done $0x0  }
0xe7: {  	[sflag:s31] =	ssyncadd.s32 $0xFFFFD800  }
0xe8: {  	[spmem:s1] =	stream.indirect.scatter.add.f32 [tilespmem:s24], [sflag:$0x6], $0x80, s15, s21, $0xb8;
	[tilespmem:$0x1DC80] =	vst v63  }
0xe9: {  	_ =	swait.ge [sflag:s0], $0x2800  }
0xea: {  	[sflag:s0] =	ssyncset.done $0x0  }
0xeb: {  	[sflag:s0] =	ssyncadd.s32 $0xFFFFD800  }
0xec: {  	[spmem:s1] =	stream.indirect.scatter.add.f32 [tilespmem:s26], [sflag:$0x7], $0x80, s17, s21, $0xb8;
	[tilespmem:$0x1DC80] =	vst v63  }
0xed: {  	_ =	swait.ge [sflag:s4], $0x2800  }
0xee: {  	[sflag:s4] =	ssyncset.done $0x0  }
0xef: {  	[sflag:s4] =	ssyncadd.s32 $0xFFFFD800  }
0xf0: {  	[spmem:s1] =	stream.indirect.scatter.add.f32 [tilespmem:s29], [sflag:$0x8], $0x80, s19, s21, $0xb8;
	[tilespmem:$0x1DC80] =	vst v63  }
0xf1: {  	_ =	swait.ge [sflag:s30], $0x2800  }
0xf2: {  	[sflag:s30] =	ssyncset.done $0x0  }
0xf3: {  	[sflag:s30] =	ssyncadd.s32 $0xFFFFD800  }
0xf4: {  	_ =	swait.ge [sflag:s31], $0x2800  }
0xf5: {  	[sflag:s31] =	ssyncset.done $0x0  }
0xf6: {  	[sflag:s31] =	ssyncadd.s32 $0xFFFFD800  }
0xf7: {  	_ =	swait.ge [sflag:s0], $0x2800  }
0xf8: {  	[sflag:s0] =	ssyncset.done $0x0  }
0xf9: {  	[sflag:s0] =	ssyncadd.s32 $0xFFFFD800  }
0xfa: {  	_ =	swait.ge [sflag:s4], $0x2800  }
0xfb: {  	[sflag:s4] =	ssyncset.done $0x0  }
0xfc: {  	s7 =	rddreg [dreg:$0xb];
	[sflag:s4] =	ssyncadd.s32 $0xFFFFD800  }
0xfd: {  	[tilespmem:s2], [sflag:$0x1] =	stream.linear.gather [hbm4b:s7+s2], $0x50, $0x38;
	[tilespmem:$0x1DC80] =	vst v63  }
0xfe: {  	s8 =	rddreg [dreg:$0xc]  }
0xff: {  	[tilespmem:s13], [sflag:$0x1] =	stream.linear.gather [hbm4b:s8+s2], $0x50, $0x38;
	[tilespmem:$0x1DC80] =	vst v63  }
0x100: {  	s9 =	rddreg [dreg:$0xd]  }
0x101: {  	[tilespmem:s14], [sflag:$0x2] =	stream.linear.gather [hbm4b:s9+s2], $0x50, $0x38;
	[tilespmem:$0x1DC80] =	vst v63  }
0x102: {  	s10 =	rddreg [dreg:$0xe]  }
0x103: {  	[tilespmem:s15], [sflag:$0x2] =	stream.linear.gather [hbm4b:s10+s2], $0x50, $0x38;
	[tilespmem:$0x1DC80] =	vst v63  }
0x104: {  	_ =	swait.ge [sflag:s20], $0x50  }
0x105: {  	[sflag:s20] =	ssyncset.done $0x0  }
0x106: {  	[sflag:s20] =	ssyncadd.s32 $0xFFFFFFB0  }
0x107: {  	_ =	swait.ge [sflag:s20], $0x50  }
0x108: {  	[sflag:s20] =	ssyncset.done $0x0  }
0x109: {  	[sflag:s20] =	ssyncadd.s32 $0xFFFFFFB0  }
0x10a: {  	[tilespmem:s22], [sflag:$0x5] =	stream.indirect.gather [hbm4b:s3+s21], $0x80, s2, s21, $0xb8;
	[tilespmem:$0x1DC80] =	vst v63  }
0x10b: {  	_ =	swait.ge [sflag:s23], $0x50  }
0x10c: {  	[sflag:s23] =	ssyncset.done $0x0  }
0x10d: {  	[sflag:s23] =	ssyncadd.s32 $0xFFFFFFB0  }
0x10e: {  	_ =	swait.ge [sflag:s23], $0x50  }
0x10f: {  	[sflag:s23] =	ssyncset.done $0x0  }
0x110: {  	[sflag:s23] =	ssyncadd.s32 $0xFFFFFFB0  }
0x111: {  	[tilespmem:s24], [sflag:$0x6] =	stream.indirect.gather [hbm4b:s3+s21], $0x80, s14, s21, $0xb8;
	[tilespmem:$0x1DC80] =	vst v63  }
0x112: {  	_ =	swait.ge [sflag:s30], $0x2800  }
0x113: {  	[sflag:s30] =	ssyncset.done $0x0  }
0x114: {  	[sflag:s30] =	ssyncadd.s32 $0xFFFFD800  }
0x115: {  	[spmem:s1] =	stream.indirect.scatter.add.f32 [tilespmem:s22], [sflag:$0x5], $0x80, s13, s21, $0xb8;
	[tilespmem:$0x1DC80] =	vst v63  }
0x116: {  	_ =	swait.ge [sflag:s31], $0x2800  }
0x117: {  	[sflag:s31] =	ssyncset.done $0x0  }
0x118: {  	[sflag:s31] =	ssyncadd.s32 $0xFFFFD800  }
0x119: {  	[spmem:s1] =	stream.indirect.scatter.add.f32 [tilespmem:s24], [sflag:$0x6], $0x80, s15, s21, $0xb8;
	[tilespmem:$0x1DC80] =	vst v63  }
0x11a: {  	_ =	swait.ge [sflag:s30], $0x2800  }
0x11b: {  	[sflag:s30] =	ssyncset.done $0x0  }
0x11c: {  	[sflag:s30] =	ssyncadd.s32 $0xFFFFD800  }
0x11d: {  	_ =	swait.ge [sflag:s31], $0x2800  }
0x11e: {  	[sflag:s31] =	ssyncset.done $0x0  }
0x11f: {  	[sflag:s31] =	ssyncadd.s32 $0xFFFFD800  }
0x120: {  	[bflag:$0x0] =	sbarrier.arrive $0xFFFF  }
0x121: {  	s7 =	rddreg [dreg:$0xf]  }
0x122: {  	s6 =	simm.s32 @!p0 $0x1C09;
	s8 =	rddreg [dreg:$0x11]  }
0x123: {  	[hbm:s7], [sflag:s6] =	dma.local @!p0 [spmem:s8], $0x27100  }
0x124: {  	s6 =	simm.s32 @!p0 $0x9  }
0x125: {  	_ =	swait.ge @!p0 [sflag:s6], $0x27100  }
0x126: {  	s11 =	rddreg [dreg:$0x12]  }
0x127: {  	s12 =	rddreg [dreg:$0x10];
	s9 =	sadd.s32 $0x1, s11  }
0x128: {  	p1 =	sne.s32 s9, s12  }
.Ltmp1:
0x129: {  	_ = 	snop;
	(pc) =	sbr.rel @p1 .LBB2_1-.Ltmp1, $3  }
0x12a: {  	_ =	sdelay $0x1  }
0x12b: {  	[sflag:s6] =	ssyncset.done @!p0 $0x0  }
0x12c: {  	[sflag:s6] =	ssyncadd.s32 @!p0 $0xFFFD8F00  }
0x12d: {  	_ =	sfence.sel $0x180000  }
0x12e: {  	[bflag:$0x0] =	sbarrier.arrive $0xFFFF  }
0x12f: {  	_ =	strace $0x9000004A  }
0x130: {  	[bflag:$0x2] =	sbarrier.arrive $0xFFFF  }
0x131: {  	s0 =	rddreg [dreg:$0x2]  }
0x132: {  	s0 =	sadd.s32 @!p0 $0x100000, s0  }
0x133: {  	[sflag:s0] =	ssyncadd.tile.s32 @!p0 $0x1;
	_ =	shalt  }
.Lfunc_end2:
_tile_overlayer_lowered:
.L_overlay_start_2:
0x134: {  	(tag) =	ssettag $0x2  }
0x135: {  	s0 =	rddreg [dreg:$0x0];
	s2 =	stileid.u32  }
0x136: {  	s1 =	rddreg [dreg:$0x1];
	p0 =	sne.s32 s2, $0x0  }
0x137: {  	s3 =	rddreg [dreg:$0x2];
	[bflag:$0x3] =	sbarrier.arrive $0xFFFF;
	s2 =	simm.s32 @!p0 $0x1C09  }
0x138: {  	[timem:s3], [sflag:s2] =	dma.local @!p0 [hbm:s0], s1  }
0x139: {  	s0 =	simm.s32 @!p0 $0x9  }
0x13a: {  	_ =	swait.ge @!p0 [sflag:s0], s1  }
0x13b: {  	s1 =	ssub.s32 @!p0 $0x0, s1;
	[sflag:s0] =	ssyncset.done @!p0 $0x0  }
0x13c: {  	[sflag:s0] =	ssyncadd.s32 @!p0 s1  }
0x13d: {  	[bflag:$0x3] =	sbarrier.arrive $0xFFFF  }
0x13e: {  	_ =	shalt  }

// kernel: kernel.21.cloned.1.call-start
scs
__scs_entry_jumppad:
0x0: {  	(pc) =	sbr.rel $0x88, $3  }
0x1: {  	(tag) =	ssettag $0x0;
	lr =	simm.s32 $0x1  }
0x2: {  	[smem:$0x3F62] =	sst lr;
	_ =	strace $0xD0000000  }
0x3: {  	_ = 	snop  }
0x4: {  	_ = 	snop  }
0x5: {  	_ = 	snop  }
0x6: {  	_ = 	snop  }
0x7: {  	_ = 	snop  }
__scs_overlays_trampoline_lowered:
0x8: {  	[smem:$0x3F71] =	sst s0  }
0x9: {  	[smem:$0x3F72] =	sst s1  }
0xa: {  	[smem:$0x3F73] =	sst s2  }
0xb: {  	[smem:$0x3F74] =	sst s3  }
0xc: {  	[smem:$0x3F75] =	sst s4  }
0xd: {  	[smem:$0x3F76] =	sst s5  }
0xe: {  	[smem:$0x3F77] =	sst s6  }
0xf: {  	[smem:$0x3F78] =	sst s7  }
0x10: {  	[smem:$0x3F79] =	sst s8  }
0x11: {  	[smem:$0x3F7A] =	sst s9;
	s0 =	simm.s32 @!p0 $0x0  }
0x12: {  	s1 =	sld [smem:$0x3F60];
	s0 =	simm.s32 @p0 $0x1  }
0x13: {  	[smem:$0x3F7B] =	sst s0;
	s0 =	simm.s32 @!p1 $0x0  }
0x14: {  	s2 =	sld [smem:$0x3F5F];
	s0 =	simm.s32 @p1 $0x1  }
0x15: {  	[smem:$0x3F7C] =	sst s0;
	s0 =	simm.s32 @!p2 $0x0  }
0x16: {  	s3 =	sld [smem:$0x3FDB];
	s0 =	simm.s32 @p2 $0x1  }
0x17: {  	s4 =	simm.s32 $0x1BF5;
	[smem:$0x3F7E] =	sst s0  }
0x18: {  	s0 =	sld [smem:$0x3F61];
	_ =	swait.ge [sflag:s4], $0x0  }
0x19: {  	s7 =	sld [smem:$0x3F62]  }
0x1a: {  	s8 =	sadd.s32 $0xFFFFE003, lr  }
0x1b: {  	s9 =	sadd.s32 $0xFFFFFEF7, lr;
	s5 =	simm.s32 $0xFFFFFFFF;
	p2 =	slt.u32 s8, $0xFFFFF086  }
0x1c: {  	p1 =	slt.u32 s9, $0xF7A;
	s5 =	simm.s32 @!p2 $0x0  }
0x1d: {  	s5 =	simm.s32 @p1 $0x1;
	p0 =	seq.s32 s7, s2  }
0x1e: {  	s7 =	smul.u32 @!p0 $0xF7A, s2;
	p2 =	seq.s32 @!p0 s5, $0x0  }
0x1f: {  	s9 =	smul.u32 $0xF7A, s1;
	s8 =	simm.s32 @!p0 $0x1BF5;
	p2 =	por !p2, p0  }
0x20: {  	[sflag:s8] =	ssyncset.s32 @!p0 $0xFFFFF086;
	s6 =	sadd.s32 @!p0 s3, s7;
	s7 =	simm.s32 @!p0 $0x108  }
0x21: {  	s3 =	sadd.s32 s3, s9;
	s6 =	sadd.s32 @!p0 $0x88, s6;
	s7 =	simm.s32 @p2 $0x1082  }
0x22: {  	[simem:s7], [sflag:s8] =	dma.local @!p0 [hbm:s6], $0xF7A  }
0x23: {  	s9 =	sor.u32 $0xD0000000, s2;
	s6 =	simm.s32 $0x108;
	_ =	swait.ge @!p0 [sflag:s8], $0x0  }
0x24: {  	s3 =	sadd.s32 $0x88, s3;
	s6 =	simm.s32 @!p1 $0x1082;
	[sflag:s4] =	ssyncset.s32 $0xFFFFF086  }
0x25: {  	[simem:s6], [sflag:s4] =	dma.local [hbm:s3], $0xF7A  }
0x26: {  	[smem:$0x3F62] =	sst s1;
	(tag) =	ssettag s2;
	_ =	strace s9  }
0x27: {  	s1 =	sld [smem:$0x3F72]  }
0x28: {  	s2 =	sld [smem:$0x3F73]  }
0x29: {  	s4 =	sld [smem:$0x3F75]  }
0x2a: {  	p0 =	seq.s32 s5, $0x0;
	s5 =	sld [smem:$0x3F76]  }
0x2b: {  	s6 =	sld [smem:$0x3F77]  }
0x2c: {  	s7 =	sld [smem:$0x3F78]  }
0x2d: {  	s3 =	simm.s32 $0x108;
	s8 =	sld [smem:$0x3F79]  }
0x2e: {  	s3 =	simm.s32 @!p0 $0x1082;
	s9 =	sld [smem:$0x3F7A]  }
0x2f: {  	lr =	sadd.s32 s0, s3;
	s0 =	sld [smem:$0x3F71]  }
0x30: {  	s3 =	sld [smem:$0x3F74]  }
0x31: {  	[smem:$0x3F7D] =	sst s10  }
0x32: {  	s10 =	sld [smem:$0x3F7B];
	_ =	sdelay $0x3  }
0x33: {  	p0 =	seq.s32 s10, $0x1;
	s10 =	sld [smem:$0x3F7D];
	_ =	sdelay $0x3  }
0x34: {  	[smem:$0x3F7D] =	sst s10  }
0x35: {  	s10 =	sld [smem:$0x3F7C];
	_ =	sdelay $0x3  }
0x36: {  	p1 =	seq.s32 s10, $0x1;
	s10 =	sld [smem:$0x3F7D];
	_ =	sdelay $0x3  }
0x37: {  	[smem:$0x3F7D] =	sst s10  }
0x38: {  	s10 =	sld [smem:$0x3F7E]  }
0x39: {  	_ = 	snop;
	(pc) =	sbr.ind lr, $3  }
0x3a: {  	_ = 	snop  }
0x3b: {  	_ = 	snop  }
0x3c: {  	p2 =	seq.s32 s10, $0x1;
	s10 =	sld [smem:$0x3F7D]  }
0x3d: {  	_ =	shalt  }
0x3e: {  	_ =	shalt  }
0x3f: {  	_ =	shalt  }
0x40: {  	_ =	shalt  }
0x41: {  	_ =	shalt  }
0x42: {  	_ =	shalt  }
0x43: {  	_ =	shalt  }
0x44: {  	_ =	shalt  }
0x45: {  	_ =	shalt  }
0x46: {  	_ =	shalt  }
0x47: {  	_ =	shalt  }
0x48: {  	_ =	shalt  }
0x49: {  	_ =	shalt  }
0x4a: {  	_ =	shalt  }
0x4b: {  	_ =	shalt  }
0x4c: {  	_ =	shalt  }
0x4d: {  	_ =	shalt  }
0x4e: {  	_ =	shalt  }
0x4f: {  	_ =	shalt  }
0x50: {  	_ =	shalt  }
0x51: {  	_ =	shalt  }
0x52: {  	_ =	shalt  }
0x53: {  	_ =	shalt  }
0x54: {  	_ =	shalt  }
0x55: {  	_ =	shalt  }
0x56: {  	_ =	shalt  }
0x57: {  	_ =	shalt  }
0x58: {  	_ =	shalt  }
0x59: {  	_ =	shalt  }
0x5a: {  	_ =	shalt  }
0x5b: {  	_ =	shalt  }
0x5c: {  	_ =	shalt  }
0x5d: {  	_ =	shalt  }
0x5e: {  	_ =	shalt  }
0x5f: {  	_ =	shalt  }
0x60: {  	_ =	shalt  }
0x61: {  	_ =	shalt  }
0x62: {  	_ =	shalt  }
0x63: {  	_ =	shalt  }
0x64: {  	_ =	shalt  }
0x65: {  	_ =	shalt  }
0x66: {  	_ =	shalt  }
0x67: {  	_ =	shalt  }
0x68: {  	_ =	shalt  }
0x69: {  	_ =	shalt  }
0x6a: {  	_ =	shalt  }
0x6b: {  	_ =	shalt  }
0x6c: {  	_ =	shalt  }
0x6d: {  	_ =	shalt  }
0x6e: {  	_ =	shalt  }
0x6f: {  	_ =	shalt  }
0x70: {  	_ =	shalt  }
0x71: {  	_ =	shalt  }
0x72: {  	_ =	shalt  }
0x73: {  	_ =	shalt  }
0x74: {  	_ =	shalt  }
0x75: {  	_ =	shalt  }
0x76: {  	_ =	shalt  }
0x77: {  	_ =	shalt  }
0x78: {  	_ =	shalt  }
0x79: {  	_ =	shalt  }
0x7a: {  	_ =	shalt  }
0x7b: {  	_ =	shalt  }
0x7c: {  	_ =	shalt  }
0x7d: {  	_ =	shalt  }
0x7e: {  	_ =	shalt  }
0x7f: {  	_ =	shalt  }
0x80: {  	_ =	shalt  }
0x81: {  	_ =	shalt  }
0x82: {  	_ =	shalt  }
0x83: {  	_ =	shalt  }
0x84: {  	_ =	shalt  }
0x85: {  	_ =	shalt  }
0x86: {  	_ =	shalt  }
0x87: {  	_ =	shalt  }
.Lfunc_end0:
.L_simem_size_0:
called_computation.2_lowered:
.L_overlay_start_0:
0x88: {  	s2 =	sld [smem:$0x3FD9]  }
0x89: {  	s3 =	sld [smem:$0x3FFE];
	_ =	sdelay $0x1  }
0x8a: {  	s1 =	srdreg.scid  }
0x8b: {  	s0 =	sand.u32 $0x1, s1  }
0x8c: {  	s16 =	sshll.u32 s0, $0xA;
	s2 =	sadd.s32 s3, s2  }
0x8d: {  	s2 =	sadd.s32 s2, s16  }
0x8e: {  	[smem:$0x3F89] =	sst s2  }
0x8f: {  	_ = 	snop  }
0x90: {  	(tm) =	ssettm $0x1  }
0x91: {  	s17 =	sld [smem:$0x3FFB];
	_ =	sdelay $0x3  }
0x92: {  	_ =	strace s17  }
0x93: {  	s2 =	sld [smem:$0x3FFC];
	_ =	sdelay $0x3  }
0x94: {  	_ =	strace s2  }
0x95: {  	s2 =	sld [smem:$0x3FFD];
	_ =	sdelay $0x3  }
0x96: {  	_ =	strace s2  }
0x97: {  	_ =	strace $0x8FFFFFFF  }
0x98: {  	s18 =	sld [smem:$0x3FDB];
	_ =	sdelay $0x1  }
0x99: {  	s19 =	simm.s32 $_scs_section_size  }
0x9a: {  	s4 =	simm.s32 $_size__tile_overlayer_lowered;
	s5 =	simm.s32 $_tile_overlayer_lowered  }
0x9b: {  	s22 =	simm.s32 $0x1BFF;
	s21 =	sshll.u32 s5, $0x1;
	s2 =	sadd.s32 s19, s18  }
0x9c: {  	s6 =	simm.s32 $0x0;
	s20 =	sshll.u32 s4, $0x1;
	s4 =	sadd.s32 s21, s2  }
0x9d: {  	[timem:s6], [sflag:s22] =	dma.local [hbm:s4], s20  }
0x9e: {  	_ =	swait.ge [sflag:s22], s20  }
0x9f: {  	s3 =	ssub.s32 $0x0, s20;
	[sflag:s22] =	ssyncset.done $0x0  }
0xa0: {  	[sflag:s22] =	ssyncadd.s32 s3;
	_ =	sdelay $0x1  }
0xa1: {  	s23 =	simm.s32 $0x1B8B  }
0xa2: {  	_ =	swait.ge [sflag:s23], $0x1  }
0xa3: {  	[sflag:s23] =	ssyncset.done $0x0  }
0xa4: {  	s25 =	simm.s32 $0x1B8E;
	s24 =	sld [smem:$0x3FFE];
	[sflag:s23] =	ssyncadd.s32 $0xFFFFFFFF  }
0xa5: {  	s26 =	simm.s32 $execute0_lowered;
	[smem:$0x3FD2] =	sst s25  }
0xa6: {  	s4 =	sshll.u32 s26, $0x1;
	_ =	strace $0x8000004C;
	[dreg:$0x1] =	wrdreg $0xFFFFFFFF  }
0xa7: {  	s28 =	simm.s32 $_size_execute0_lowered;
	s2 =	sadd.s32 s2, s4;
	[dreg:$0x0] =	wrdreg $0x0  }
0xa8: {  	s4 =	sshll.u32 s28, $0x1;
	[dreg:$0x2] =	wrdreg s2  }
0xa9: {  	[dreg:$0x3] =	wrdreg s4  }
0xaa: {  	[dreg:$0x4] =	wrdreg $0xC0  }
0xab: {  	_ =	task [dreg:s6], $0x5FFFF  }
0xac: {  	[dreg:$0x1] =	wrdreg $0xFFFFFFFF  }
0xad: {  	[dreg:$0x0] =	wrdreg $0x60  }
0xae: {  	[dreg:$0x2] =	wrdreg s24  }
0xaf: {  	[dreg:$0x3] =	wrdreg $0xA4000  }
0xb0: {  	[dreg:$0x4] =	wrdreg $0x9  }
0xb1: {  	_ =	task.clear_ibuf [dreg:s6], $0x5FFFF;
	_ =	strace $0x9000004C  }
0xb2: {  	s29 =	simm.s32 $0x9;
	_ =	strace $0x8000004E  }
0xb3: {  	_ =	swait.ge [sflag:s29], $0x1  }
0xb4: {  	[sflag:s29] =	ssyncadd.s32 $0xFFFFFFFF  }
0xb5: {  	_ =	strace $0x9000004E  }
0xb6: {  	_ =	sfence  }
0xb7: {  	s30 =	sld [smem:$0x0];
	_ =	sdelay $0x2  }
0xb8: {  	s31 =	sshll.u32 s1, $0xD;
	s1 =	sshrl.u32 s1, $0x2  }
0xb9: {  	s3 =	sand.u32 $0x4000, s31;
	s1 =	sadd.s32 s1, s30  }
0xba: {  	s0 =	sor.u32 s3, s0;
	s1 =	sshll.u32 s1, $0x11  }
0xbb: {  	s0 =	sor.u32 s1, s0  }
0xbc: {  	s0 =	sadd.s32 $0x8F2B, s0  }
0xbd: {  	[sflag:s0] =	ssyncadd.remote.s32 $0x1  }
0xbe: {  	_ =	sfence.sel $0xFFFF  }
0xbf: {  	[dreg:$0x0] =	wrdreg $0xFFFFFFFF;
	(pc) =	sbr.abs _section_cstart, $3  }
0xc0: {  	[dreg:$0x1] =	wrdreg $0xFFFFFFFF  }
0xc1: {  	_ =	task.clear_ibuf [dreg:s6], $0x2FFFF;
	_ =	strace $0x9FFFFFFF  }
0xc2: {  	(tm) =	ssettm $0x7FFFFFFF  }
0xc3: {  	_ =	shalt  }
tec
execute0_lowered:
.L_overlay_start_1:
0x0: {  	(tag) =	ssettag $0x1  }
0x1: {  	s0 =	rddreg [dreg:$0x0]  }
0x2: {  	s1 =	rddreg [dreg:$0x1]  }
0x3: {  	s2 =	srdreg.scid;
	s6 =	stileid.u32;
	s28 =	simm.s32 $0x4  }
0x4: {  	s29 =	simm.s32 $0x7C00;
	s30 =	simm.s32 $0x5;
	s31 =	simm.s32 $0x6  }
0x5: {  	s4 =	sand.u32 $0x1, s2;
	s2 =	simm.s32 $0x0;
	s7 =	smul.u32 $0x4E20, s6  }
0x6: {  	s3 =	sadd.s32 $0x56C00, s0;
	s9 =	sadd.s32 $0x2FA00, s0;
	s5 =	smul.u32 $0x9C400, s4  }
0x7: {  	[smem:$0x7FF] =	sst s2;
	s8 =	smul.u32 $0x27100, s4;
	s4 =	ssub.s32 $0x2, s4  }
0x8: {  	p0 =	sne.s32 s6, $0x0;
	_ =	strace $0x8000004D;
	s25 =	sshrl.u32 s4, $0x1  }
0x9: {  	s7 =	sadd.s32 s7, s5;
	s0 =	sadd.s32 s8, s0;
	s4 =	ssub.s32 s4, s25  }
0xa: {  	s26 =	sshrl.u32 s7, $0x3;
	s10 =	sadd.s32 $0xA4E00, s0;
	s12 =	sadd.s32 $0x4E2F0, s7  }
0xb: {  	s0 =	sadd.s32 $0xF3000, s0;
	s15 =	sadd.s32 $0xF0, s7;
	s17 =	sadd.s32 $0x4E2A0, s7  }
0xc: {  	s18 =	sadd.s32 $0xA0, s7;
	s22 =	sadd.s32 $0x4E250, s7;
	s24 =	sadd.s32 $0x50, s7  }
0xd: {  	s7 =	sadd.s32 $0x4E200, s7;
	s4 =	smax.u32 s4, $0x1;
	[dreg:$0xa] =	wrdreg s10  }
0xe: {  	s5 =	sadd.s32 s26, s9;
	[dreg:$0xf] =	wrdreg s0;
	s16 =	sshrl.u32 s15, $0x3  }
0xf: {  	s20 =	sshrl.u32 s18, $0x3;
	s23 =	sshrl.u32 s22, $0x3;
	s7 =	sshrl.u32 s7, $0x3  }
0x10: {  	[dreg:$0x10] =	wrdreg s4;
	s15 =	simm.s32 $0x180;
	s8 =	sadd.s32 $0x9B0, s5  }
0x11: {  	s18 =	simm.s32 $0x300;
	s11 =	sadd.s32 $0xA5F0, s5;
	[dreg:$0xb] =	wrdreg s8  }
0x12: {  	s22 =	simm.s32 $0x400;
	s10 =	sadd.s32 $0x9BA, s5;
	[dreg:$0xc] =	wrdreg s11  }
0x13: {  	s4 =	simm.s32 $0x8;
	s13 =	sadd.s32 $0xA5FA, s5;
	[dreg:$0xd] =	wrdreg s10  }
0x14: {  	s0 =	sadd.s32 s16, s9;
	s21 =	sadd.s32 s20, s9;
	[dreg:$0xe] =	wrdreg s13  }
0x15: {  	s26 =	sadd.s32 s7, s9;
	s16 =	simm.s32 $0x200;
	[dreg:$0x4] =	wrdreg s0  }
0x16: {  	s20 =	simm.s32 $0x1;
	s8 =	sshrl.u32 s12, $0x3;
	[dreg:$0x6] =	wrdreg s21  }
0x17: {  	s0 =	sadd.s32 s23, s9;
	[dreg:$0x9] =	wrdreg s26;
	s13 =	simm.s32 $0x80  }
0x18: {  	s21 =	simm.s32 $0x50;
	s23 =	simm.s32 $0x2;
	s26 =	simm.s32 $0x5400  }
0x19: {  	s14 =	sadd.s32 s8, s9;
	s8 =	sshrl.u32 s17, $0x3;
	[dreg:$0x7] =	wrdreg s0  }
0x1a: {  	s17 =	simm.s32 $0x280;
	s0 =	simm.s32 $0x7;
	[dreg:$0x3] =	wrdreg s14  }
0x1b: {  	s19 =	sadd.s32 s8, s9;
	s8 =	sshrl.u32 s24, $0x3;
	s14 =	simm.s32 $0x100  }
0x1c: {  	s24 =	simm.s32 $0x2C00;
	[dreg:$0x5] =	wrdreg s19;
	s25 =	sadd.s32 s8, s9  }
0x1d: {  	s8 =	sshrl.u32 @!p0 s1, $0x3;
	s19 =	simm.s32 $0x380;
	[dreg:$0x8] =	wrdreg s25  }
0x1e: {  	s9 =	simm.s32 $0x0;
	s25 =	simm.s32 $0x3;
	[dreg:$0x11] =	wrdreg s8  }
.LBB2_1:
0x1f: {  	[dreg:$0x12] =	wrdreg s9  }
0x20: {  	s7 =	simm.s32 @!p0 $0x1C09;
	s6 =	rddreg [dreg:$0xa]  }
0x21: {  	[spmem:s8], [sflag:s7] =	dma.local @!p0 [hbm:s6], $0x27100  }
0x22: {  	s7 =	simm.s32 @!p0 $0x9  }
0x23: {  	_ =	swait.ge @!p0 [sflag:s7], $0x27100  }
0x24: {  	[sflag:s7] =	ssyncset.done @!p0 $0x0  }
0x25: {  	[sflag:s7] =	ssyncadd.s32 @!p0 $0xFFFD8F00  }
0x26: {  	[bflag:$0x0] =	sbarrier.arrive $0xFFFF  }
0x27: {  	s9 =	sadd.s32 $0x0, s5;
	s6 =	rddreg [dreg:$0x9]  }
0x28: {  	[tilespmem:s2], [sflag:$0x1] =	stream.linear.gather [hbm4b:s9+s2], $0x50, $0x38;
	[tilespmem:$0x1DC80] =	vst v63  }
0x29: {  	s10 =	rddreg [dreg:$0x8];
	s7 =	sadd.s32 $0x0, s6  }
0x2a: {  	[tilespmem:s13], [sflag:$0x1] =	stream.linear.gather [hbm4b:s7+s2], $0x50, $0x38;
	[tilespmem:$0x1DC80] =	vst v63  }
0x2b: {  	s11 =	rddreg [dreg:$0x7];
	s12 =	sadd.s32 $0x0, s10  }
0x2c: {  	[tilespmem:s14], [sflag:$0x2] =	stream.linear.gather [hbm4b:s12+s2], $0x50, $0x38;
	[tilespmem:$0x1DC80] =	vst v63  }
0x2d: {  	s6 =	rddreg [dreg:$0x6];
	s10 =	sadd.s32 $0x0, s11  }
0x2e: {  	[tilespmem:s15], [sflag:$0x2] =	stream.linear.gather [hbm4b:s10+s2], $0x50, $0x38;
	[tilespmem:$0x1DC80] =	vst v63  }
0x2f: {  	s11 =	rddreg [dreg:$0x5];
	s12 =	sadd.s32 $0x0, s6  }
0x30: {  	[tilespmem:s16], [sflag:$0x3] =	stream.linear.gather [hbm4b:s12+s2], $0x50, $0x38;
	[tilespmem:$0x1DC80] =	vst v63  }
0x31: {  	s8 =	sadd.s32 $0x0, s11;
	s6 =	rddreg [dreg:$0x4]  }
0x32: {  	[tilespmem:s17], [sflag:$0x3] =	stream.linear.gather [hbm4b:s8+s2], $0x50, $0x38;
	[tilespmem:$0x1DC80] =	vst v63  }
0x33: {  	s11 =	sadd.s32 $0x0, s6;
	s10 =	rddreg [dreg:$0x3]  }
0x34: {  	[tilespmem:s18], [sflag:$0x4] =	stream.linear.gather [hbm4b:s11+s2], $0x50, $0x38;
	[tilespmem:$0x1DC80] =	vst v63  }
0x35: {  	s12 =	sadd.s32 $0x0, s10  }
0x36: {  	[tilespmem:s19], [sflag:$0x4] =	stream.linear.gather [hbm4b:s12+s2], $0x50, $0x38;
	[tilespmem:$0x1DC80] =	vst v63  }
0x37: {  	_ =	swait.ge [sflag:s20], $0x50  }
0x38: {  	[sflag:s20] =	ssyncset.done $0x0  }
0x39: {  	[sflag:s20] =	ssyncadd.s32 $0xFFFFFFB0  }
0x3a: {  	_ =	swait.ge [sflag:s20], $0x50  }
0x3b: {  	[sflag:s20] =	ssyncset.done $0x0  }
0x3c: {  	[sflag:s20] =	ssyncadd.s32 $0xFFFFFFB0  }
0x3d: {  	[tilespmem:s22], [sflag:$0x5] =	stream.indirect.gather [hbm4b:s3+s21], $0x80, s2, s21, $0xb8;
	[tilespmem:$0x1DC80] =	vst v63  }
0x3e: {  	_ =	swait.ge [sflag:s23], $0x50  }
0x3f: {  	[sflag:s23] =	ssyncset.done $0x0  }
0x40: {  	[sflag:s23] =	ssyncadd.s32 $0xFFFFFFB0  }
0x41: {  	_ =	swait.ge [sflag:s23], $0x50  }
0x42: {  	[sflag:s23] =	ssyncset.done $0x0  }
0x43: {  	[sflag:s23] =	ssyncadd.s32 $0xFFFFFFB0  }
0x44: {  	[tilespmem:s24], [sflag:$0x6] =	stream.indirect.gather [hbm4b:s3+s21], $0x80, s14, s21, $0xb8;
	[tilespmem:$0x1DC80] =	vst v63  }
0x45: {  	_ =	swait.ge [sflag:s25], $0x50  }
0x46: {  	[sflag:s25] =	ssyncset.done $0x0  }
0x47: {  	[sflag:s25] =	ssyncadd.s32 $0xFFFFFFB0  }
0x48: {  	_ =	swait.ge [sflag:s25], $0x50  }
0x49: {  	[sflag:s25] =	ssyncset.done $0x0  }
0x4a: {  	[sflag:s25] =	ssyncadd.s32 $0xFFFFFFB0  }
0x4b: {  	[tilespmem:s26], [sflag:$0x7] =	stream.indirect.gather [hbm4b:s3+s21], $0x80, s16, s21, $0xb8;
	[tilespmem:$0x1DC80] =	vst v63  }
0x4c: {  	_ =	swait.ge [sflag:s28], $0x50  }
0x4d: {  	[sflag:s28] =	ssyncset.done $0x0  }
0x4e: {  	[sflag:s28] =	ssyncadd.s32 $0xFFFFFFB0  }
0x4f: {  	_ =	swait.ge [sflag:s28], $0x50  }
0x50: {  	[sflag:s28] =	ssyncset.done $0x0  }
0x51: {  	[sflag:s28] =	ssyncadd.s32 $0xFFFFFFB0  }
0x52: {  	[tilespmem:s29], [sflag:$0x8] =	stream.indirect.gather [hbm4b:s3+s21], $0x80, s18, s21, $0xb8;
	[tilespmem:$0x1DC80] =	vst v63  }
0x53: {  	_ =	swait.ge [sflag:s30], $0x2800  }
0x54: {  	[sflag:s30] =	ssyncset.done $0x0  }
0x55: {  	[sflag:s30] =	ssyncadd.s32 $0xFFFFD800  }
0x56: {  	[spmem:s1] =	stream.indirect.scatter.add.f32 [tilespmem:s22], [sflag:$0x5], $0x80, s13, s21, $0xb8;
	[tilespmem:$0x1DC80] =	vst v63  }
0x57: {  	_ =	swait.ge [sflag:s31], $0x2800  }
0x58: {  	[sflag:s31] =	ssyncset.done $0x0  }
0x59: {  	[sflag:s31] =	ssyncadd.s32 $0xFFFFD800  }
0x5a: {  	[spmem:s1] =	stream.indirect.scatter.add.f32 [tilespmem:s24], [sflag:$0x6], $0x80, s15, s21, $0xb8;
	[tilespmem:$0x1DC80] =	vst v63  }
0x5b: {  	_ =	swait.ge [sflag:s0], $0x2800  }
0x5c: {  	[sflag:s0] =	ssyncset.done $0x0  }
0x5d: {  	[sflag:s0] =	ssyncadd.s32 $0xFFFFD800  }
0x5e: {  	[spmem:s1] =	stream.indirect.scatter.add.f32 [tilespmem:s26], [sflag:$0x7], $0x80, s17, s21, $0xb8;
	[tilespmem:$0x1DC80] =	vst v63  }
0x5f: {  	_ =	swait.ge [sflag:s4], $0x2800  }
0x60: {  	[sflag:s4] =	ssyncset.done $0x0  }
0x61: {  	[sflag:s4] =	ssyncadd.s32 $0xFFFFD800  }
0x62: {  	[spmem:s1] =	stream.indirect.scatter.add.f32 [tilespmem:s29], [sflag:$0x8], $0x80, s19, s21, $0xb8;
	[tilespmem:$0x1DC80] =	vst v63  }
0x63: {  	_ =	swait.ge [sflag:s30], $0x2800  }
0x64: {  	[sflag:s30] =	ssyncset.done $0x0  }
0x65: {  	[sflag:s30] =	ssyncadd.s32 $0xFFFFD800  }
0x66: {  	_ =	swait.ge [sflag:s31], $0x2800  }
0x67: {  	[sflag:s31] =	ssyncset.done $0x0  }
0x68: {  	[sflag:s31] =	ssyncadd.s32 $0xFFFFD800  }
0x69: {  	_ =	swait.ge [sflag:s0], $0x2800  }
0x6a: {  	[sflag:s0] =	ssyncset.done $0x0  }
0x6b: {  	[sflag:s0] =	ssyncadd.s32 $0xFFFFD800  }
0x6c: {  	s7 =	simm.s32 $0x28;
	_ =	swait.ge [sflag:s4], $0x2800  }
0x6d: {  	s8 =	simm.s32 $0x50;
	s9 =	rddreg [dreg:$0x9];
	[sflag:s4] =	ssyncset.done $0x0  }
.LBB2_2:
0x6e: {  	s10 =	sadd.s32 s7, s5;
	[sflag:s4] =	ssyncadd.s32 $0xFFFFD800  }
0x6f: {  	[tilespmem:s2], [sflag:$0x1] =	stream.linear.gather [hbm4b:s10+s2], $0x50, $0x38;
	[tilespmem:$0x1DC80] =	vst v63  }
0x70: {  	s11 =	rddreg [dreg:$0x8];
	s9 =	sadd.s32 s7, s9  }
0x71: {  	[tilespmem:s13], [sflag:$0x1] =	stream.linear.gather [hbm4b:s9+s2], $0x50, $0x38;
	[tilespmem:$0x1DC80] =	vst v63  }
0x72: {  	s12 =	smov.u32 s8;
	s6 =	rddreg [dreg:$0x7];
	s9 =	sadd.s32 s7, s11  }
0x73: {  	[tilespmem:s14], [sflag:$0x2] =	stream.linear.gather [hbm4b:s9+s2], $0x50, $0x38;
	[tilespmem:$0x1DC80] =	vst v63  }
0x74: {  	p1 =	sne.s32 s8, $0x988;
	s6 =	sadd.s32 s7, s6;
	s11 =	rddreg [dreg:$0x6]  }
0x75: {  	[tilespmem:s15], [sflag:$0x2] =	stream.linear.gather [hbm4b:s6+s2], $0x50, $0x38;
	[tilespmem:$0x1DC80] =	vst v63  }
0x76: {  	s10 =	sadd.s32 $0x28, s8;
	s8 =	rddreg [dreg:$0x5];
	s11 =	sadd.s32 s7, s11  }
0x77: {  	[tilespmem:s16], [sflag:$0x3] =	stream.linear.gather [hbm4b:s11+s2], $0x50, $0x38;
	[tilespmem:$0x1DC80] =	vst v63  }
0x78: {  	s8 =	sadd.s32 s7, s8;
	s9 =	rddreg [dreg:$0x4]  }
0x79: {  	[tilespmem:s17], [sflag:$0x3] =	stream.linear.gather [hbm4b:s8+s2], $0x50, $0x38;
	[tilespmem:$0x1DC80] =	vst v63  }
0x7a: {  	s9 =	sadd.s32 s7, s9;
	s11 =	rddreg [dreg:$0x3]  }
0x7b: {  	[tilespmem:s18], [sflag:$0x4] =	stream.linear.gather [hbm4b:s9+s2], $0x50, $0x38;
	[tilespmem:$0x1DC80] =	vst v63  }
0x7c: {  	s11 =	sadd.s32 s7, s11  }
0x7d: {  	[tilespmem:s19], [sflag:$0x4] =	stream.linear.gather [hbm4b:s11+s2], $0x50, $0x38;
	[tilespmem:$0x1DC80] =	vst v63  }
0x7e: {  	_ =	swait.ge [sflag:s20], $0x50  }
0x7f: {  	[sflag:s20] =	ssyncset.done $0x0  }
0x80: {  	[sflag:s20] =	ssyncadd.s32 $0xFFFFFFB0  }
0x81: {  	_ =	swait.ge [sflag:s20], $0x50  }
0x82: {  	[sflag:s20] =	ssyncset.done $0x0  }
0x83: {  	[sflag:s20] =	ssyncadd.s32 $0xFFFFFFB0  }
0x84: {  	[tilespmem:s22], [sflag:$0x5] =	stream.indirect.gather [hbm4b:s3+s21], $0x80, s2, s21, $0xb8;
	[tilespmem:$0x1DC80] =	vst v63  }
0x85: {  	_ =	swait.ge [sflag:s23], $0x50  }
0x86: {  	[sflag:s23] =	ssyncset.done $0x0  }
0x87: {  	[sflag:s23] =	ssyncadd.s32 $0xFFFFFFB0  }
0x88: {  	_ =	swait.ge [sflag:s23], $0x50  }
0x89: {  	[sflag:s23] =	ssyncset.done $0x0  }
0x8a: {  	[sflag:s23] =	ssyncadd.s32 $0xFFFFFFB0  }
0x8b: {  	[tilespmem:s24], [sflag:$0x6] =	stream.indirect.gather [hbm4b:s3+s21], $0x80, s14, s21, $0xb8;
	[tilespmem:$0x1DC80] =	vst v63  }
0x8c: {  	_ =	swait.ge [sflag:s25], $0x50  }
0x8d: {  	[sflag:s25] =	ssyncset.done $0x0  }
0x8e: {  	[sflag:s25] =	ssyncadd.s32 $0xFFFFFFB0  }
0x8f: {  	_ =	swait.ge [sflag:s25], $0x50  }
0x90: {  	[sflag:s25] =	ssyncset.done $0x0  }
0x91: {  	[sflag:s25] =	ssyncadd.s32 $0xFFFFFFB0  }
0x92: {  	[tilespmem:s26], [sflag:$0x7] =	stream.indirect.gather [hbm4b:s3+s21], $0x80, s16, s21, $0xb8;
	[tilespmem:$0x1DC80] =	vst v63  }
0x93: {  	_ =	swait.ge [sflag:s28], $0x50  }
0x94: {  	[sflag:s28] =	ssyncset.done $0x0  }
0x95: {  	[sflag:s28] =	ssyncadd.s32 $0xFFFFFFB0  }
0x96: {  	_ =	swait.ge [sflag:s28], $0x50  }
0x97: {  	[sflag:s28] =	ssyncset.done $0x0  }
0x98: {  	[sflag:s28] =	ssyncadd.s32 $0xFFFFFFB0  }
0x99: {  	[tilespmem:s29], [sflag:$0x8] =	stream.indirect.gather [hbm4b:s3+s21], $0x80, s18, s21, $0xb8;
	[tilespmem:$0x1DC80] =	vst v63  }
0x9a: {  	_ =	swait.ge [sflag:s30], $0x2800  }
0x9b: {  	[sflag:s30] =	ssyncset.done $0x0  }
0x9c: {  	[sflag:s30] =	ssyncadd.s32 $0xFFFFD800  }
0x9d: {  	[spmem:s1] =	stream.indirect.scatter.add.f32 [tilespmem:s22], [sflag:$0x5], $0x80, s13, s21, $0xb8;
	[tilespmem:$0x1DC80] =	vst v63  }
0x9e: {  	_ =	swait.ge [sflag:s31], $0x2800  }
0x9f: {  	[sflag:s31] =	ssyncset.done $0x0  }
0xa0: {  	[sflag:s31] =	ssyncadd.s32 $0xFFFFD800  }
0xa1: {  	[spmem:s1] =	stream.indirect.scatter.add.f32 [tilespmem:s24], [sflag:$0x6], $0x80, s15, s21, $0xb8;
	[tilespmem:$0x1DC80] =	vst v63  }
0xa2: {  	_ =	swait.ge [sflag:s0], $0x2800  }
0xa3: {  	[sflag:s0] =	ssyncset.done $0x0  }
0xa4: {  	[sflag:s0] =	ssyncadd.s32 $0xFFFFD800  }
0xa5: {  	[spmem:s1] =	stream.indirect.scatter.add.f32 [tilespmem:s26], [sflag:$0x7], $0x80, s17, s21, $0xb8;
	[tilespmem:$0x1DC80] =	vst v63  }
0xa6: {  	_ =	swait.ge [sflag:s4], $0x2800  }
0xa7: {  	[sflag:s4] =	ssyncset.done $0x0  }
0xa8: {  	[sflag:s4] =	ssyncadd.s32 $0xFFFFD800  }
0xa9: {  	[spmem:s1] =	stream.indirect.scatter.add.f32 [tilespmem:s29], [sflag:$0x8], $0x80, s19, s21, $0xb8;
	[tilespmem:$0x1DC80] =	vst v63  }
0xaa: {  	_ =	swait.ge [sflag:s30], $0x2800  }
0xab: {  	[sflag:s30] =	ssyncset.done $0x0  }
0xac: {  	[sflag:s30] =	ssyncadd.s32 $0xFFFFD800  }
0xad: {  	_ =	swait.ge [sflag:s31], $0x2800  }
0xae: {  	[sflag:s31] =	ssyncset.done $0x0  }
0xaf: {  	[sflag:s31] =	ssyncadd.s32 $0xFFFFD800  }
.Ltmp0:
0xb0: {  	_ =	swait.ge [sflag:s0], $0x2800;
	(pc) =	sbr.rel @p1 .LBB2_2-.Ltmp0, $4  }
0xb1: {  	[sflag:s0] =	ssyncset.done $0x0  }
0xb2: {  	[sflag:s0] =	ssyncadd.s32 $0xFFFFD800  }
0xb3: {  	s7 =	smov.u32 s12;
	_ =	swait.ge [sflag:s4], $0x2800  }
0xb4: {  	s8 =	smov.u32 s10;
	s9 =	rddreg [dreg:$0x9];
	[sflag:s4] =	ssyncset.done $0x0  }
0xb5: {  	s6 =	sadd.s32 s7, s5;
	[sflag:s4] =	ssyncadd.s32 $0xFFFFD800  }
0xb6: {  	[tilespmem:s2], [sflag:$0x1] =	stream.linear.gather [hbm4b:s6+s2], $0x50, $0x38;
	[tilespmem:$0x1DC80] =	vst v63  }
0xb7: {  	s10 =	rddreg [dreg:$0x8];
	s8 =	sadd.s32 s7, s9  }
0xb8: {  	[tilespmem:s13], [sflag:$0x1] =	stream.linear.gather [hbm4b:s8+s2], $0x50, $0x38;
	[tilespmem:$0x1DC80] =	vst v63  }
0xb9: {  	s11 =	rddreg [dreg:$0x7];
	s6 =	sadd.s32 s7, s10  }
0xba: {  	[tilespmem:s14], [sflag:$0x2] =	stream.linear.gather [hbm4b:s6+s2], $0x50, $0x38;
	[tilespmem:$0x1DC80] =	vst v63  }
0xbb: {  	s12 =	rddreg [dreg:$0x6];
	s8 =	sadd.s32 s7, s11  }
0xbc: {  	[tilespmem:s15], [sflag:$0x2] =	stream.linear.gather [hbm4b:s8+s2], $0x50, $0x38;
	[tilespmem:$0x1DC80] =	vst v63  }
0xbd: {  	s9 =	rddreg [dreg:$0x5];
	s6 =	sadd.s32 s7, s12  }
0xbe: {  	[tilespmem:s16], [sflag:$0x3] =	stream.linear.gather [hbm4b:s6+s2], $0x50, $0x38;
	[tilespmem:$0x1DC80] =	vst v63  }
0xbf: {  	s10 =	rddreg [dreg:$0x4];
	s8 =	sadd.s32 s7, s9  }
0xc0: {  	[tilespmem:s17], [sflag:$0x3] =	stream.linear.gather [hbm4b:s8+s2], $0x50, $0x38;
	[tilespmem:$0x1DC80] =	vst v63  }
0xc1: {  	s11 =	rddreg [dreg:$0x3];
	s6 =	sadd.s32 s7, s10  }
0xc2: {  	[tilespmem:s18], [sflag:$0x4] =	stream.linear.gather [hbm4b:s6+s2], $0x50, $0x38;
	[tilespmem:$0x1DC80] =	vst v63  }
0xc3: {  	s12 =	sadd.s32 s7, s11  }
0xc4: {  	[tilespmem:s19], [sflag:$0x4] =	stream.linear.gather [hbm4b:s12+s2], $0x50, $0x38;
	[tilespmem:$0x1DC80] =	vst v63  }
0xc5: {  	_ =	swait.ge [sflag:s20], $0x50  }
0xc6: {  	[sflag:s20] =	ssyncset.done $0x0  }
0xc7: {  	[sflag:s20] =	ssyncadd.s32 $0xFFFFFFB0  }
0xc8: {  	_ =	swait.ge [sflag:s20], $0x50  }
0xc9: {  	[sflag:s20] =	ssyncset.done $0x0  }
0xca: {  	[sflag:s20] =	ssyncadd.s32 $0xFFFFFFB0  }
0xcb: {  	[tilespmem:s22], [sflag:$0x5] =	stream.indirect.gather [hbm4b:s3+s21], $0x80, s2, s21, $0xb8;
	[tilespmem:$0x1DC80] =	vst v63  }
0xcc: {  	_ =	swait.ge [sflag:s23], $0x50  }
0xcd: {  	[sflag:s23] =	ssyncset.done $0x0  }
0xce: {  	[sflag:s23] =	ssyncadd.s32 $0xFFFFFFB0  }
0xcf: {  	_ =	swait.ge [sflag:s23], $0x50  }
0xd0: {  	[sflag:s23] =	ssyncset.done $0x0  }
0xd1: {  	[sflag:s23] =	ssyncadd.s32 $0xFFFFFFB0  }
0xd2: {  	[tilespmem:s24], [sflag:$0x6] =	stream.indirect.gather [hbm4b:s3+s21], $0x80, s14, s21, $0xb8;
	[tilespmem:$0x1DC80] =	vst v63  }
0xd3: {  	_ =	swait.ge [sflag:s25], $0x50  }
0xd4: {  	[sflag:s25] =	ssyncset.done $0x0  }
0xd5: {  	[sflag:s25] =	ssyncadd.s32 $0xFFFFFFB0  }
0xd6: {  	_ =	swait.ge [sflag:s25], $0x50  }
0xd7: {  	[sflag:s25] =	ssyncset.done $0x0  }
0xd8: {  	[sflag:s25] =	ssyncadd.s32 $0xFFFFFFB0  }
0xd9: {  	[tilespmem:s26], [sflag:$0x7] =	stream.indirect.gather [hbm4b:s3+s21], $0x80, s16, s21, $0xb8;
	[tilespmem:$0x1DC80] =	vst v63  }
0xda: {  	_ =	swait.ge [sflag:s28], $0x50  }
0xdb: {  	[sflag:s28] =	ssyncset.done $0x0  }
0xdc: {  	[sflag:s28] =	ssyncadd.s32 $0xFFFFFFB0  }
0xdd: {  	_ =	swait.ge [sflag:s28], $0x50  }
0xde: {  	[sflag:s28] =	ssyncset.done $0x0  }
0xdf: {  	[sflag:s28] =	ssyncadd.s32 $0xFFFFFFB0  }
0xe0: {  	[tilespmem:s29], [sflag:$0x8] =	stream.indirect.gather [hbm4b:s3+s21], $0x80, s18, s21, $0xb8;
	[tilespmem:$0x1DC80] =	vst v63  }
0xe1: {  	_ =	swait.ge [sflag:s30], $0x2800  }
0xe2: {  	[sflag:s30] =	ssyncset.done $0x0  }
0xe3: {  	[sflag:s30] =	ssyncadd.s32 $0xFFFFD800  }
0xe4: {  	[spmem:s1] =	stream.indirect.scatter.add.f32 [tilespmem:s22], [sflag:$0x5], $0x80, s13, s21, $0xb8;
	[tilespmem:$0x1DC80] =	vst v63  }
0xe5: {  	_ =	swait.ge [sflag:s31], $0x2800  }
0xe6: {  	[sflag:s31] =	ssyncset.done $0x0  }
0xe7: {  	[sflag:s31] =	ssyncadd.s32 $0xFFFFD800  }
0xe8: {  	[spmem:s1] =	stream.indirect.scatter.add.f32 [tilespmem:s24], [sflag:$0x6], $0x80, s15, s21, $0xb8;
	[tilespmem:$0x1DC80] =	vst v63  }
0xe9: {  	_ =	swait.ge [sflag:s0], $0x2800  }
0xea: {  	[sflag:s0] =	ssyncset.done $0x0  }
0xeb: {  	[sflag:s0] =	ssyncadd.s32 $0xFFFFD800  }
0xec: {  	[spmem:s1] =	stream.indirect.scatter.add.f32 [tilespmem:s26], [sflag:$0x7], $0x80, s17, s21, $0xb8;
	[tilespmem:$0x1DC80] =	vst v63  }
0xed: {  	_ =	swait.ge [sflag:s4], $0x2800  }
0xee: {  	[sflag:s4] =	ssyncset.done $0x0  }
0xef: {  	[sflag:s4] =	ssyncadd.s32 $0xFFFFD800  }
0xf0: {  	[spmem:s1] =	stream.indirect.scatter.add.f32 [tilespmem:s29], [sflag:$0x8], $0x80, s19, s21, $0xb8;
	[tilespmem:$0x1DC80] =	vst v63  }
0xf1: {  	_ =	swait.ge [sflag:s30], $0x2800  }
0xf2: {  	[sflag:s30] =	ssyncset.done $0x0  }
0xf3: {  	[sflag:s30] =	ssyncadd.s32 $0xFFFFD800  }
0xf4: {  	_ =	swait.ge [sflag:s31], $0x2800  }
0xf5: {  	[sflag:s31] =	ssyncset.done $0x0  }
0xf6: {  	[sflag:s31] =	ssyncadd.s32 $0xFFFFD800  }
0xf7: {  	_ =	swait.ge [sflag:s0], $0x2800  }
0xf8: {  	[sflag:s0] =	ssyncset.done $0x0  }
0xf9: {  	[sflag:s0] =	ssyncadd.s32 $0xFFFFD800  }
0xfa: {  	_ =	swait.ge [sflag:s4], $0x2800  }
0xfb: {  	[sflag:s4] =	ssyncset.done $0x0  }
0xfc: {  	s7 =	rddreg [dreg:$0xb];
	[sflag:s4] =	ssyncadd.s32 $0xFFFFD800  }
0xfd: {  	[tilespmem:s2], [sflag:$0x1] =	stream.linear.gather [hbm4b:s7+s2], $0x50, $0x38;
	[tilespmem:$0x1DC80] =	vst v63  }
0xfe: {  	s8 =	rddreg [dreg:$0xc]  }
0xff: {  	[tilespmem:s13], [sflag:$0x1] =	stream.linear.gather [hbm4b:s8+s2], $0x50, $0x38;
	[tilespmem:$0x1DC80] =	vst v63  }
0x100: {  	s9 =	rddreg [dreg:$0xd]  }
0x101: {  	[tilespmem:s14], [sflag:$0x2] =	stream.linear.gather [hbm4b:s9+s2], $0x50, $0x38;
	[tilespmem:$0x1DC80] =	vst v63  }
0x102: {  	s10 =	rddreg [dreg:$0xe]  }
0x103: {  	[tilespmem:s15], [sflag:$0x2] =	stream.linear.gather [hbm4b:s10+s2], $0x50, $0x38;
	[tilespmem:$0x1DC80] =	vst v63  }
0x104: {  	_ =	swait.ge [sflag:s20], $0x50  }
0x105: {  	[sflag:s20] =	ssyncset.done $0x0  }
0x106: {  	[sflag:s20] =	ssyncadd.s32 $0xFFFFFFB0  }
0x107: {  	_ =	swait.ge [sflag:s20], $0x50  }
0x108: {  	[sflag:s20] =	ssyncset.done $0x0  }
0x109: {  	[sflag:s20] =	ssyncadd.s32 $0xFFFFFFB0  }
0x10a: {  	[tilespmem:s22], [sflag:$0x5] =	stream.indirect.gather [hbm4b:s3+s21], $0x80, s2, s21, $0xb8;
	[tilespmem:$0x1DC80] =	vst v63  }
0x10b: {  	_ =	swait.ge [sflag:s23], $0x50  }
0x10c: {  	[sflag:s23] =	ssyncset.done $0x0  }
0x10d: {  	[sflag:s23] =	ssyncadd.s32 $0xFFFFFFB0  }
0x10e: {  	_ =	swait.ge [sflag:s23], $0x50  }
0x10f: {  	[sflag:s23] =	ssyncset.done $0x0  }
0x110: {  	[sflag:s23] =	ssyncadd.s32 $0xFFFFFFB0  }
0x111: {  	[tilespmem:s24], [sflag:$0x6] =	stream.indirect.gather [hbm4b:s3+s21], $0x80, s14, s21, $0xb8;
	[tilespmem:$0x1DC80] =	vst v63  }
0x112: {  	_ =	swait.ge [sflag:s30], $0x2800  }
0x113: {  	[sflag:s30] =	ssyncset.done $0x0  }
0x114: {  	[sflag:s30] =	ssyncadd.s32 $0xFFFFD800  }
0x115: {  	[spmem:s1] =	stream.indirect.scatter.add.f32 [tilespmem:s22], [sflag:$0x5], $0x80, s13, s21, $0xb8;
	[tilespmem:$0x1DC80] =	vst v63  }
0x116: {  	_ =	swait.ge [sflag:s31], $0x2800  }
0x117: {  	[sflag:s31] =	ssyncset.done $0x0  }
0x118: {  	[sflag:s31] =	ssyncadd.s32 $0xFFFFD800  }
0x119: {  	[spmem:s1] =	stream.indirect.scatter.add.f32 [tilespmem:s24], [sflag:$0x6], $0x80, s15, s21, $0xb8;
	[tilespmem:$0x1DC80] =	vst v63  }
0x11a: {  	_ =	swait.ge [sflag:s30], $0x2800  }
0x11b: {  	[sflag:s30] =	ssyncset.done $0x0  }
0x11c: {  	[sflag:s30] =	ssyncadd.s32 $0xFFFFD800  }
0x11d: {  	_ =	swait.ge [sflag:s31], $0x2800  }
0x11e: {  	[sflag:s31] =	ssyncset.done $0x0  }
0x11f: {  	[sflag:s31] =	ssyncadd.s32 $0xFFFFD800  }
0x120: {  	[bflag:$0x0] =	sbarrier.arrive $0xFFFF  }
0x121: {  	s7 =	rddreg [dreg:$0xf]  }
0x122: {  	s6 =	simm.s32 @!p0 $0x1C09;
	s8 =	rddreg [dreg:$0x11]  }
0x123: {  	[hbm:s7], [sflag:s6] =	dma.local @!p0 [spmem:s8], $0x27100  }
0x124: {  	s6 =	simm.s32 @!p0 $0x9  }
0x125: {  	_ =	swait.ge @!p0 [sflag:s6], $0x27100  }
0x126: {  	s11 =	rddreg [dreg:$0x12]  }
0x127: {  	s12 =	rddreg [dreg:$0x10];
	s9 =	sadd.s32 $0x1, s11  }
0x128: {  	p1 =	sne.s32 s9, s12  }
.Ltmp1:
0x129: {  	_ = 	snop;
	(pc) =	sbr.rel @p1 .LBB2_1-.Ltmp1, $3  }
0x12a: {  	_ =	sdelay $0x1  }
0x12b: {  	[sflag:s6] =	ssyncset.done @!p0 $0x0  }
0x12c: {  	[sflag:s6] =	ssyncadd.s32 @!p0 $0xFFFD8F00  }
0x12d: {  	_ =	sfence.sel $0x180000  }
0x12e: {  	[bflag:$0x0] =	sbarrier.arrive $0xFFFF  }
0x12f: {  	_ =	strace $0x9000004D  }
0x130: {  	[bflag:$0x2] =	sbarrier.arrive $0xFFFF  }
0x131: {  	s0 =	rddreg [dreg:$0x2]  }
0x132: {  	s0 =	sadd.s32 @!p0 $0x100000, s0  }
0x133: {  	[sflag:s0] =	ssyncadd.tile.s32 @!p0 $0x1;
	_ =	shalt  }
.Lfunc_end2:
_tile_overlayer_lowered:
.L_overlay_start_2:
0x134: {  	(tag) =	ssettag $0x2  }
0x135: {  	s0 =	rddreg [dreg:$0x0];
	s2 =	stileid.u32  }
0x136: {  	s1 =	rddreg [dreg:$0x1];
	p0 =	sne.s32 s2, $0x0  }
0x137: {  	s3 =	rddreg [dreg:$0x2];
	[bflag:$0x3] =	sbarrier.arrive $0xFFFF;
	s2 =	simm.s32 @!p0 $0x1C09  }
0x138: {  	[timem:s3], [sflag:s2] =	dma.local @!p0 [hbm:s0], s1  }
0x139: {  	s0 =	simm.s32 @!p0 $0x9  }
0x13a: {  	_ =	swait.ge @!p0 [sflag:s0], s1  }
0x13b: {  	s1 =	ssub.s32 @!p0 $0x0, s1;
	[sflag:s0] =	ssyncset.done @!p0 $0x0  }
0x13c: {  	[sflag:s0] =	ssyncadd.s32 @!p0 s1  }
0x13d: {  	[bflag:$0x3] =	sbarrier.arrive $0xFFFF  }
0x13e: {  	_ =	shalt  }

// kernel: kernel.24.cloned.1.call-start
scs
__scs_entry_jumppad:
0x0: {  	(pc) =	sbr.rel $0x88, $3  }
0x1: {  	(tag) =	ssettag $0x0;
	lr =	simm.s32 $0x1  }
0x2: {  	[smem:$0x3F62] =	sst lr;
	_ =	strace $0xD0000000  }
0x3: {  	_ = 	snop  }
0x4: {  	_ = 	snop  }
0x5: {  	_ = 	snop  }
0x6: {  	_ = 	snop  }
0x7: {  	_ = 	snop  }
__scs_overlays_trampoline_lowered:
0x8: {  	[smem:$0x3F71] =	sst s0  }
0x9: {  	[smem:$0x3F72] =	sst s1  }
0xa: {  	[smem:$0x3F73] =	sst s2  }
0xb: {  	[smem:$0x3F74] =	sst s3  }
0xc: {  	[smem:$0x3F75] =	sst s4  }
0xd: {  	[smem:$0x3F76] =	sst s5  }
0xe: {  	[smem:$0x3F77] =	sst s6  }
0xf: {  	[smem:$0x3F78] =	sst s7  }
0x10: {  	[smem:$0x3F79] =	sst s8  }
0x11: {  	[smem:$0x3F7A] =	sst s9;
	s0 =	simm.s32 @!p0 $0x0  }
0x12: {  	s1 =	sld [smem:$0x3F60];
	s0 =	simm.s32 @p0 $0x1  }
0x13: {  	[smem:$0x3F7B] =	sst s0;
	s0 =	simm.s32 @!p1 $0x0  }
0x14: {  	s2 =	sld [smem:$0x3F5F];
	s0 =	simm.s32 @p1 $0x1  }
0x15: {  	[smem:$0x3F7C] =	sst s0;
	s0 =	simm.s32 @!p2 $0x0  }
0x16: {  	s3 =	sld [smem:$0x3FDB];
	s0 =	simm.s32 @p2 $0x1  }
0x17: {  	s4 =	simm.s32 $0x1BF5;
	[smem:$0x3F7E] =	sst s0  }
0x18: {  	s0 =	sld [smem:$0x3F61];
	_ =	swait.ge [sflag:s4], $0x0  }
0x19: {  	s7 =	sld [smem:$0x3F62]  }
0x1a: {  	s8 =	sadd.s32 $0xFFFFE003, lr  }
0x1b: {  	s9 =	sadd.s32 $0xFFFFFEF7, lr;
	s5 =	simm.s32 $0xFFFFFFFF;
	p2 =	slt.u32 s8, $0xFFFFF086  }
0x1c: {  	p1 =	slt.u32 s9, $0xF7A;
	s5 =	simm.s32 @!p2 $0x0  }
0x1d: {  	s5 =	simm.s32 @p1 $0x1;
	p0 =	seq.s32 s7, s2  }
0x1e: {  	s7 =	smul.u32 @!p0 $0xF7A, s2;
	p2 =	seq.s32 @!p0 s5, $0x0  }
0x1f: {  	s9 =	smul.u32 $0xF7A, s1;
	s8 =	simm.s32 @!p0 $0x1BF5;
	p2 =	por !p2, p0  }
0x20: {  	[sflag:s8] =	ssyncset.s32 @!p0 $0xFFFFF086;
	s6 =	sadd.s32 @!p0 s3, s7;
	s7 =	simm.s32 @!p0 $0x108  }
0x21: {  	s3 =	sadd.s32 s3, s9;
	s6 =	sadd.s32 @!p0 $0x88, s6;
	s7 =	simm.s32 @p2 $0x1082  }
0x22: {  	[simem:s7], [sflag:s8] =	dma.local @!p0 [hbm:s6], $0xF7A  }
0x23: {  	s9 =	sor.u32 $0xD0000000, s2;
	s6 =	simm.s32 $0x108;
	_ =	swait.ge @!p0 [sflag:s8], $0x0  }
0x24: {  	s3 =	sadd.s32 $0x88, s3;
	s6 =	simm.s32 @!p1 $0x1082;
	[sflag:s4] =	ssyncset.s32 $0xFFFFF086  }
0x25: {  	[simem:s6], [sflag:s4] =	dma.local [hbm:s3], $0xF7A  }
0x26: {  	[smem:$0x3F62] =	sst s1;
	(tag) =	ssettag s2;
	_ =	strace s9  }
0x27: {  	s1 =	sld [smem:$0x3F72]  }
0x28: {  	s2 =	sld [smem:$0x3F73]  }
0x29: {  	s4 =	sld [smem:$0x3F75]  }
0x2a: {  	p0 =	seq.s32 s5, $0x0;
	s5 =	sld [smem:$0x3F76]  }
0x2b: {  	s6 =	sld [smem:$0x3F77]  }
0x2c: {  	s7 =	sld [smem:$0x3F78]  }
0x2d: {  	s3 =	simm.s32 $0x108;
	s8 =	sld [smem:$0x3F79]  }
0x2e: {  	s3 =	simm.s32 @!p0 $0x1082;
	s9 =	sld [smem:$0x3F7A]  }
0x2f: {  	lr =	sadd.s32 s0, s3;
	s0 =	sld [smem:$0x3F71]  }
0x30: {  	s3 =	sld [smem:$0x3F74]  }
0x31: {  	[smem:$0x3F7D] =	sst s10  }
0x32: {  	s10 =	sld [smem:$0x3F7B];
	_ =	sdelay $0x3  }
0x33: {  	p0 =	seq.s32 s10, $0x1;
	s10 =	sld [smem:$0x3F7D];
	_ =	sdelay $0x3  }
0x34: {  	[smem:$0x3F7D] =	sst s10  }
0x35: {  	s10 =	sld [smem:$0x3F7C];
	_ =	sdelay $0x3  }
0x36: {  	p1 =	seq.s32 s10, $0x1;
	s10 =	sld [smem:$0x3F7D];
	_ =	sdelay $0x3  }
0x37: {  	[smem:$0x3F7D] =	sst s10  }
0x38: {  	s10 =	sld [smem:$0x3F7E]  }
0x39: {  	_ = 	snop;
	(pc) =	sbr.ind lr, $3  }
0x3a: {  	_ = 	snop  }
0x3b: {  	_ = 	snop  }
0x3c: {  	p2 =	seq.s32 s10, $0x1;
	s10 =	sld [smem:$0x3F7D]  }
0x3d: {  	_ =	shalt  }
0x3e: {  	_ =	shalt  }
0x3f: {  	_ =	shalt  }
0x40: {  	_ =	shalt  }
0x41: {  	_ =	shalt  }
0x42: {  	_ =	shalt  }
0x43: {  	_ =	shalt  }
0x44: {  	_ =	shalt  }
0x45: {  	_ =	shalt  }
0x46: {  	_ =	shalt  }
0x47: {  	_ =	shalt  }
0x48: {  	_ =	shalt  }
0x49: {  	_ =	shalt  }
0x4a: {  	_ =	shalt  }
0x4b: {  	_ =	shalt  }
0x4c: {  	_ =	shalt  }
0x4d: {  	_ =	shalt  }
0x4e: {  	_ =	shalt  }
0x4f: {  	_ =	shalt  }
0x50: {  	_ =	shalt  }
0x51: {  	_ =	shalt  }
0x52: {  	_ =	shalt  }
0x53: {  	_ =	shalt  }
0x54: {  	_ =	shalt  }
0x55: {  	_ =	shalt  }
0x56: {  	_ =	shalt  }
0x57: {  	_ =	shalt  }
0x58: {  	_ =	shalt  }
0x59: {  	_ =	shalt  }
0x5a: {  	_ =	shalt  }
0x5b: {  	_ =	shalt  }
0x5c: {  	_ =	shalt  }
0x5d: {  	_ =	shalt  }
0x5e: {  	_ =	shalt  }
0x5f: {  	_ =	shalt  }
0x60: {  	_ =	shalt  }
0x61: {  	_ =	shalt  }
0x62: {  	_ =	shalt  }
0x63: {  	_ =	shalt  }
0x64: {  	_ =	shalt  }
0x65: {  	_ =	shalt  }
0x66: {  	_ =	shalt  }
0x67: {  	_ =	shalt  }
0x68: {  	_ =	shalt  }
0x69: {  	_ =	shalt  }
0x6a: {  	_ =	shalt  }
0x6b: {  	_ =	shalt  }
0x6c: {  	_ =	shalt  }
0x6d: {  	_ =	shalt  }
0x6e: {  	_ =	shalt  }
0x6f: {  	_ =	shalt  }
0x70: {  	_ =	shalt  }
0x71: {  	_ =	shalt  }
0x72: {  	_ =	shalt  }
0x73: {  	_ =	shalt  }
0x74: {  	_ =	shalt  }
0x75: {  	_ =	shalt  }
0x76: {  	_ =	shalt  }
0x77: {  	_ =	shalt  }
0x78: {  	_ =	shalt  }
0x79: {  	_ =	shalt  }
0x7a: {  	_ =	shalt  }
0x7b: {  	_ =	shalt  }
0x7c: {  	_ =	shalt  }
0x7d: {  	_ =	shalt  }
0x7e: {  	_ =	shalt  }
0x7f: {  	_ =	shalt  }
0x80: {  	_ =	shalt  }
0x81: {  	_ =	shalt  }
0x82: {  	_ =	shalt  }
0x83: {  	_ =	shalt  }
0x84: {  	_ =	shalt  }
0x85: {  	_ =	shalt  }
0x86: {  	_ =	shalt  }
0x87: {  	_ =	shalt  }
.Lfunc_end0:
.L_simem_size_0:
called_computation.3_lowered:
.L_overlay_start_0:
0x88: {  	s2 =	sld [smem:$0x3FD9]  }
0x89: {  	s3 =	sld [smem:$0x3FFE];
	_ =	sdelay $0x1  }
0x8a: {  	s1 =	srdreg.scid  }
0x8b: {  	s0 =	sand.u32 $0x1, s1  }
0x8c: {  	s17 =	sshll.u32 s0, $0xA;
	s2 =	sadd.s32 s3, s2  }
0x8d: {  	s2 =	sadd.s32 s2, s17  }
0x8e: {  	[smem:$0x3F89] =	sst s2  }
0x8f: {  	_ = 	snop  }
0x90: {  	s2 =	sld [smem:$0x3FD0];
	(tm) =	ssettm $0x1  }
0x91: {  	s18 =	sld [smem:$0x3FFB];
	_ =	sdelay $0x3  }
0x92: {  	_ =	strace s18  }
0x93: {  	s3 =	sld [smem:$0x3FFC];
	_ =	sdelay $0x3  }
0x94: {  	_ =	strace s3  }
0x95: {  	s3 =	sld [smem:$0x3FFD];
	_ =	sdelay $0x3  }
0x96: {  	_ =	strace s3  }
0x97: {  	_ =	strace $0x8FFFFFFF  }
0x98: {  	s19 =	sld [smem:$0x3FDB];
	_ =	sdelay $0x1  }
0x99: {  	s4 =	simm.s32 $_scs_section_size  }
0x9a: {  	s5 =	simm.s32 $_size__tile_overlayer_lowered;
	s6 =	simm.s32 $_tile_overlayer_lowered  }
0x9b: {  	s22 =	simm.s32 $0x1BFF;
	s21 =	sshll.u32 s6, $0x1;
	s3 =	sadd.s32 s4, s19  }
0x9c: {  	s7 =	simm.s32 $0x0;
	s20 =	sshll.u32 s5, $0x1;
	s5 =	sadd.s32 s21, s3  }
0x9d: {  	[timem:s7], [sflag:s22] =	dma.local [hbm:s5], s20  }
0x9e: {  	_ =	swait.ge [sflag:s22], s20  }
0x9f: {  	s4 =	ssub.s32 $0x0, s20;
	[sflag:s22] =	ssyncset.done $0x0  }
0xa0: {  	[sflag:s22] =	ssyncadd.s32 s4;
	_ =	sdelay $0x1  }
0xa1: {  	s23 =	simm.s32 $0x1B8B  }
0xa2: {  	_ =	swait.ge [sflag:s23], $0x1  }
0xa3: {  	[sflag:s23] =	ssyncset.done $0x0  }
0xa4: {  	s25 =	simm.s32 $0x1B8E;
	s24 =	sld [smem:$0x3FFE];
	[sflag:s23] =	ssyncadd.s32 $0xFFFFFFFF  }
0xa5: {  	s26 =	simm.s32 $execute0_lowered;
	[smem:$0x3FD2] =	sst s25  }
0xa6: {  	s5 =	sshll.u32 s26, $0x1;
	_ =	strace $0x8000004F;
	[dreg:$0x1] =	wrdreg $0xFFFFFFFF  }
0xa7: {  	s28 =	simm.s32 $_size_execute0_lowered;
	s3 =	sadd.s32 s3, s5;
	[dreg:$0x0] =	wrdreg $0x0  }
0xa8: {  	s5 =	sshll.u32 s28, $0x1;
	[dreg:$0x2] =	wrdreg s3  }
0xa9: {  	[dreg:$0x3] =	wrdreg s5  }
0xaa: {  	[dreg:$0x4] =	wrdreg $0xC0  }
0xab: {  	_ =	task [dreg:s7], $0x5FFFF  }
0xac: {  	[dreg:$0x1] =	wrdreg $0xFFFFFFFF  }
0xad: {  	[dreg:$0x0] =	wrdreg $0x60  }
0xae: {  	[dreg:$0x2] =	wrdreg s24  }
0xaf: {  	[dreg:$0x3] =	wrdreg s2  }
0xb0: {  	[dreg:$0x4] =	wrdreg $0x9  }
0xb1: {  	_ =	task.clear_ibuf [dreg:s7], $0x5FFFF;
	_ =	strace $0x9000004F  }
0xb2: {  	s29 =	simm.s32 $0x9;
	_ =	strace $0x80000051  }
0xb3: {  	_ =	swait.ge [sflag:s29], $0x1  }
0xb4: {  	[sflag:s29] =	ssyncadd.s32 $0xFFFFFFFF  }
0xb5: {  	_ =	strace $0x90000051  }
0xb6: {  	_ =	sfence  }
0xb7: {  	s30 =	sld [smem:$0x0];
	_ =	sdelay $0x2  }
0xb8: {  	s31 =	sshll.u32 s1, $0xD;
	s1 =	sshrl.u32 s1, $0x2  }
0xb9: {  	s3 =	sand.u32 $0x4000, s31;
	s1 =	sadd.s32 s1, s30  }
0xba: {  	s0 =	sor.u32 s3, s0;
	s1 =	sshll.u32 s1, $0x11  }
0xbb: {  	s0 =	sor.u32 s1, s0  }
0xbc: {  	s0 =	sadd.s32 $0x8F2B, s0  }
0xbd: {  	[sflag:s0] =	ssyncadd.remote.s32 $0x1  }
0xbe: {  	_ =	sfence.sel $0xFFFF  }
0xbf: {  	[dreg:$0x0] =	wrdreg $0xFFFFFFFF;
	(pc) =	sbr.abs _section_cstart, $3  }
0xc0: {  	[dreg:$0x1] =	wrdreg $0xFFFFFFFF  }
0xc1: {  	_ =	task.clear_ibuf [dreg:s7], $0x2FFFF;
	_ =	strace $0x9FFFFFFF  }
0xc2: {  	(tm) =	ssettm $0x7FFFFFFF  }
0xc3: {  	_ =	shalt  }
tec
execute0_lowered:
.L_overlay_start_1:
0x0: {  	(tag) =	ssettag $0x1  }
0x1: {  	s9 =	rddreg [dreg:$0x0]  }
0x2: {  	s4 =	rddreg [dreg:$0x1]  }
0x3: {  	s0 =	rddreg [dreg:$0x2];
	s3 =	srdreg.scid;
	s2 =	simm.s32 $0x0  }
0x4: {  	s1 =	stileid.u32;
	s6 =	sand.u32 $0x1, s3;
	[smem:$0x7FF] =	sst s2  }
0x5: {  	s30 =	sshll.u32 s1, $0x6;
	s3 =	sadd.s32 $0xF3000, s9;
	s5 =	sshll.u32 s6, $0xA  }
0x6: {  	s8 =	sshll.u32 s1, $0xE;
	_ =	strace $0x80000050;
	s7 =	sor.u32 s30, s5  }
0x7: {  	s11 =	ssub.s32 $0x2, s6;
	s6 =	simm.s32 $0x40;
	s7 =	sshrl.u32 s7, $0x3  }
0x8: {  	s8 =	sor.u32 s5, s8;
	s5 =	sadd.s32 s4, s7;
	s4 =	simm.s32 $0x2  }
0x9: {  	[tilespmem:s2], [sflag:$0x2] =	stream.linear.gather [hbm4b:s5+s2], $0x40, $0x38;
	[tilespmem:$0x2080] =	vst v63  }
0xa: {  	s12 =	sshrl.u32 s11, $0x1;
	s10 =	sshrl.u32 s8, $0x3;
	_ =	swait.ge [sflag:s4], $0x40  }
0xb: {  	s8 =	simm.s32 $0x1;
	s31 =	ssub.s32 s11, s12;
	[sflag:s4] =	ssyncset.done $0x0  }
0xc: {  	s7 =	simm.s32 $0x80;
	s12 =	smax.u32 s31, $0x1;
	[sflag:s4] =	ssyncadd.s32 $0xFFFFFFC0  }
0xd: {  	[tilespmem:s7], [sflag:$0x1] =	stream.indirect.gather [hbm4b:s3+s6], $0x80, s2, s6, $0xb8;
	[tilespmem:$0x2080] =	vst v63  }
0xe: {  	s11 =	simm.s32 $0x800;
	p0 =	sne.s32 s12, $0x1;
	_ =	swait.ge [sflag:s8], $0x2000  }
.Ltmp0:
0xf: {  	s9 =	sadd.s32 s10, s9;
	[sflag:s8] =	ssyncset.done $0x0;
	(pc) =	sbr.rel @!p0 .LBB2_2-.Ltmp0, $4  }
0x10: {  	s10 =	simm.s32 $0x400;
	s9 =	sadd.s32 $0x7200, s9;
	[sflag:s8] =	ssyncadd.s32 $0xFFFFE000  }
0x11: {  	[hbm4b:s9+s10] =	stream.strided.scatter [tilespmem:s7], [sflag:$0x2], $0x2000, s11, s10, $0x38;
	[tilespmem:$0x2080] =	vst v63  }
0x12: {  	_ =	swait.ge [sflag:s4], $0x2000  }
0x13: {  	s12 =	sadd.s32 $0xFFFFFFFF, s12;
	[sflag:s4] =	ssyncset.done $0x0  }
.LBB2_1:
0x14: {  	p0 =	sne.s32 s12, $0x1;
	s12 =	sadd.s32 $0xFFFFFFFF, s12;
	[sflag:s4] =	ssyncadd.s32 $0xFFFFE000  }
0x15: {  	[tilespmem:s2], [sflag:$0x2] =	stream.linear.gather [hbm4b:s5+s2], $0x40, $0x38;
	[tilespmem:$0x2080] =	vst v63  }
0x16: {  	_ =	swait.ge [sflag:s4], $0x40  }
0x17: {  	[sflag:s4] =	ssyncset.done $0x0  }
0x18: {  	[sflag:s4] =	ssyncadd.s32 $0xFFFFFFC0  }
0x19: {  	[tilespmem:s7], [sflag:$0x1] =	stream.indirect.gather [hbm4b:s3+s6], $0x80, s2, s6, $0xb8;
	[tilespmem:$0x2080] =	vst v63  }
0x1a: {  	_ =	swait.ge [sflag:s8], $0x2000  }
.Ltmp1:
0x1b: {  	[sflag:s8] =	ssyncset.done $0x0;
	(pc) =	sbr.rel @p0 .LBB2_1-.Ltmp1, $4  }
0x1c: {  	[sflag:s8] =	ssyncadd.s32 $0xFFFFE000  }
0x1d: {  	[hbm4b:s9+s10] =	stream.strided.scatter [tilespmem:s7], [sflag:$0x2], $0x2000, s11, s10, $0x38;
	[tilespmem:$0x2080] =	vst v63  }
0x1e: {  	_ =	swait.ge [sflag:s4], $0x2000  }
0x1f: {  	[sflag:s4] =	ssyncset.done $0x0  }
.LBB2_2:
0x20: {  	[sflag:s4] =	ssyncadd.s32 $0xFFFFE000  }
0x21: {  	_ =	sfence.sel $0x180000  }
0x22: {  	[bflag:$0x0] =	sbarrier.arrive $0xFFFF  }
0x23: {  	p0 =	sne.s32 s1, $0x0;
	_ =	strace $0x90000050  }
0x24: {  	s0 =	sadd.s32 @!p0 $0x100000, s0;
	[bflag:$0x2] =	sbarrier.arrive $0xFFFF  }
0x25: {  	[sflag:s0] =	ssyncadd.tile.s32 @!p0 $0x1;
	_ =	shalt  }
.Lfunc_end2:
_tile_overlayer_lowered:
.L_overlay_start_2:
0x26: {  	(tag) =	ssettag $0x2  }
0x27: {  	s0 =	rddreg [dreg:$0x0];
	s2 =	stileid.u32  }
0x28: {  	s1 =	rddreg [dreg:$0x1];
	p0 =	sne.s32 s2, $0x0  }
0x29: {  	s3 =	rddreg [dreg:$0x2];
	[bflag:$0x3] =	sbarrier.arrive $0xFFFF;
	s2 =	simm.s32 @!p0 $0x1C02  }
0x2a: {  	[timem:s3], [sflag:s2] =	dma.local @!p0 [hbm:s0], s1  }
0x2b: {  	s0 =	simm.s32 @!p0 $0x2  }
0x2c: {  	_ =	swait.ge @!p0 [sflag:s0], s1  }
0x2d: {  	s1 =	ssub.s32 @!p0 $0x0, s1;
	[sflag:s0] =	ssyncset.done @!p0 $0x0  }
0x2e: {  	[sflag:s0] =	ssyncadd.s32 @!p0 s1  }
0x2f: {  	[bflag:$0x3] =	sbarrier.arrive $0xFFFF  }
0x30: {  	_ =	shalt  }

</sc_bundles>
